<compile_context>
chip_gen: v7x
topology: tpu7x:2x2x1
jax: 0.10.2.dev20260603
libtpu: 0.0.44.dev20260713+nightly
codegen_flags: <defaults>
</compile_context>

<pallas_src>
import functools

import jax
import jax.numpy as jnp
from jax import lax
from jax.experimental import pallas as pl
from jax.experimental.pallas import tpu as pltpu
from jax.experimental.pallas import tpu_sc as plsc

_B = 16384
_D = 64
_NC = 2
_NS = 16
_NW = _NC * _NS
_BPW = _B // _NW
_L = 16


def _tt_kernel(user_idx, item_idx, ut, it, out_hbm,
               uidx_v, iidx_v, gu_v, gi_v, out_v, sem_u, sem_i):
    wid = lax.axis_index("s") * _NC + lax.axis_index("c")
    lane_iota = lax.iota(jnp.int32, _L)
    pltpu.sync_copy(user_idx.at[pl.ds(wid * _BPW, _BPW)], uidx_v)
    pltpu.sync_copy(item_idx.at[pl.ds(wid * _BPW, _BPW)], iidx_v)

    def chunk(h, carry):
        uvec = uidx_v[pl.ds(h * _L, _L)]
        ivec = iidx_v[pl.ds(h * _L, _L)]
        ug = (uvec >> 3) << 3
        ig = (ivec >> 3) << 3
        ur = uvec & 7
        ir = ivec & 7

        copies = []
        urs, irs = [], []
        for j in range(_L):
            sel = lane_iota == j
            sug = pl.multiple_of(jnp.sum(jnp.where(sel, ug, 0)), 8)
            sig = pl.multiple_of(jnp.sum(jnp.where(sel, ig, 0)), 8)
            urs.append(jnp.sum(jnp.where(sel, ur, 0)))
            irs.append(jnp.sum(jnp.where(sel, ir, 0)))
            copies.append(pltpu.async_copy(
                ut.at[pl.ds(sug, 8), :], gu_v.at[j], sem_u))
            copies.append(pltpu.async_copy(
                it.at[pl.ds(sig, 8), :], gi_v.at[j], sem_i))
        for c in copies:
            c.wait()

        acc = jnp.zeros((_L,), jnp.float32)
        for j in range(_L):
            su, si = urs[j], irs[j]
            pu = (gu_v[j, su, pl.ds(0, _L)] * gi_v[j, si, pl.ds(0, _L)]
                  + gu_v[j, su, pl.ds(_L, _L)] * gi_v[j, si, pl.ds(_L, _L)]
                  + gu_v[j, su, pl.ds(2 * _L, _L)]
                  * gi_v[j, si, pl.ds(2 * _L, _L)]
                  + gu_v[j, su, pl.ds(3 * _L, _L)]
                  * gi_v[j, si, pl.ds(3 * _L, _L)])
            acc = jnp.where(lane_iota == j, jnp.sum(pu), acc)
        out_v[pl.ds(h * _L, _L)] = acc
        return carry

    lax.fori_loop(0, _BPW // _L, chunk, 0)

    pltpu.sync_copy(out_v, out_hbm.at[pl.ds(wid * _BPW, _BPW)])


@jax.jit
def kernel(user_idx, item_idx, user_table, item_table):
    mesh = plsc.VectorSubcoreMesh(core_axis_name="c", subcore_axis_name="s")
    f = functools.partial(
        pl.kernel,
        out_type=jax.ShapeDtypeStruct((_B,), jnp.float32),
        mesh=mesh,
        compiler_params=pltpu.CompilerParams(needs_layout_passes=False),
        scratch_types=[
            pltpu.VMEM((_BPW,), jnp.int32),
            pltpu.VMEM((_BPW,), jnp.int32),
            pltpu.VMEM((_L, 8, _D), jnp.float32),
            pltpu.VMEM((_L, 8, _D), jnp.float32),
            pltpu.VMEM((_BPW,), jnp.float32),
            pltpu.SemaphoreType.DMA,
            pltpu.SemaphoreType.DMA,
        ],
    )(_tt_kernel)
    return f(user_idx.astype(jnp.int32), item_idx.astype(jnp.int32),
             user_table, item_table)

# --- scband reference (transcript-rebuilt; emitter-appended) ---
"""Pipeline reference for scband-two-tower-16140487098999 (READ-ONLY COPY).

The authoritative reference and input builder live on the scoring server;
editing this copy changes nothing except your own understanding.
"""

import jax, jax.numpy as jnp
import numpy as np

NUM_USERS = 1000000
NUM_ITEMS = 1000000
DIM = 64
BATCH = 16384


def setup_inputs(seed: int = 0) -> dict:
    key = jax.random.key(seed)
    k_u, k_i, k_uw, k_iw = jax.random.split(key, 4)
    user_idx = jax.random.randint(k_u, (BATCH,), 0, NUM_USERS, dtype=jnp.int64 if jax.config.jax_enable_x64 else jnp.int32)
    item_idx = jax.random.randint(k_i, (BATCH,), 0, NUM_ITEMS, dtype=jnp.int64 if jax.config.jax_enable_x64 else jnp.int32)
    user_table = jax.random.normal(k_uw, (NUM_USERS, DIM), dtype=jnp.float32) * 0.02
    item_table = jax.random.normal(k_iw, (NUM_ITEMS, DIM), dtype=jnp.float32) * 0.02
    return {"user_idx": user_idx, "item_idx": item_idx, "user_table": user_table, "item_table": item_table}


def reference(user_idx, item_idx, user_table, item_table):
    # embedding lookups (gather)
    u = jnp.take(user_table, user_idx, axis=0)  # [B, DIM]
    v = jnp.take(item_table, item_idx, axis=0)  # [B, DIM]
    # dot product per row
    return (u * v).sum(axis=-1)  # [B]

if __name__ == "__main__":
    import jax
    _d = setup_inputs()
    print(jax.jit(kernel)(*tuple(_d.values())))

</pallas_src>

<mosaic_0001>
#map = affine_map<(d0, d1) -> (0)>
#map1 = affine_map<(d0, d1) -> (0, 0)>
module attributes {stable_mosaic.version = 14 : i64} {
  func.func @_tt_kernel(%arg0: i32, %arg1: i32, %arg2: memref<16384xi32, #tpu.memory_space<hbm>>, %arg3: memref<16384xi32, #tpu.memory_space<hbm>>, %arg4: memref<1000000x64xf32, #tpu.memory_space<hbm>>, %arg5: memref<1000000x64xf32, #tpu.memory_space<hbm>>, %arg6: memref<16384xf32, #tpu.memory_space<hbm>>, %arg7: memref<512xi32, #tpu.memory_space<vmem>>, %arg8: memref<512xi32, #tpu.memory_space<vmem>>, %arg9: memref<16x8x64xf32, #tpu.memory_space<vmem>>, %arg10: memref<16x8x64xf32, #tpu.memory_space<vmem>>, %arg11: memref<512xf32, #tpu.memory_space<vmem>>, %arg12: memref<!tpu.dma_semaphore, #tpu.memory_space<semaphore_mem>>, %arg13: memref<!tpu.dma_semaphore, #tpu.memory_space<semaphore_mem>>) attributes {dimension_semantics = [#tpu.dimension_semantics<core_parallel>, #tpu.dimension_semantics<subcore_parallel>], iteration_bounds = array<i64: 2, 16>, scalar_prefetch = 0 : i64, scratch_operands = 7 : i64, tpu.core_type = #tpu.core_type<sc_vector_subcore>, window_params = [{transform_indices = #map}, {transform_indices = #map}, {transform_indices = #map1}, {transform_indices = #map1}, {transform_indices = #map}]} {
    %mul3A = arith.constant 2 : i32
    %mul3A_0 = arith.muli %arg1, %mul3A : i32
    %add3A = arith.addi %mul3A_0, %arg0 : i32
    %iota3A = tpu.iota {dimensions = array<i32: 0>} : vector<16xi32>
    %mul3A_1 = arith.constant 512 : i32
    %mul3A_2 = arith.muli %add3A, %mul3A_1 : i32
    "tpu.region"() ({
      %run_scoped3A = tpu.sem_alloc : memref<!tpu.dma_semaphore, #tpu.memory_space<semaphore_mem>>
      %dma_start3A = tpu.memref_slice %arg2[%mul3A_2] : memref<16384xi32, #tpu.memory_space<hbm>> -> memref<512xi32, #tpu.memory_space<hbm>>
      %dma_start3A_12 = tpu.memref_slice %arg2[%mul3A_2] : memref<16384xi32, #tpu.memory_space<hbm>> -> memref<512xi32, #tpu.memory_space<hbm>>
      tpu.enqueue_dma source(%dma_start3A_12 : memref<512xi32, #tpu.memory_space<hbm>>) target(%arg7 : memref<512xi32, #tpu.memory_space<vmem>>) target_semaphore(%run_scoped3A : memref<!tpu.dma_semaphore, #tpu.memory_space<semaphore_mem>>)
      %dma_wait3A = tpu.memref_slice %arg2[%mul3A_2] : memref<16384xi32, #tpu.memory_space<hbm>> -> memref<512xi32, #tpu.memory_space<hbm>>
      %dma_wait3A_13 = tpu.memref_slice %arg2[%mul3A_2] : memref<16384xi32, #tpu.memory_space<hbm>> -> memref<512xi32, #tpu.memory_space<hbm>>
      tpu.wait_dma2 semaphore(%run_scoped3A : memref<!tpu.dma_semaphore, #tpu.memory_space<semaphore_mem>>) src(%dma_wait3A_13 : memref<512xi32, #tpu.memory_space<hbm>>) dst(%arg7 : memref<512xi32, #tpu.memory_space<vmem>>)
      tpu.yield
    }) : () -> ()
    %mul3A_3 = arith.constant 512 : i32
    %mul3A_4 = arith.muli %add3A, %mul3A_3 : i32
    "tpu.region"() ({
      %run_scoped3A = tpu.sem_alloc : memref<!tpu.dma_semaphore, #tpu.memory_space<semaphore_mem>>
      %dma_start3A = tpu.memref_slice %arg3[%mul3A_4] : memref<16384xi32, #tpu.memory_space<hbm>> -> memref<512xi32, #tpu.memory_space<hbm>>
      %dma_start3A_12 = tpu.memref_slice %arg3[%mul3A_4] : memref<16384xi32, #tpu.memory_space<hbm>> -> memref<512xi32, #tpu.memory_space<hbm>>
      tpu.enqueue_dma source(%dma_start3A_12 : memref<512xi32, #tpu.memory_space<hbm>>) target(%arg8 : memref<512xi32, #tpu.memory_space<vmem>>) target_semaphore(%run_scoped3A : memref<!tpu.dma_semaphore, #tpu.memory_space<semaphore_mem>>)
      %dma_wait3A = tpu.memref_slice %arg3[%mul3A_4] : memref<16384xi32, #tpu.memory_space<hbm>> -> memref<512xi32, #tpu.memory_space<hbm>>
      %dma_wait3A_13 = tpu.memref_slice %arg3[%mul3A_4] : memref<16384xi32, #tpu.memory_space<hbm>> -> memref<512xi32, #tpu.memory_space<hbm>>
      tpu.wait_dma2 semaphore(%run_scoped3A : memref<!tpu.dma_semaphore, #tpu.memory_space<semaphore_mem>>) src(%dma_wait3A_13 : memref<512xi32, #tpu.memory_space<hbm>>) dst(%arg8 : memref<512xi32, #tpu.memory_space<vmem>>)
      tpu.yield
    }) : () -> ()
    %scan3A = arith.constant 0 : i32
    %scan3A_5 = arith.constant 0 : i32
    %scan3A_6 = arith.constant 32 : i32
    %scan3A_7 = arith.addi %scan3A_5, %scan3A_6 : i32
    %scan3A_8 = arith.constant 1 : i32
    scf.for %scan3A_12 = %scan3A_5 to %scan3A_7 step %scan3A_8  : i32 {
      %mul3A_13 = arith.constant 16 : i32
      %mul3A_14 = arith.muli %scan3A_12, %mul3A_13 : i32
      %get3A = arith.index_cast %mul3A_14 : i32 to index
      %get3A_15 = tpu.vector_load %arg7[%get3A] {strides = array<i32>} : memref<512xi32, #tpu.memory_space<vmem>>, vector<16xi32>,
      %mul3A_16 = arith.constant 16 : i32
      %mul3A_17 = arith.muli %scan3A_12, %mul3A_16 : i32
      %get3A_18 = arith.index_cast %mul3A_17 : i32 to index
      %get3A_19 = tpu.vector_load %arg8[%get3A_18] {strides = array<i32>} : memref<512xi32, #tpu.memory_space<vmem>>, vector<16xi32>,
      %shift_right_arithmetic3A = arith.constant 3 : i32
      %shift_right_arithmetic3A_20 = vector.broadcast %shift_right_arithmetic3A : i32 to vector<16xi32>
      %shift_right_arithmetic3A_21 = arith.shrsi %get3A_15, %shift_right_arithmetic3A_20 : vector<16xi32>
      %shift_left3A = arith.constant 3 : i32
      %shift_left3A_22 = vector.broadcast %shift_left3A : i32 to vector<16xi32>
      %shift_left3A_23 = arith.shli %shift_right_arithmetic3A_21, %shift_left3A_22 : vector<16xi32>
      %shift_right_arithmetic3A_24 = arith.constant 3 : i32
      %shift_right_arithmetic3A_25 = vector.broadcast %shift_right_arithmetic3A_24 : i32 to vector<16xi32>
      %shift_right_arithmetic3A_26 = arith.shrsi %get3A_19, %shift_right_arithmetic3A_25 : vector<16xi32>
      %shift_left3A_27 = arith.constant 3 : i32
      %shift_left3A_28 = vector.broadcast %shift_left3A_27 : i32 to vector<16xi32>
      %shift_left3A_29 = arith.shli %shift_right_arithmetic3A_26, %shift_left3A_28 : vector<16xi32>
      %and3A = arith.constant 7 : i32
      %and3A_30 = vector.broadcast %and3A : i32 to vector<16xi32>
      %and3A_31 = arith.andi %get3A_15, %and3A_30 : vector<16xi32>
      %and3A_32 = arith.constant 7 : i32
      %and3A_33 = vector.broadcast %and3A_32 : i32 to vector<16xi32>
      %and3A_34 = arith.andi %get3A_19, %and3A_33 : vector<16xi32>
      %eq3A = arith.constant 0 : i32
      %eq3A_35 = vector.broadcast %eq3A : i32 to vector<16xi32>
      %eq3A_36 = arith.cmpi eq, %iota3A, %eq3A_35 : vector<16xi32>
      %jit3A = arith.constant 0 : i32
      %broadcast_in_dim3A = vector.broadcast %jit3A : i32 to vector<16xi32>
      %select_n3A = arith.select %eq3A_36, %shift_left3A_23, %broadcast_in_dim3A : vector<16xi1>, vector<16xi32>
      %reduce_sum3A = arith.constant true
      %reduce_sum3A_37 = vector.broadcast %reduce_sum3A : i1 to vector<16xi1>
      %reduce_sum3A_38 = tpu.scan <sum>, %select_n3A masked %reduce_sum3A_37 : vector<16xi32>, vector<16xi1> -> vector<16xi32>
      %reduce_sum3A_39 = vector.extract %reduce_sum3A_38[15] : i32 from vector<16xi32>
      %multiple_of3A = tpu.assume_multiple %reduce_sum3A_39, 8 : i32
      %jit3A_40 = arith.constant 0 : i32
      %broadcast_in_dim3A_41 = vector.broadcast %jit3A_40 : i32 to vector<16xi32>
      %select_n3A_42 = arith.select %eq3A_36, %shift_left3A_29, %broadcast_in_dim3A_41 : vector<16xi1>, vector<16xi32>
      %reduce_sum3A_43 = arith.constant true
      %reduce_sum3A_44 = vector.broadcast %reduce_sum3A_43 : i1 to vector<16xi1>
      %reduce_sum3A_45 = tpu.scan <sum>, %select_n3A_42 masked %reduce_sum3A_44 : vector<16xi32>, vector<16xi1> -> vector<16xi32>
      %reduce_sum3A_46 = vector.extract %reduce_sum3A_45[15] : i32 from vector<16xi32>
      %multiple_of3A_47 = tpu.assume_multiple %reduce_sum3A_46, 8 : i32
      %jit3A_48 = arith.constant 0 : i32
      %broadcast_in_dim3A_49 = vector.broadcast %jit3A_48 : i32 to vector<16xi32>
      %select_n3A_50 = arith.select %eq3A_36, %and3A_31, %broadcast_in_dim3A_49 : vector<16xi1>, vector<16xi32>
      %reduce_sum3A_51 = arith.constant true
      %reduce_sum3A_52 = vector.broadcast %reduce_sum3A_51 : i1 to vector<16xi1>
      %reduce_sum3A_53 = tpu.scan <sum>, %select_n3A_50 masked %reduce_sum3A_52 : vector<16xi32>, vector<16xi1> -> vector<16xi32>
      %reduce_sum3A_54 = vector.extract %reduce_sum3A_53[15] : i32 from vector<16xi32>
      %jit3A_55 = arith.constant 0 : i32
      %broadcast_in_dim3A_56 = vector.broadcast %jit3A_55 : i32 to vector<16xi32>
      %select_n3A_57 = arith.select %eq3A_36, %and3A_34, %broadcast_in_dim3A_56 : vector<16xi1>, vector<16xi32>
      %reduce_sum3A_58 = arith.constant true
      %reduce_sum3A_59 = vector.broadcast %reduce_sum3A_58 : i1 to vector<16xi1>
      %reduce_sum3A_60 = tpu.scan <sum>, %select_n3A_57 masked %reduce_sum3A_59 : vector<16xi32>, vector<16xi1> -> vector<16xi32>
      %reduce_sum3A_61 = vector.extract %reduce_sum3A_60[15] : i32 from vector<16xi32>
      %dma_start3A = arith.constant 0 : i32
      %dma_start3A_62 = arith.constant 0 : i32
      %dma_start3A_63 = arith.constant 0 : i32
      %dma_start3A_64 = tpu.memref_slice %arg9[%dma_start3A, %dma_start3A_62, %dma_start3A_63] : memref<16x8x64xf32, #tpu.memory_space<vmem>> -> memref<1x8x64xf32, #tpu.memory_space<vmem>>
      %dma_start3A_65 = tpu.memref_squeeze %dma_start3A_64 : memref<1x8x64xf32, #tpu.memory_space<vmem>> -> memref<8x64xf32, #tpu.memory_space<vmem>>
      %dma_start3A_66 = arith.constant 0 : i32
      %dma_start3A_67 = tpu.memref_slice %arg4[%multiple_of3A, %dma_start3A_66] : memref<1000000x64xf32, #tpu.memory_space<hbm>> -> memref<8x64xf32, #tpu.memory_space<hbm>>
      %dma_start3A_68 = arith.constant 0 : i32
      %dma_start3A_69 = arith.constant 0 : i32
      %dma_start3A_70 = tpu.memref_slice %arg9[%dma_start3A, %dma_start3A_68, %dma_start3A_69] : memref<16x8x64xf32, #tpu.memory_space<vmem>> -> memref<1x8x64xf32, #tpu.memory_space<vmem>>
      %dma_start3A_71 = tpu.memref_squeeze %dma_start3A_70 : memref<1x8x64xf32, #tpu.memory_space<vmem>> -> memref<8x64xf32, #tpu.memory_space<vmem>>
      %dma_start3A_72 = arith.constant 0 : i32
      %dma_start3A_73 = tpu.memref_slice %arg4[%multiple_of3A, %dma_start3A_72] : memref<1000000x64xf32, #tpu.memory_space<hbm>> -> memref<8x64xf32, #tpu.memory_space<hbm>>
      tpu.enqueue_dma source(%dma_start3A_73 : memref<8x64xf32, #tpu.memory_space<hbm>>) target(%dma_start3A_71 : memref<8x64xf32, #tpu.memory_space<vmem>>) target_semaphore(%arg12 : memref<!tpu.dma_semaphore, #tpu.memory_space<semaphore_mem>>)
      %dma_start3A_74 = arith.constant 0 : i32
      %dma_start3A_75 = arith.constant 0 : i32
      %dma_start3A_76 = arith.constant 0 : i32
      %dma_start3A_77 = tpu.memref_slice %arg10[%dma_start3A_74, %dma_start3A_75, %dma_start3A_76] : memref<16x8x64xf32, #tpu.memory_space<vmem>> -> memref<1x8x64xf32, #tpu.memory_space<vmem>>
      %dma_start3A_78 = tpu.memref_squeeze %dma_start3A_77 : memref<1x8x64xf32, #tpu.memory_space<vmem>> -> memref<8x64xf32, #tpu.memory_space<vmem>>
      %dma_start3A_79 = arith.constant 0 : i32
      %dma_start3A_80 = tpu.memref_slice %arg5[%multiple_of3A_47, %dma_start3A_79] : memref<1000000x64xf32, #tpu.memory_space<hbm>> -> memref<8x64xf32, #tpu.memory_space<hbm>>
      %dma_start3A_81 = arith.constant 0 : i32
      %dma_start3A_82 = arith.constant 0 : i32
      %dma_start3A_83 = tpu.memref_slice %arg10[%dma_start3A_74, %dma_start3A_81, %dma_start3A_82] : memref<16x8x64xf32, #tpu.memory_space<vmem>> -> memref<1x8x64xf32, #tpu.memory_space<vmem>>
      %dma_start3A_84 = tpu.memref_squeeze %dma_start3A_83 : memref<1x8x64xf32, #tpu.memory_space<vmem>> -> memref<8x64xf32, #tpu.memory_space<vmem>>
      %dma_start3A_85 = arith.constant 0 : i32
      %dma_start3A_86 = tpu.memref_slice %arg5[%multiple_of3A_47, %dma_start3A_85] : memref<1000000x64xf32, #tpu.memory_space<hbm>> -> memref<8x64xf32, #tpu.memory_space<hbm>>
      tpu.enqueue_dma source(%dma_start3A_86 : memref<8x64xf32, #tpu.memory_space<hbm>>) target(%dma_start3A_84 : memref<8x64xf32, #tpu.memory_space<vmem>>) target_semaphore(%arg13 : memref<!tpu.dma_semaphore, #tpu.memory_space<semaphore_mem>>)
      %eq3A_87 = arith.constant 1 : i32
      %eq3A_88 = vector.broadcast %eq3A_87 : i32 to vector<16xi32>
      %eq3A_89 = arith.cmpi eq, %iota3A, %eq3A_88 : vector<16xi32>
      %jit3A_90 = arith.constant 0 : i32
      %broadcast_in_dim3A_91 = vector.broadcast %jit3A_90 : i32 to vector<16xi32>
      %select_n3A_92 = arith.select %eq3A_89, %shift_left3A_23, %broadcast_in_dim3A_91 : vector<16xi1>, vector<16xi32>
      %reduce_sum3A_93 = arith.constant true
      %reduce_sum3A_94 = vector.broadcast %reduce_sum3A_93 : i1 to vector<16xi1>
      %reduce_sum3A_95 = tpu.scan <sum>, %select_n3A_92 masked %reduce_sum3A_94 : vector<16xi32>, vector<16xi1> -> vector<16xi32>
      %reduce_sum3A_96 = vector.extract %reduce_sum3A_95[15] : i32 from vector<16xi32>
      %multiple_of3A_97 = tpu.assume_multiple %reduce_sum3A_96, 8 : i32
      %jit3A_98 = arith.constant 0 : i32
      %broadcast_in_dim3A_99 = vector.broadcast %jit3A_98 : i32 to vector<16xi32>
      %select_n3A_100 = arith.select %eq3A_89, %shift_left3A_29, %broadcast_in_dim3A_99 : vector<16xi1>, vector<16xi32>
      %reduce_sum3A_101 = arith.constant true
      %reduce_sum3A_102 = vector.broadcast %reduce_sum3A_101 : i1 to vector<16xi1>
      %reduce_sum3A_103 = tpu.scan <sum>, %select_n3A_100 masked %reduce_sum3A_102 : vector<16xi32>, vector<16xi1> -> vector<16xi32>
      %reduce_sum3A_104 = vector.extract %reduce_sum3A_103[15] : i32 from vector<16xi32>
      %multiple_of3A_105 = tpu.assume_multiple %reduce_sum3A_104, 8 : i32
      %jit3A_106 = arith.constant 0 : i32
      %broadcast_in_dim3A_107 = vector.broadcast %jit3A_106 : i32 to vector<16xi32>
      %select_n3A_108 = arith.select %eq3A_89, %and3A_31, %broadcast_in_dim3A_107 : vector<16xi1>, vector<16xi32>
      %reduce_sum3A_109 = arith.constant true
      %reduce_sum3A_110 = vector.broadcast %reduce_sum3A_109 : i1 to vector<16xi1>
      %reduce_sum3A_111 = tpu.scan <sum>, %select_n3A_108 masked %reduce_sum3A_110 : vector<16xi32>, vector<16xi1> -> vector<16xi32>
      %reduce_sum3A_112 = vector.extract %reduce_sum3A_111[15] : i32 from vector<16xi32>
      %jit3A_113 = arith.constant 0 : i32
      %broadcast_in_dim3A_114 = vector.broadcast %jit3A_113 : i32 to vector<16xi32>
      %select_n3A_115 = arith.select %eq3A_89, %and3A_34, %broadcast_in_dim3A_114 : vector<16xi1>, vector<16xi32>
      %reduce_sum3A_116 = arith.constant true
      %reduce_sum3A_117 = vector.broadcast %reduce_sum3A_116 : i1 to vector<16xi1>
      %reduce_sum3A_118 = tpu.scan <sum>, %select_n3A_115 masked %reduce_sum3A_117 : vector<16xi32>, vector<16xi1> -> vector<16xi32>
      %reduce_sum3A_119 = vector.extract %reduce_sum3A_118[15] : i32 from vector<16xi32>
      %dma_start3A_120 = arith.constant 1 : i32
      %dma_start3A_121 = arith.constant 0 : i32
      %dma_start3A_122 = arith.constant 0 : i32
      %dma_start3A_123 = tpu.memref_slice %arg9[%dma_start3A_120, %dma_start3A_121, %dma_start3A_122] : memref<16x8x64xf32, #tpu.memory_space<vmem>> -> memref<1x8x64xf32, #tpu.memory_space<vmem>>
      %dma_start3A_124 = tpu.memref_squeeze %dma_start3A_123 : memref<1x8x64xf32, #tpu.memory_space<vmem>> -> memref<8x64xf32, #tpu.memory_space<vmem>>
      %dma_start3A_125 = arith.constant 0 : i32
      %dma_start3A_126 = tpu.memref_slice %arg4[%multiple_of3A_97, %dma_start3A_125] : memref<1000000x64xf32, #tpu.memory_space<hbm>> -> memref<8x64xf32, #tpu.memory_space<hbm>>
      %dma_start3A_127 = arith.constant 0 : i32
      %dma_start3A_128 = arith.constant 0 : i32
      %dma_start3A_129 = tpu.memref_slice %arg9[%dma_start3A_120, %dma_start3A_127, %dma_start3A_128] : memref<16x8x64xf32, #tpu.memory_space<vmem>> -> memref<1x8x64xf32, #tpu.memory_space<vmem>>
      %dma_start3A_130 = tpu.memref_squeeze %dma_start3A_129 : memref<1x8x64xf32, #tpu.memory_space<vmem>> -> memref<8x64xf32, #tpu.memory_space<vmem>>
      %dma_start3A_131 = arith.constant 0 : i32
      %dma_start3A_132 = tpu.memref_slice %arg4[%multiple_of3A_97, %dma_start3A_131] : memref<1000000x64xf32, #tpu.memory_space<hbm>> -> memref<8x64xf32, #tpu.memory_space<hbm>>
      tpu.enqueue_dma source(%dma_start3A_132 : memref<8x64xf32, #tpu.memory_space<hbm>>) target(%dma_start3A_130 : memref<8x64xf32, #tpu.memory_space<vmem>>) target_semaphore(%arg12 : memref<!tpu.dma_semaphore, #tpu.memory_space<semaphore_mem>>)
      %dma_start3A_133 = arith.constant 1 : i32
      %dma_start3A_134 = arith.constant 0 : i32
      %dma_start3A_135 = arith.constant 0 : i32
      %dma_start3A_136 = tpu.memref_slice %arg10[%dma_start3A_133, %dma_start3A_134, %dma_start3A_135] : memref<16x8x64xf32, #tpu.memory_space<vmem>> -> memref<1x8x64xf32, #tpu.memory_space<vmem>>
      %dma_start3A_137 = tpu.memref_squeeze %dma_start3A_136 : memref<1x8x64xf32, #tpu.memory_space<vmem>> -> memref<8x64xf32, #tpu.memory_space<vmem>>
      %dma_start3A_138 = arith.constant 0 : i32
      %dma_start3A_139 = tpu.memref_slice %arg5[%multiple_of3A_105, %dma_start3A_138] : memref<1000000x64xf32, #tpu.memory_space<hbm>> -> memref<8x64xf32, #tpu.memory_space<hbm>>
      %dma_start3A_140 = arith.constant 0 : i32
      %dma_start3A_141 = arith.constant 0 : i32
      %dma_start3A_142 = tpu.memref_slice %arg10[%dma_start3A_133, %dma_start3A_140, %dma_start3A_141] : memref<16x8x64xf32, #tpu.memory_space<vmem>> -> memref<1x8x64xf32, #tpu.memory_space<vmem>>
      %dma_start3A_143 = tpu.memref_squeeze %dma_start3A_142 : memref<1x8x64xf32, #tpu.memory_space<vmem>> -> memref<8x64xf32, #tpu.memory_space<vmem>>
      %dma_start3A_144 = arith.constant 0 : i32
      %dma_start3A_145 = tpu.memref_slice %arg5[%multiple_of3A_105, %dma_start3A_144] : memref<1000000x64xf32, #tpu.memory_space<hbm>> -> memref<8x64xf32, #tpu.memory_space<hbm>>
      tpu.enqueue_dma source(%dma_start3A_145 : memref<8x64xf32, #tpu.memory_space<hbm>>) target(%dma_start3A_143 : memref<8x64xf32, #tpu.memory_space<vmem>>) target_semaphore(%arg13 : memref<!tpu.dma_semaphore, #tpu.memory_space<semaphore_mem>>)
      %eq3A_146 = arith.constant 2 : i32
      %eq3A_147 = vector.broadcast %eq3A_146 : i32 to vector<16xi32>
      %eq3A_148 = arith.cmpi eq, %iota3A, %eq3A_147 : vector<16xi32>
      %jit3A_149 = arith.constant 0 : i32
      %broadcast_in_dim3A_150 = vector.broadcast %jit3A_149 : i32 to vector<16xi32>
      %select_n3A_151 = arith.select %eq3A_148, %shift_left3A_23, %broadcast_in_dim3A_150 : vector<16xi1>, vector<16xi32>
      %reduce_sum3A_152 = arith.constant true
      %reduce_sum3A_153 = vector.broadcast %reduce_sum3A_152 : i1 to vector<16xi1>
      %reduce_sum3A_154 = tpu.scan <sum>, %select_n3A_151 masked %reduce_sum3A_153 : vector<16xi32>, vector<16xi1> -> vector<16xi32>
      %reduce_sum3A_155 = vector.extract %reduce_sum3A_154[15] : i32 from vector<16xi32>
      %multiple_of3A_156 = tpu.assume_multiple %reduce_sum3A_155, 8 : i32
      %jit3A_157 = arith.constant 0 : i32
      %broadcast_in_dim3A_158 = vector.broadcast %jit3A_157 : i32 to vector<16xi32>
      %select_n3A_159 = arith.select %eq3A_148, %shift_left3A_29, %broadcast_in_dim3A_158 : vector<16xi1>, vector<16xi32>
      %reduce_sum3A_160 = arith.constant true
      %reduce_sum3A_161 = vector.broadcast %reduce_sum3A_160 : i1 to vector<16xi1>
      %reduce_sum3A_162 = tpu.scan <sum>, %select_n3A_159 masked %reduce_sum3A_161 : vector<16xi32>, vector<16xi1> -> vector<16xi32>
      %reduce_sum3A_163 = vector.extract %reduce_sum3A_162[15] : i32 from vector<16xi32>
      %multiple_of3A_164 = tpu.assume_multiple %reduce_sum3A_163, 8 : i32
      %jit3A_165 = arith.constant 0 : i32
      %broadcast_in_dim3A_166 = vector.broadcast %jit3A_165 : i32 to vector<16xi32>
      %select_n3A_167 = arith.select %eq3A_148, %and3A_31, %broadcast_in_dim3A_166 : vector<16xi1>, vector<16xi32>
      %reduce_sum3A_168 = arith.constant true
      %reduce_sum3A_169 = vector.broadcast %reduce_sum3A_168 : i1 to vector<16xi1>
      %reduce_sum3A_170 = tpu.scan <sum>, %select_n3A_167 masked %reduce_sum3A_169 : vector<16xi32>, vector<16xi1> -> vector<16xi32>
      %reduce_sum3A_171 = vector.extract %reduce_sum3A_170[15] : i32 from vector<16xi32>
      %jit3A_172 = arith.constant 0 : i32
      %broadcast_in_dim3A_173 = vector.broadcast %jit3A_172 : i32 to vector<16xi32>
      %select_n3A_174 = arith.select %eq3A_148, %and3A_34, %broadcast_in_dim3A_173 : vector<16xi1>, vector<16xi32>
      %reduce_sum3A_175 = arith.constant true
      %reduce_sum3A_176 = vector.broadcast %reduce_sum3A_175 : i1 to vector<16xi1>
      %reduce_sum3A_177 = tpu.scan <sum>, %select_n3A_174 masked %reduce_sum3A_176 : vector<16xi32>, vector<16xi1> -> vector<16xi32>
      %reduce_sum3A_178 = vector.extract %reduce_sum3A_177[15] : i32 from vector<16xi32>
      %dma_start3A_179 = arith.constant 2 : i32
      %dma_start3A_180 = arith.constant 0 : i32
      %dma_start3A_181 = arith.constant 0 : i32
      %dma_start3A_182 = tpu.memref_slice %arg9[%dma_start3A_179, %dma_start3A_180, %dma_start3A_181] : memref<16x8x64xf32, #tpu.memory_space<vmem>> -> memref<1x8x64xf32, #tpu.memory_space<vmem>>
      %dma_start3A_183 = tpu.memref_squeeze %dma_start3A_182 : memref<1x8x64xf32, #tpu.memory_space<vmem>> -> memref<8x64xf32, #tpu.memory_space<vmem>>
      %dma_start3A_184 = arith.constant 0 : i32
      %dma_start3A_185 = tpu.memref_slice %arg4[%multiple_of3A_156, %dma_start3A_184] : memref<1000000x64xf32, #tpu.memory_space<hbm>> -> memref<8x64xf32, #tpu.memory_space<hbm>>
      %dma_start3A_186 = arith.constant 0 : i32
      %dma_start3A_187 = arith.constant 0 : i32
      %dma_start3A_188 = tpu.memref_slice %arg9[%dma_start3A_179, %dma_start3A_186, %dma_start3A_187] : memref<16x8x64xf32, #tpu.memory_space<vmem>> -> memref<1x8x64xf32, #tpu.memory_space<vmem>>
      %dma_start3A_189 = tpu.memref_squeeze %dma_start3A_188 : memref<1x8x64xf32, #tpu.memory_space<vmem>> -> memref<8x64xf32, #tpu.memory_space<vmem>>
      %dma_start3A_190 = arith.constant 0 : i32
      %dma_start3A_191 = tpu.memref_slice %arg4[%multiple_of3A_156, %dma_start3A_190] : memref<1000000x64xf32, #tpu.memory_space<hbm>> -> memref<8x64xf32, #tpu.memory_space<hbm>>
      tpu.enqueue_dma source(%dma_start3A_191 : memref<8x64xf32, #tpu.memory_space<hbm>>) target(%dma_start3A_189 : memref<8x64xf32, #tpu.memory_space<vmem>>) target_semaphore(%arg12 : memref<!tpu.dma_semaphore, #tpu.memory_space<semaphore_mem>>)
      %dma_start3A_192 = arith.constant 2 : i32
      %dma_start3A_193 = arith.constant 0 : i32
      %dma_start3A_194 = arith.constant 0 : i32
      %dma_start3A_195 = tpu.memref_slice %arg10[%dma_start3A_192, %dma_start3A_193, %dma_start3A_194] : memref<16x8x64xf32, #tpu.memory_space<vmem>> -> memref<1x8x64xf32, #tpu.memory_space<vmem>>
      %dma_start3A_196 = tpu.memref_squeeze %dma_start3A_195 : memref<1x8x64xf32, #tpu.memory_space<vmem>> -> memref<8x64xf32, #tpu.memory_space<vmem>>
      %dma_start3A_197 = arith.constant 0 : i32
      %dma_start3A_198 = tpu.memref_slice %arg5[%multiple_of3A_164, %dma_start3A_197] : memref<1000000x64xf32, #tpu.memory_space<hbm>> -> memref<8x64xf32, #tpu.memory_space<hbm>>
      %dma_start3A_199 = arith.constant 0 : i32
      %dma_start3A_200 = arith.constant 0 : i32
      %dma_start3A_201 = tpu.memref_slice %arg10[%dma_start3A_192, %dma_start3A_199, %dma_start3A_200] : memref<16x8x64xf32, #tpu.memory_space<vmem>> -> memref<1x8x64xf32, #tpu.memory_space<vmem>>
      %dma_start3A_202 = tpu.memref_squeeze %dma_start3A_201 : memref<1x8x64xf32, #tpu.memory_space<vmem>> -> memref<8x64xf32, #tpu.memory_space<vmem>>
      %dma_start3A_203 = arith.constant 0 : i32
      %dma_start3A_204 = tpu.memref_slice %arg5[%multiple_of3A_164, %dma_start3A_203] : memref<1000000x64xf32, #tpu.memory_space<hbm>> -> memref<8x64xf32, #tpu.memory_space<hbm>>
      tpu.enqueue_dma source(%dma_start3A_204 : memref<8x64xf32, #tpu.memory_space<hbm>>) target(%dma_start3A_202 : memref<8x64xf32, #tpu.memory_space<vmem>>) target_semaphore(%arg13 : memref<!tpu.dma_semaphore, #tpu.memory_space<semaphore_mem>>)
      %eq3A_205 = arith.constant 3 : i32
      %eq3A_206 = vector.broadcast %eq3A_205 : i32 to vector<16xi32>
      %eq3A_207 = arith.cmpi eq, %iota3A, %eq3A_206 : vector<16xi32>
      %jit3A_208 = arith.constant 0 : i32
      %broadcast_in_dim3A_209 = vector.broadcast %jit3A_208 : i32 to vector<16xi32>
      %select_n3A_210 = arith.select %eq3A_207, %shift_left3A_23, %broadcast_in_dim3A_209 : vector<16xi1>, vector<16xi32>
      %reduce_sum3A_211 = arith.constant true
      %reduce_sum3A_212 = vector.broadcast %reduce_sum3A_211 : i1 to vector<16xi1>
      %reduce_sum3A_213 = tpu.scan <sum>, %select_n3A_210 masked %reduce_sum3A_212 : vector<16xi32>, vector<16xi1> -> vector<16xi32>
      %reduce_sum3A_214 = vector.extract %reduce_sum3A_213[15] : i32 from vector<16xi32>
      %multiple_of3A_215 = tpu.assume_multiple %reduce_sum3A_214, 8 : i32
      %jit3A_216 = arith.constant 0 : i32
      %broadcast_in_dim3A_217 = vector.broadcast %jit3A_216 : i32 to vector<16xi32>
      %select_n3A_218 = arith.select %eq3A_207, %shift_left3A_29, %broadcast_in_dim3A_217 : vector<16xi1>, vector<16xi32>
      %reduce_sum3A_219 = arith.constant true
      %reduce_sum3A_220 = vector.broadcast %reduce_sum3A_219 : i1 to vector<16xi1>
      %reduce_sum3A_221 = tpu.scan <sum>, %select_n3A_218 masked %reduce_sum3A_220 : vector<16xi32>, vector<16xi1> -> vector<16xi32>
      %reduce_sum3A_222 = vector.extract %reduce_sum3A_221[15] : i32 from vector<16xi32>
      %multiple_of3A_223 = tpu.assume_multiple %reduce_sum3A_222, 8 : i32
      %jit3A_224 = arith.constant 0 : i32
      %broadcast_in_dim3A_225 = vector.broadcast %jit3A_224 : i32 to vector<16xi32>
      %select_n3A_226 = arith.select %eq3A_207, %and3A_31, %broadcast_in_dim3A_225 : vector<16xi1>, vector<16xi32>
      %reduce_sum3A_227 = arith.constant true
      %reduce_sum3A_228 = vector.broadcast %reduce_sum3A_227 : i1 to vector<16xi1>
      %reduce_sum3A_229 = tpu.scan <sum>, %select_n3A_226 masked %reduce_sum3A_228 : vector<16xi32>, vector<16xi1> -> vector<16xi32>
      %reduce_sum3A_230 = vector.extract %reduce_sum3A_229[15] : i32 from vector<16xi32>
      %jit3A_231 = arith.constant 0 : i32
      %broadcast_in_dim3A_232 = vector.broadcast %jit3A_231 : i32 to vector<16xi32>
      %select_n3A_233 = arith.select %eq3A_207, %and3A_34, %broadcast_in_dim3A_232 : vector<16xi1>, vector<16xi32>
      %reduce_sum3A_234 = arith.constant true
      %reduce_sum3A_235 = vector.broadcast %reduce_sum3A_234 : i1 to vector<16xi1>
      %reduce_sum3A_236 = tpu.scan <sum>, %select_n3A_233 masked %reduce_sum3A_235 : vector<16xi32>, vector<16xi1> -> vector<16xi32>
      %reduce_sum3A_237 = vector.extract %reduce_sum3A_236[15] : i32 from vector<16xi32>
      %dma_start3A_238 = arith.constant 3 : i32
      %dma_start3A_239 = arith.constant 0 : i32
      %dma_start3A_240 = arith.constant 0 : i32
      %dma_start3A_241 = tpu.memref_slice %arg9[%dma_start3A_238, %dma_start3A_239, %dma_start3A_240] : memref<16x8x64xf32, #tpu.memory_space<vmem>> -> memref<1x8x64xf32, #tpu.memory_space<vmem>>
      %dma_start3A_242 = tpu.memref_squeeze %dma_start3A_241 : memref<1x8x64xf32, #tpu.memory_space<vmem>> -> memref<8x64xf32, #tpu.memory_space<vmem>>
      %dma_start3A_243 = arith.constant 0 : i32
      %dma_start3A_244 = tpu.memref_slice %arg4[%multiple_of3A_215, %dma_start3A_243] : memref<1000000x64xf32, #tpu.memory_space<hbm>> -> memref<8x64xf32, #tpu.memory_space<hbm>>
      %dma_start3A_245 = arith.constant 0 : i32
      %dma_start3A_246 = arith.constant 0 : i32
      %dma_start3A_247 = tpu.memref_slice %arg9[%dma_start3A_238, %dma_start3A_245, %dma_start3A_246] : memref<16x8x64xf32, #tpu.memory_space<vmem>> -> memref<1x8x64xf32, #tpu.memory_space<vmem>>
      %dma_start3A_248 = tpu.memref_squeeze %dma_start3A_247 : memref<1x8x64xf32, #tpu.memory_space<vmem>> -> memref<8x64xf32, #tpu.memory_space<vmem>>
      %dma_start3A_249 = arith.constant 0 : i32
      %dma_start3A_250 = tpu.memref_slice %arg4[%multiple_of3A_215, %dma_start3A_249] : memref<1000000x64xf32, #tpu.memory_space<hbm>> -> memref<8x64xf32, #tpu.memory_space<hbm>>
      tpu.enqueue_dma source(%dma_start3A_250 : memref<8x64xf32, #tpu.memory_space<hbm>>) target(%dma_start3A_248 : memref<8x64xf32, #tpu.memory_space<vmem>>) target_semaphore(%arg12 : memref<!tpu.dma_semaphore, #tpu.memory_space<semaphore_mem>>)
      %dma_start3A_251 = arith.constant 3 : i32
      %dma_start3A_252 = arith.constant 0 : i32
      %dma_start3A_253 = arith.constant 0 : i32
      %dma_start3A_254 = tpu.memref_slice %arg10[%dma_start3A_251, %dma_start3A_252, %dma_start3A_253] : memref<16x8x64xf32, #tpu.memory_space<vmem>> -> memref<1x8x64xf32, #tpu.memory_space<vmem>>
      %dma_start3A_255 = tpu.memref_squeeze %dma_start3A_254 : memref<1x8x64xf32, #tpu.memory_space<vmem>> -> memref<8x64xf32, #tpu.memory_space<vmem>>
      %dma_start3A_256 = arith.constant 0 : i32
      %dma_start3A_257 = tpu.memref_slice %arg5[%multiple_of3A_223, %dma_start3A_256] : memref<1000000x64xf32, #tpu.memory_space<hbm>> -> memref<8x64xf32, #tpu.memory_space<hbm>>
      %dma_start3A_258 = arith.constant 0 : i32
      %dma_start3A_259 = arith.constant 0 : i32
      %dma_start3A_260 = tpu.memref_slice %arg10[%dma_start3A_251, %dma_start3A_258, %dma_start3A_259] : memref<16x8x64xf32, #tpu.memory_space<vmem>> -> memref<1x8x64xf32, #tpu.memory_space<vmem>>
      %dma_start3A_261 = tpu.memref_squeeze %dma_start3A_260 : memref<1x8x64xf32, #tpu.memory_space<vmem>> -> memref<8x64xf32, #tpu.memory_space<vmem>>
      %dma_start3A_262 = arith.constant 0 : i32
      %dma_start3A_263 = tpu.memref_slice %arg5[%multiple_of3A_223, %dma_start3A_262] : memref<1000000x64xf32, #tpu.memory_space<hbm>> -> memref<8x64xf32, #tpu.memory_space<hbm>>
      tpu.enqueue_dma source(%dma_start3A_263 : memref<8x64xf32, #tpu.memory_space<hbm>>) target(%dma_start3A_261 : memref<8x64xf32, #tpu.memory_space<vmem>>) target_semaphore(%arg13 : memref<!tpu.dma_semaphore, #tpu.memory_space<semaphore_mem>>)
      %eq3A_264 = arith.constant 4 : i32
      %eq3A_265 = vector.broadcast %eq3A_264 : i32 to vector<16xi32>
      %eq3A_266 = arith.cmpi eq, %iota3A, %eq3A_265 : vector<16xi32>
      %jit3A_267 = arith.constant 0 : i32
      %broadcast_in_dim3A_268 = vector.broadcast %jit3A_267 : i32 to vector<16xi32>
      %select_n3A_269 = arith.select %eq3A_266, %shift_left3A_23, %broadcast_in_dim3A_268 : vector<16xi1>, vector<16xi32>
      %reduce_sum3A_270 = arith.constant true
      %reduce_sum3A_271 = vector.broadcast %reduce_sum3A_270 : i1 to vector<16xi1>
      %reduce_sum3A_272 = tpu.scan <sum>, %select_n3A_269 masked %reduce_sum3A_271 : vector<16xi32>, vector<16xi1> -> vector<16xi32>
      %reduce_sum3A_273 = vector.extract %reduce_sum3A_272[15] : i32 from vector<16xi32>
      %multiple_of3A_274 = tpu.assume_multiple %reduce_sum3A_273, 8 : i32
      %jit3A_275 = arith.constant 0 : i32
      %broadcast_in_dim3A_276 = vector.broadcast %jit3A_275 : i32 to vector<16xi32>
      %select_n3A_277 = arith.select %eq3A_266, %shift_left3A_29, %broadcast_in_dim3A_276 : vector<16xi1>, vector<16xi32>
      %reduce_sum3A_278 = arith.constant true
      %reduce_sum3A_279 = vector.broadcast %reduce_sum3A_278 : i1 to vector<16xi1>
      %reduce_sum3A_280 = tpu.scan <sum>, %select_n3A_277 masked %reduce_sum3A_279 : vector<16xi32>, vector<16xi1> -> vector<16xi32>
      %reduce_sum3A_281 = vector.extract %reduce_sum3A_280[15] : i32 from vector<16xi32>
      %multiple_of3A_282 = tpu.assume_multiple %reduce_sum3A_281, 8 : i32
      %jit3A_283 = arith.constant 0 : i32
      %broadcast_in_dim3A_284 = vector.broadcast %jit3A_283 : i32 to vector<16xi32>
      %select_n3A_285 = arith.select %eq3A_266, %and3A_31, %broadcast_in_dim3A_284 : vector<16xi1>, vector<16xi32>
      %reduce_sum3A_286 = arith.constant true
      %reduce_sum3A_287 = vector.broadcast %reduce_sum3A_286 : i1 to vector<16xi1>
      %reduce_sum3A_288 = tpu.scan <sum>, %select_n3A_285 masked %reduce_sum3A_287 : vector<16xi32>, vector<16xi1> -> vector<16xi32>
      %reduce_sum3A_289 = vector.extract %reduce_sum3A_288[15] : i32 from vector<16xi32>
      %jit3A_290 = arith.constant 0 : i32
      %broadcast_in_dim3A_291 = vector.broadcast %jit3A_290 : i32 to vector<16xi32>
      %select_n3A_292 = arith.select %eq3A_266, %and3A_34, %broadcast_in_dim3A_291 : vector<16xi1>, vector<16xi32>
      %reduce_sum3A_293 = arith.constant true
      %reduce_sum3A_294 = vector.broadcast %reduce_sum3A_293 : i1 to vector<16xi1>
      %reduce_sum3A_295 = tpu.scan <sum>, %select_n3A_292 masked %reduce_sum3A_294 : vector<16xi32>, vector<16xi1> -> vector<16xi32>
      %reduce_sum3A_296 = vector.extract %reduce_sum3A_295[15] : i32 from vector<16xi32>
      %dma_start3A_297 = arith.constant 4 : i32
      %dma_start3A_298 = arith.constant 0 : i32
      %dma_start3A_299 = arith.constant 0 : i32
      %dma_start3A_300 = tpu.memref_slice %arg9[%dma_start3A_297, %dma_start3A_298, %dma_start3A_299] : memref<16x8x64xf32, #tpu.memory_space<vmem>> -> memref<1x8x64xf32, #tpu.memory_space<vmem>>
      %dma_start3A_301 = tpu.memref_squeeze %dma_start3A_300 : memref<1x8x64xf32, #tpu.memory_space<vmem>> -> memref<8x64xf32, #tpu.memory_space<vmem>>
      %dma_start3A_302 = arith.constant 0 : i32
      %dma_start3A_303 = tpu.memref_slice %arg4[%multiple_of3A_274, %dma_start3A_302] : memref<1000000x64xf32, #tpu.memory_space<hbm>> -> memref<8x64xf32, #tpu.memory_space<hbm>>
      %dma_start3A_304 = arith.constant 0 : i32
      %dma_start3A_305 = arith.constant 0 : i32
      %dma_start3A_306 = tpu.memref_slice %arg9[%dma_start3A_297, %dma_start3A_304, %dma_start3A_305] : memref<16x8x64xf32, #tpu.memory_space<vmem>> -> memref<1x8x64xf32, #tpu.memory_space<vmem>>
      %dma_start3A_307 = tpu.memref_squeeze %dma_start3A_306 : memref<1x8x64xf32, #tpu.memory_space<vmem>> -> memref<8x64xf32, #tpu.memory_space<vmem>>
      %dma_start3A_308 = arith.constant 0 : i32
      %dma_start3A_309 = tpu.memref_slice %arg4[%multiple_of3A_274, %dma_start3A_308] : memref<1000000x64xf32, #tpu.memory_space<hbm>> -> memref<8x64xf32, #tpu.memory_space<hbm>>
      tpu.enqueue_dma source(%dma_start3A_309 : memref<8x64xf32, #tpu.memory_space<hbm>>) target(%dma_start3A_307 : memref<8x64xf32, #tpu.memory_space<vmem>>) target_semaphore(%arg12 : memref<!tpu.dma_semaphore, #tpu.memory_space<semaphore_mem>>)
      %dma_start3A_310 = arith.constant 4 : i32
      %dma_start3A_311 = arith.constant 0 : i32
      %dma_start3A_312 = arith.constant 0 : i32
      %dma_start3A_313 = tpu.memref_slice %arg10[%dma_start3A_310, %dma_start3A_311, %dma_start3A_312] : memref<16x8x64xf32, #tpu.memory_space<vmem>> -> memref<1x8x64xf32, #tpu.memory_space<vmem>>
      %dma_start3A_314 = tpu.memref_squeeze %dma_start3A_313 : memref<1x8x64xf32, #tpu.memory_space<vmem>> -> memref<8x64xf32, #tpu.memory_space<vmem>>
      %dma_start3A_315 = arith.constant 0 : i32
      %dma_start3A_316 = tpu.memref_slice %arg5[%multiple_of3A_282, %dma_start3A_315] : memref<1000000x64xf32, #tpu.memory_space<hbm>> -> memref<8x64xf32, #tpu.memory_space<hbm>>
      %dma_start3A_317 = arith.constant 0 : i32
      %dma_start3A_318 = arith.constant 0 : i32
      %dma_start3A_319 = tpu.memref_slice %arg10[%dma_start3A_310, %dma_start3A_317, %dma_start3A_318] : memref<16x8x64xf32, #tpu.memory_space<vmem>> -> memref<1x8x64xf32, #tpu.memory_space<vmem>>
      %dma_start3A_320 = tpu.memref_squeeze %dma_start3A_319 : memref<1x8x64xf32, #tpu.memory_space<vmem>> -> memref<8x64xf32, #tpu.memory_space<vmem>>
      %dma_start3A_321 = arith.constant 0 : i32
      %dma_start3A_322 = tpu.memref_slice %arg5[%multiple_of3A_282, %dma_start3A_321] : memref<1000000x64xf32, #tpu.memory_space<hbm>> -> memref<8x64xf32, #tpu.memory_space<hbm>>
      tpu.enqueue_dma source(%dma_start3A_322 : memref<8x64xf32, #tpu.memory_space<hbm>>) target(%dma_start3A_320 : memref<8x64xf32, #tpu.memory_space<vmem>>) target_semaphore(%arg13 : memref<!tpu.dma_semaphore, #tpu.memory_space<semaphore_mem>>)
      %eq3A_323 = arith.constant 5 : i32
      %eq3A_324 = vector.broadcast %eq3A_323 : i32 to vector<16xi32>
      %eq3A_325 = arith.cmpi eq, %iota3A, %eq3A_324 : vector<16xi32>
      %jit3A_326 = arith.constant 0 : i32
      %broadcast_in_dim3A_327 = vector.broadcast %jit3A_326 : i32 to vector<16xi32>
      %select_n3A_328 = arith.select %eq3A_325, %shift_left3A_23, %broadcast_in_dim3A_327 : vector<16xi1>, vector<16xi32>
      %reduce_sum3A_329 = arith.constant true
      %reduce_sum3A_330 = vector.broadcast %reduce_sum3A_329 : i1 to vector<16xi1>
      %reduce_sum3A_331 = tpu.scan <sum>, %select_n3A_328 masked %reduce_sum3A_330 : vector<16xi32>, vector<16xi1> -> vector<16xi32>
      %reduce_sum3A_332 = vector.extract %reduce_sum3A_331[15] : i32 from vector<16xi32>
      %multiple_of3A_333 = tpu.assume_multiple %reduce_sum3A_332, 8 : i32
      %jit3A_334 = arith.constant 0 : i32
      %broadcast_in_dim3A_335 = vector.broadcast %jit3A_334 : i32 to vector<16xi32>
      %select_n3A_336 = arith.select %eq3A_325, %shift_left3A_29, %broadcast_in_dim3A_335 : vector<16xi1>, vector<16xi32>
      %reduce_sum3A_337 = arith.constant true
      %reduce_sum3A_338 = vector.broadcast %reduce_sum3A_337 : i1 to vector<16xi1>
      %reduce_sum3A_339 = tpu.scan <sum>, %select_n3A_336 masked %reduce_sum3A_338 : vector<16xi32>, vector<16xi1> -> vector<16xi32>
      %reduce_sum3A_340 = vector.extract %reduce_sum3A_339[15] : i32 from vector<16xi32>
      %multiple_of3A_341 = tpu.assume_multiple %reduce_sum3A_340, 8 : i32
      %jit3A_342 = arith.constant 0 : i32
      %broadcast_in_dim3A_343 = vector.broadcast %jit3A_342 : i32 to vector<16xi32>
      %select_n3A_344 = arith.select %eq3A_325, %and3A_31, %broadcast_in_dim3A_343 : vector<16xi1>, vector<16xi32>
      %reduce_sum3A_345 = arith.constant true
      %reduce_sum3A_346 = vector.broadcast %reduce_sum3A_345 : i1 to vector<16xi1>
      %reduce_sum3A_347 = tpu.scan <sum>, %select_n3A_344 masked %reduce_sum3A_346 : vector<16xi32>, vector<16xi1> -> vector<16xi32>
      %reduce_sum3A_348 = vector.extract %reduce_sum3A_347[15] : i32 from vector<16xi32>
      %jit3A_349 = arith.constant 0 : i32
      %broadcast_in_dim3A_350 = vector.broadcast %jit3A_349 : i32 to vector<16xi32>
      %select_n3A_351 = arith.select %eq3A_325, %and3A_34, %broadcast_in_dim3A_350 : vector<16xi1>, vector<16xi32>
      %reduce_sum3A_352 = arith.constant true
      %reduce_sum3A_353 = vector.broadcast %reduce_sum3A_352 : i1 to vector<16xi1>
      %reduce_sum3A_354 = tpu.scan <sum>, %select_n3A_351 masked %reduce_sum3A_353 : vector<16xi32>, vector<16xi1> -> vector<16xi32>
      %reduce_sum3A_355 = vector.extract %reduce_sum3A_354[15] : i32 from vector<16xi32>
      %dma_start3A_356 = arith.constant 5 : i32
      %dma_start3A_357 = arith.constant 0 : i32
      %dma_start3A_358 = arith.constant 0 : i32
      %dma_start3A_359 = tpu.memref_slice %arg9[%dma_start3A_356, %dma_start3A_357, %dma_start3A_358] : memref<16x8x64xf32, #tpu.memory_space<vmem>> -> memref<1x8x64xf32, #tpu.memory_space<vmem>>
      %dma_start3A_360 = tpu.memref_squeeze %dma_start3A_359 : memref<1x8x64xf32, #tpu.memory_space<vmem>> -> memref<8x64xf32, #tpu.memory_space<vmem>>
      %dma_start3A_361 = arith.constant 0 : i32
      %dma_start3A_362 = tpu.memref_slice %arg4[%multiple_of3A_333, %dma_start3A_361] : memref<1000000x64xf32, #tpu.memory_space<hbm>> -> memref<8x64xf32, #tpu.memory_space<hbm>>
      %dma_start3A_363 = arith.constant 0 : i32
      %dma_start3A_364 = arith.constant 0 : i32
      %dma_start3A_365 = tpu.memref_slice %arg9[%dma_start3A_356, %dma_start3A_363, %dma_start3A_364] : memref<16x8x64xf32, #tpu.memory_space<vmem>> -> memref<1x8x64xf32, #tpu.memory_space<vmem>>
      %dma_start3A_366 = tpu.memref_squeeze %dma_start3A_365 : memref<1x8x64xf32, #tpu.memory_space<vmem>> -> memref<8x64xf32, #tpu.memory_space<vmem>>
      %dma_start3A_367 = arith.constant 0 : i32
      %dma_start3A_368 = tpu.memref_slice %arg4[%multiple_of3A_333, %dma_start3A_367] : memref<1000000x64xf32, #tpu.memory_space<hbm>> -> memref<8x64xf32, #tpu.memory_space<hbm>>
      tpu.enqueue_dma source(%dma_start3A_368 : memref<8x64xf32, #tpu.memory_space<hbm>>) target(%dma_start3A_366 : memref<8x64xf32, #tpu.memory_space<vmem>>) target_semaphore(%arg12 : memref<!tpu.dma_semaphore, #tpu.memory_space<semaphore_mem>>)
      %dma_start3A_369 = arith.constant 5 : i32
      %dma_start3A_370 = arith.constant 0 : i32
      %dma_start3A_371 = arith.constant 0 : i32
      %dma_start3A_372 = tpu.memref_slice %arg10[%dma_start3A_369, %dma_start3A_370, %dma_start3A_371] : memref<16x8x64xf32, #tpu.memory_space<vmem>> -> memref<1x8x64xf32, #tpu.memory_space<vmem>>
      %dma_start3A_373 = tpu.memref_squeeze %dma_start3A_372 : memref<1x8x64xf32, #tpu.memory_space<vmem>> -> memref<8x64xf32, #tpu.memory_space<vmem>>
      %dma_start3A_374 = arith.constant 0 : i32
      %dma_start3A_375 = tpu.memref_slice %arg5[%multiple_of3A_341, %dma_start3A_374] : memref<1000000x64xf32, #tpu.memory_space<hbm>> -> memref<8x64xf32, #tpu.memory_space<hbm>>
      %dma_start3A_376 = arith.constant 0 : i32
      %dma_start3A_377 = arith.constant 0 : i32
      %dma_start3A_378 = tpu.memref_slice %arg10[%dma_start3A_369, %dma_start3A_376, %dma_start3A_377] : memref<16x8x64xf32, #tpu.memory_space<vmem>> -> memref<1x8x64xf32, #tpu.memory_space<vmem>>
      %dma_start3A_379 = tpu.memref_squeeze %dma_start3A_378 : memref<1x8x64xf32, #tpu.memory_space<vmem>> -> memref<8x64xf32, #tpu.memory_space<vmem>>
      %dma_start3A_380 = arith.constant 0 : i32
      %dma_start3A_381 = tpu.memref_slice %arg5[%multiple_of3A_341, %dma_start3A_380] : memref<1000000x64xf32, #tpu.memory_space<hbm>> -> memref<8x64xf32, #tpu.memory_space<hbm>>
      tpu.enqueue_dma source(%dma_start3A_381 : memref<8x64xf32, #tpu.memory_space<hbm>>) target(%dma_start3A_379 : memref<8x64xf32, #tpu.memory_space<vmem>>) target_semaphore(%arg13 : memref<!tpu.dma_semaphore, #tpu.memory_space<semaphore_mem>>)
      %eq3A_382 = arith.constant 6 : i32
      %eq3A_383 = vector.broadcast %eq3A_382 : i32 to vector<16xi32>
      %eq3A_384 = arith.cmpi eq, %iota3A, %eq3A_383 : vector<16xi32>
      %jit3A_385 = arith.constant 0 : i32
      %broadcast_in_dim3A_386 = vector.broadcast %jit3A_385 : i32 to vector<16xi32>
      %select_n3A_387 = arith.select %eq3A_384, %shift_left3A_23, %broadcast_in_dim3A_386 : vector<16xi1>, vector<16xi32>
      %reduce_sum3A_388 = arith.constant true
      %reduce_sum3A_389 = vector.broadcast %reduce_sum3A_388 : i1 to vector<16xi1>
      %reduce_sum3A_390 = tpu.scan <sum>, %select_n3A_387 masked %reduce_sum3A_389 : vector<16xi32>, vector<16xi1> -> vector<16xi32>
      %reduce_sum3A_391 = vector.extract %reduce_sum3A_390[15] : i32 from vector<16xi32>
      %multiple_of3A_392 = tpu.assume_multiple %reduce_sum3A_391, 8 : i32
      %jit3A_393 = arith.constant 0 : i32
      %broadcast_in_dim3A_394 = vector.broadcast %jit3A_393 : i32 to vector<16xi32>
      %select_n3A_395 = arith.select %eq3A_384, %shift_left3A_29, %broadcast_in_dim3A_394 : vector<16xi1>, vector<16xi32>
      %reduce_sum3A_396 = arith.constant true
      %reduce_sum3A_397 = vector.broadcast %reduce_sum3A_396 : i1 to vector<16xi1>
      %reduce_sum3A_398 = tpu.scan <sum>, %select_n3A_395 masked %reduce_sum3A_397 : vector<16xi32>, vector<16xi1> -> vector<16xi32>
      %reduce_sum3A_399 = vector.extract %reduce_sum3A_398[15] : i32 from vector<16xi32>
      %multiple_of3A_400 = tpu.assume_multiple %reduce_sum3A_399, 8 : i32
      %jit3A_401 = arith.constant 0 : i32
      %broadcast_in_dim3A_402 = vector.broadcast %jit3A_401 : i32 to vector<16xi32>
      %select_n3A_403 = arith.select %eq3A_384, %and3A_31, %broadcast_in_dim3A_402 : vector<16xi1>, vector<16xi32>
      %reduce_sum3A_404 = arith.constant true
      %reduce_sum3A_405 = vector.broadcast %reduce_sum3A_404 : i1 to vector<16xi1>
      %reduce_sum3A_406 = tpu.scan <sum>, %select_n3A_403 masked %reduce_sum3A_405 : vector<16xi32>, vector<16xi1> -> vector<16xi32>
      %reduce_sum3A_407 = vector.extract %reduce_sum3A_406[15] : i32 from vector<16xi32>
      %jit3A_408 = arith.constant 0 : i32
      %broadcast_in_dim3A_409 = vector.broadcast %jit3A_408 : i32 to vector<16xi32>
      %select_n3A_410 = arith.select %eq3A_384, %and3A_34, %broadcast_in_dim3A_409 : vector<16xi1>, vector<16xi32>
      %reduce_sum3A_411 = arith.constant true
      %reduce_sum3A_412 = vector.broadcast %reduce_sum3A_411 : i1 to vector<16xi1>
      %reduce_sum3A_413 = tpu.scan <sum>, %select_n3A_410 masked %reduce_sum3A_412 : vector<16xi32>, vector<16xi1> -> vector<16xi32>
      %reduce_sum3A_414 = vector.extract %reduce_sum3A_413[15] : i32 from vector<16xi32>
      %dma_start3A_415 = arith.constant 6 : i32
      %dma_start3A_416 = arith.constant 0 : i32
      %dma_start3A_417 = arith.constant 0 : i32
      %dma_start3A_418 = tpu.memref_slice %arg9[%dma_start3A_415, %dma_start3A_416, %dma_start3A_417] : memref<16x8x64xf32, #tpu.memory_space<vmem>> -> memref<1x8x64xf32, #tpu.memory_space<vmem>>
      %dma_start3A_419 = tpu.memref_squeeze %dma_start3A_418 : memref<1x8x64xf32, #tpu.memory_space<vmem>> -> memref<8x64xf32, #tpu.memory_space<vmem>>
      %dma_start3A_420 = arith.constant 0 : i32
      %dma_start3A_421 = tpu.memref_slice %arg4[%multiple_of3A_392, %dma_start3A_420] : memref<1000000x64xf32, #tpu.memory_space<hbm>> -> memref<8x64xf32, #tpu.memory_space<hbm>>
      %dma_start3A_422 = arith.constant 0 : i32
      %dma_start3A_423 = arith.constant 0 : i32
      %dma_start3A_424 = tpu.memref_slice %arg9[%dma_start3A_415, %dma_start3A_422, %dma_start3A_423] : memref<16x8x64xf32, #tpu.memory_space<vmem>> -> memref<1x8x64xf32, #tpu.memory_space<vmem>>
      %dma_start3A_425 = tpu.memref_squeeze %dma_start3A_424 : memref<1x8x64xf32, #tpu.memory_space<vmem>> -> memref<8x64xf32, #tpu.memory_space<vmem>>
      %dma_start3A_426 = arith.constant 0 : i32
      %dma_start3A_427 = tpu.memref_slice %arg4[%multiple_of3A_392, %dma_start3A_426] : memref<1000000x64xf32, #tpu.memory_space<hbm>> -> memref<8x64xf32, #tpu.memory_space<hbm>>
      tpu.enqueue_dma source(%dma_start3A_427 : memref<8x64xf32, #tpu.memory_space<hbm>>) target(%dma_start3A_425 : memref<8x64xf32, #tpu.memory_space<vmem>>) target_semaphore(%arg12 : memref<!tpu.dma_semaphore, #tpu.memory_space<semaphore_mem>>)
      %dma_start3A_428 = arith.constant 6 : i32
      %dma_start3A_429 = arith.constant 0 : i32
      %dma_start3A_430 = arith.constant 0 : i32
      %dma_start3A_431 = tpu.memref_slice %arg10[%dma_start3A_428, %dma_start3A_429, %dma_start3A_430] : memref<16x8x64xf32, #tpu.memory_space<vmem>> -> memref<1x8x64xf32, #tpu.memory_space<vmem>>
      %dma_start3A_432 = tpu.memref_squeeze %dma_start3A_431 : memref<1x8x64xf32, #tpu.memory_space<vmem>> -> memref<8x64xf32, #tpu.memory_space<vmem>>
      %dma_start3A_433 = arith.constant 0 : i32
      %dma_start3A_434 = tpu.memref_slice %arg5[%multiple_of3A_400, %dma_start3A_433] : memref<1000000x64xf32, #tpu.memory_space<hbm>> -> memref<8x64xf32, #tpu.memory_space<hbm>>
      %dma_start3A_435 = arith.constant 0 : i32
      %dma_start3A_436 = arith.constant 0 : i32
      %dma_start3A_437 = tpu.memref_slice %arg10[%dma_start3A_428, %dma_start3A_435, %dma_start3A_436] : memref<16x8x64xf32, #tpu.memory_space<vmem>> -> memref<1x8x64xf32, #tpu.memory_space<vmem>>
      %dma_start3A_438 = tpu.memref_squeeze %dma_start3A_437 : memref<1x8x64xf32, #tpu.memory_space<vmem>> -> memref<8x64xf32, #tpu.memory_space<vmem>>
      %dma_start3A_439 = arith.constant 0 : i32
      %dma_start3A_440 = tpu.memref_slice %arg5[%multiple_of3A_400, %dma_start3A_439] : memref<1000000x64xf32, #tpu.memory_space<hbm>> -> memref<8x64xf32, #tpu.memory_space<hbm>>
      tpu.enqueue_dma source(%dma_start3A_440 : memref<8x64xf32, #tpu.memory_space<hbm>>) target(%dma_start3A_438 : memref<8x64xf32, #tpu.memory_space<vmem>>) target_semaphore(%arg13 : memref<!tpu.dma_semaphore, #tpu.memory_space<semaphore_mem>>)
      %eq3A_441 = arith.constant 7 : i32
      %eq3A_442 = vector.broadcast %eq3A_441 : i32 to vector<16xi32>
      %eq3A_443 = arith.cmpi eq, %iota3A, %eq3A_442 : vector<16xi32>
      %jit3A_444 = arith.constant 0 : i32
      %broadcast_in_dim3A_445 = vector.broadcast %jit3A_444 : i32 to vector<16xi32>
      %select_n3A_446 = arith.select %eq3A_443, %shift_left3A_23, %broadcast_in_dim3A_445 : vector<16xi1>, vector<16xi32>
      %reduce_sum3A_447 = arith.constant true
      %reduce_sum3A_448 = vector.broadcast %reduce_sum3A_447 : i1 to vector<16xi1>
      %reduce_sum3A_449 = tpu.scan <sum>, %select_n3A_446 masked %reduce_sum3A_448 : vector<16xi32>, vector<16xi1> -> vector<16xi32>
      %reduce_sum3A_450 = vector.extract %reduce_sum3A_449[15] : i32 from vector<16xi32>
      %multiple_of3A_451 = tpu.assume_multiple %reduce_sum3A_450, 8 : i32
      %jit3A_452 = arith.constant 0 : i32
      %broadcast_in_dim3A_453 = vector.broadcast %jit3A_452 : i32 to vector<16xi32>
      %select_n3A_454 = arith.select %eq3A_443, %shift_left3A_29, %broadcast_in_dim3A_453 : vector<16xi1>, vector<16xi32>
      %reduce_sum3A_455 = arith.constant true
      %reduce_sum3A_456 = vector.broadcast %reduce_sum3A_455 : i1 to vector<16xi1>
      %reduce_sum3A_457 = tpu.scan <sum>, %select_n3A_454 masked %reduce_sum3A_456 : vector<16xi32>, vector<16xi1> -> vector<16xi32>
      %reduce_sum3A_458 = vector.extract %reduce_sum3A_457[15] : i32 from vector<16xi32>
      %multiple_of3A_459 = tpu.assume_multiple %reduce_sum3A_458, 8 : i32
      %jit3A_460 = arith.constant 0 : i32
      %broadcast_in_dim3A_461 = vector.broadcast %jit3A_460 : i32 to vector<16xi32>
      %select_n3A_462 = arith.select %eq3A_443, %and3A_31, %broadcast_in_dim3A_461 : vector<16xi1>, vector<16xi32>
      %reduce_sum3A_463 = arith.constant true
      %reduce_sum3A_464 = vector.broadcast %reduce_sum3A_463 : i1 to vector<16xi1>
      %reduce_sum3A_465 = tpu.scan <sum>, %select_n3A_462 masked %reduce_sum3A_464 : vector<16xi32>, vector<16xi1> -> vector<16xi32>
      %reduce_sum3A_466 = vector.extract %reduce_sum3A_465[15] : i32 from vector<16xi32>
      %jit3A_467 = arith.constant 0 : i32
      %broadcast_in_dim3A_468 = vector.broadcast %jit3A_467 : i32 to vector<16xi32>
      %select_n3A_469 = arith.select %eq3A_443, %and3A_34, %broadcast_in_dim3A_468 : vector<16xi1>, vector<16xi32>
      %reduce_sum3A_470 = arith.constant true
      %reduce_sum3A_471 = vector.broadcast %reduce_sum3A_470 : i1 to vector<16xi1>
      %reduce_sum3A_472 = tpu.scan <sum>, %select_n3A_469 masked %reduce_sum3A_471 : vector<16xi32>, vector<16xi1> -> vector<16xi32>
      %reduce_sum3A_473 = vector.extract %reduce_sum3A_472[15] : i32 from vector<16xi32>
      %dma_start3A_474 = arith.constant 7 : i32
      %dma_start3A_475 = arith.constant 0 : i32
      %dma_start3A_476 = arith.constant 0 : i32
      %dma_start3A_477 = tpu.memref_slice %arg9[%dma_start3A_474, %dma_start3A_475, %dma_start3A_476] : memref<16x8x64xf32, #tpu.memory_space<vmem>> -> memref<1x8x64xf32, #tpu.memory_space<vmem>>
      %dma_start3A_478 = tpu.memref_squeeze %dma_start3A_477 : memref<1x8x64xf32, #tpu.memory_space<vmem>> -> memref<8x64xf32, #tpu.memory_space<vmem>>
      %dma_start3A_479 = arith.constant 0 : i32
      %dma_start3A_480 = tpu.memref_slice %arg4[%multiple_of3A_451, %dma_start3A_479] : memref<1000000x64xf32, #tpu.memory_space<hbm>> -> memref<8x64xf32, #tpu.memory_space<hbm>>
      %dma_start3A_481 = arith.constant 0 : i32
      %dma_start3A_482 = arith.constant 0 : i32
      %dma_start3A_483 = tpu.memref_slice %arg9[%dma_start3A_474, %dma_start3A_481, %dma_start3A_482] : memref<16x8x64xf32, #tpu.memory_space<vmem>> -> memref<1x8x64xf32, #tpu.memory_space<vmem>>
      %dma_start3A_484 = tpu.memref_squeeze %dma_start3A_483 : memref<1x8x64xf32, #tpu.memory_space<vmem>> -> memref<8x64xf32, #tpu.memory_space<vmem>>
      %dma_start3A_485 = arith.constant 0 : i32
      %dma_start3A_486 = tpu.memref_slice %arg4[%multiple_of3A_451, %dma_start3A_485] : memref<1000000x64xf32, #tpu.memory_space<hbm>> -> memref<8x64xf32, #tpu.memory_space<hbm>>
      tpu.enqueue_dma source(%dma_start3A_486 : memref<8x64xf32, #tpu.memory_space<hbm>>) target(%dma_start3A_484 : memref<8x64xf32, #tpu.memory_space<vmem>>) target_semaphore(%arg12 : memref<!tpu.dma_semaphore, #tpu.memory_space<semaphore_mem>>)
      %dma_start3A_487 = arith.constant 7 : i32
      %dma_start3A_488 = arith.constant 0 : i32
      %dma_start3A_489 = arith.constant 0 : i32
      %dma_start3A_490 = tpu.memref_slice %arg10[%dma_start3A_487, %dma_start3A_488, %dma_start3A_489] : memref<16x8x64xf32, #tpu.memory_space<vmem>> -> memref<1x8x64xf32, #tpu.memory_space<vmem>>
      %dma_start3A_491 = tpu.memref_squeeze %dma_start3A_490 : memref<1x8x64xf32, #tpu.memory_space<vmem>> -> memref<8x64xf32, #tpu.memory_space<vmem>>
      %dma_start3A_492 = arith.constant 0 : i32
      %dma_start3A_493 = tpu.memref_slice %arg5[%multiple_of3A_459, %dma_start3A_492] : memref<1000000x64xf32, #tpu.memory_space<hbm>> -> memref<8x64xf32, #tpu.memory_space<hbm>>
      %dma_start3A_494 = arith.constant 0 : i32
      %dma_start3A_495 = arith.constant 0 : i32
      %dma_start3A_496 = tpu.memref_slice %arg10[%dma_start3A_487, %dma_start3A_494, %dma_start3A_495] : memref<16x8x64xf32, #tpu.memory_space<vmem>> -> memref<1x8x64xf32, #tpu.memory_space<vmem>>
      %dma_start3A_497 = tpu.memref_squeeze %dma_start3A_496 : memref<1x8x64xf32, #tpu.memory_space<vmem>> -> memref<8x64xf32, #tpu.memory_space<vmem>>
      %dma_start3A_498 = arith.constant 0 : i32
      %dma_start3A_499 = tpu.memref_slice %arg5[%multiple_of3A_459, %dma_start3A_498] : memref<1000000x64xf32, #tpu.memory_space<hbm>> -> memref<8x64xf32, #tpu.memory_space<hbm>>
      tpu.enqueue_dma source(%dma_start3A_499 : memref<8x64xf32, #tpu.memory_space<hbm>>) target(%dma_start3A_497 : memref<8x64xf32, #tpu.memory_space<vmem>>) target_semaphore(%arg13 : memref<!tpu.dma_semaphore, #tpu.memory_space<semaphore_mem>>)
      %eq3A_500 = arith.constant 8 : i32
      %eq3A_501 = vector.broadcast %eq3A_500 : i32 to vector<16xi32>
      %eq3A_502 = arith.cmpi eq, %iota3A, %eq3A_501 : vector<16xi32>
      %jit3A_503 = arith.constant 0 : i32
      %broadcast_in_dim3A_504 = vector.broadcast %jit3A_503 : i32 to vector<16xi32>
      %select_n3A_505 = arith.select %eq3A_502, %shift_left3A_23, %broadcast_in_dim3A_504 : vector<16xi1>, vector<16xi32>
      %reduce_sum3A_506 = arith.constant true
      %reduce_sum3A_507 = vector.broadcast %reduce_sum3A_506 : i1 to vector<16xi1>
      %reduce_sum3A_508 = tpu.scan <sum>, %select_n3A_505 masked %reduce_sum3A_507 : vector<16xi32>, vector<16xi1> -> vector<16xi32>
      %reduce_sum3A_509 = vector.extract %reduce_sum3A_508[15] : i32 from vector<16xi32>
      %multiple_of3A_510 = tpu.assume_multiple %reduce_sum3A_509, 8 : i32
      %jit3A_511 = arith.constant 0 : i32
      %broadcast_in_dim3A_512 = vector.broadcast %jit3A_511 : i32 to vector<16xi32>
      %select_n3A_513 = arith.select %eq3A_502, %shift_left3A_29, %broadcast_in_dim3A_512 : vector<16xi1>, vector<16xi32>
      %reduce_sum3A_514 = arith.constant true
      %reduce_sum3A_515 = vector.broadcast %reduce_sum3A_514 : i1 to vector<16xi1>
      %reduce_sum3A_516 = tpu.scan <sum>, %select_n3A_513 masked %reduce_sum3A_515 : vector<16xi32>, vector<16xi1> -> vector<16xi32>
      %reduce_sum3A_517 = vector.extract %reduce_sum3A_516[15] : i32 from vector<16xi32>
      %multiple_of3A_518 = tpu.assume_multiple %reduce_sum3A_517, 8 : i32
      %jit3A_519 = arith.constant 0 : i32
      %broadcast_in_dim3A_520 = vector.broadcast %jit3A_519 : i32 to vector<16xi32>
      %select_n3A_521 = arith.select %eq3A_502, %and3A_31, %broadcast_in_dim3A_520 : vector<16xi1>, vector<16xi32>
      %reduce_sum3A_522 = arith.constant true
      %reduce_sum3A_523 = vector.broadcast %reduce_sum3A_522 : i1 to vector<16xi1>
      %reduce_sum3A_524 = tpu.scan <sum>, %select_n3A_521 masked %reduce_sum3A_523 : vector<16xi32>, vector<16xi1> -> vector<16xi32>
      %reduce_sum3A_525 = vector.extract %reduce_sum3A_524[15] : i32 from vector<16xi32>
      %jit3A_526 = arith.constant 0 : i32
      %broadcast_in_dim3A_527 = vector.broadcast %jit3A_526 : i32 to vector<16xi32>
      %select_n3A_528 = arith.select %eq3A_502, %and3A_34, %broadcast_in_dim3A_527 : vector<16xi1>, vector<16xi32>
      %reduce_sum3A_529 = arith.constant true
      %reduce_sum3A_530 = vector.broadcast %reduce_sum3A_529 : i1 to vector<16xi1>
      %reduce_sum3A_531 = tpu.scan <sum>, %select_n3A_528 masked %reduce_sum3A_530 : vector<16xi32>, vector<16xi1> -> vector<16xi32>
      %reduce_sum3A_532 = vector.extract %reduce_sum3A_531[15] : i32 from vector<16xi32>
      %dma_start3A_533 = arith.constant 8 : i32
      %dma_start3A_534 = arith.constant 0 : i32
      %dma_start3A_535 = arith.constant 0 : i32
      %dma_start3A_536 = tpu.memref_slice %arg9[%dma_start3A_533, %dma_start3A_534, %dma_start3A_535] : memref<16x8x64xf32, #tpu.memory_space<vmem>> -> memref<1x8x64xf32, #tpu.memory_space<vmem>>
      %dma_start3A_537 = tpu.memref_squeeze %dma_start3A_536 : memref<1x8x64xf32, #tpu.memory_space<vmem>> -> memref<8x64xf32, #tpu.memory_space<vmem>>
      %dma_start3A_538 = arith.constant 0 : i32
      %dma_start3A_539 = tpu.memref_slice %arg4[%multiple_of3A_510, %dma_start3A_538] : memref<1000000x64xf32, #tpu.memory_space<hbm>> -> memref<8x64xf32, #tpu.memory_space<hbm>>
      %dma_start3A_540 = arith.constant 0 : i32
      %dma_start3A_541 = arith.constant 0 : i32
      %dma_start3A_542 = tpu.memref_slice %arg9[%dma_start3A_533, %dma_start3A_540, %dma_start3A_541] : memref<16x8x64xf32, #tpu.memory_space<vmem>> -> memref<1x8x64xf32, #tpu.memory_space<vmem>>
      %dma_start3A_543 = tpu.memref_squeeze %dma_start3A_542 : memref<1x8x64xf32, #tpu.memory_space<vmem>> -> memref<8x64xf32, #tpu.memory_space<vmem>>
      %dma_start3A_544 = arith.constant 0 : i32
      %dma_start3A_545 = tpu.memref_slice %arg4[%multiple_of3A_510, %dma_start3A_544] : memref<1000000x64xf32, #tpu.memory_space<hbm>> -> memref<8x64xf32, #tpu.memory_space<hbm>>
      tpu.enqueue_dma source(%dma_start3A_545 : memref<8x64xf32, #tpu.memory_space<hbm>>) target(%dma_start3A_543 : memref<8x64xf32, #tpu.memory_space<vmem>>) target_semaphore(%arg12 : memref<!tpu.dma_semaphore, #tpu.memory_space<semaphore_mem>>)
      %dma_start3A_546 = arith.constant 8 : i32
      %dma_start3A_547 = arith.constant 0 : i32
      %dma_start3A_548 = arith.constant 0 : i32
      %dma_start3A_549 = tpu.memref_slice %arg10[%dma_start3A_546, %dma_start3A_547, %dma_start3A_548] : memref<16x8x64xf32, #tpu.memory_space<vmem>> -> memref<1x8x64xf32, #tpu.memory_space<vmem>>
      %dma_start3A_550 = tpu.memref_squeeze %dma_start3A_549 : memref<1x8x64xf32, #tpu.memory_space<vmem>> -> memref<8x64xf32, #tpu.memory_space<vmem>>
      %dma_start3A_551 = arith.constant 0 : i32
      %dma_start3A_552 = tpu.memref_slice %arg5[%multiple_of3A_518, %dma_start3A_551] : memref<1000000x64xf32, #tpu.memory_space<hbm>> -> memref<8x64xf32, #tpu.memory_space<hbm>>
      %dma_start3A_553 = arith.constant 0 : i32
      %dma_start3A_554 = arith.constant 0 : i32
      %dma_start3A_555 = tpu.memref_slice %arg10[%dma_start3A_546, %dma_start3A_553, %dma_start3A_554] : memref<16x8x64xf32, #tpu.memory_space<vmem>> -> memref<1x8x64xf32, #tpu.memory_space<vmem>>
      %dma_start3A_556 = tpu.memref_squeeze %dma_start3A_555 : memref<1x8x64xf32, #tpu.memory_space<vmem>> -> memref<8x64xf32, #tpu.memory_space<vmem>>
      %dma_start3A_557 = arith.constant 0 : i32
      %dma_start3A_558 = tpu.memref_slice %arg5[%multiple_of3A_518, %dma_start3A_557] : memref<1000000x64xf32, #tpu.memory_space<hbm>> -> memref<8x64xf32, #tpu.memory_space<hbm>>
      tpu.enqueue_dma source(%dma_start3A_558 : memref<8x64xf32, #tpu.memory_space<hbm>>) target(%dma_start3A_556 : memref<8x64xf32, #tpu.memory_space<vmem>>) target_semaphore(%arg13 : memref<!tpu.dma_semaphore, #tpu.memory_space<semaphore_mem>>)
      %eq3A_559 = arith.constant 9 : i32
      %eq3A_560 = vector.broadcast %eq3A_559 : i32 to vector<16xi32>
      %eq3A_561 = arith.cmpi eq, %iota3A, %eq3A_560 : vector<16xi32>
      %jit3A_562 = arith.constant 0 : i32
      %broadcast_in_dim3A_563 = vector.broadcast %jit3A_562 : i32 to vector<16xi32>
      %select_n3A_564 = arith.select %eq3A_561, %shift_left3A_23, %broadcast_in_dim3A_563 : vector<16xi1>, vector<16xi32>
      %reduce_sum3A_565 = arith.constant true
      %reduce_sum3A_566 = vector.broadcast %reduce_sum3A_565 : i1 to vector<16xi1>
      %reduce_sum3A_567 = tpu.scan <sum>, %select_n3A_564 masked %reduce_sum3A_566 : vector<16xi32>, vector<16xi1> -> vector<16xi32>
      %reduce_sum3A_568 = vector.extract %reduce_sum3A_567[15] : i32 from vector<16xi32>
      %multiple_of3A_569 = tpu.assume_multiple %reduce_sum3A_568, 8 : i32
      %jit3A_570 = arith.constant 0 : i32
      %broadcast_in_dim3A_571 = vector.broadcast %jit3A_570 : i32 to vector<16xi32>
      %select_n3A_572 = arith.select %eq3A_561, %shift_left3A_29, %broadcast_in_dim3A_571 : vector<16xi1>, vector<16xi32>
      %reduce_sum3A_573 = arith.constant true
      %reduce_sum3A_574 = vector.broadcast %reduce_sum3A_573 : i1 to vector<16xi1>
      %reduce_sum3A_575 = tpu.scan <sum>, %select_n3A_572 masked %reduce_sum3A_574 : vector<16xi32>, vector<16xi1> -> vector<16xi32>
      %reduce_sum3A_576 = vector.extract %reduce_sum3A_575[15] : i32 from vector<16xi32>
      %multiple_of3A_577 = tpu.assume_multiple %reduce_sum3A_576, 8 : i32
      %jit3A_578 = arith.constant 0 : i32
      %broadcast_in_dim3A_579 = vector.broadcast %jit3A_578 : i32 to vector<16xi32>
      %select_n3A_580 = arith.select %eq3A_561, %and3A_31, %broadcast_in_dim3A_579 : vector<16xi1>, vector<16xi32>
      %reduce_sum3A_581 = arith.constant true
      %reduce_sum3A_582 = vector.broadcast %reduce_sum3A_581 : i1 to vector<16xi1>
      %reduce_sum3A_583 = tpu.scan <sum>, %select_n3A_580 masked %reduce_sum3A_582 : vector<16xi32>, vector<16xi1> -> vector<16xi32>
      %reduce_sum3A_584 = vector.extract %reduce_sum3A_583[15] : i32 from vector<16xi32>
      %jit3A_585 = arith.constant 0 : i32
      %broadcast_in_dim3A_586 = vector.broadcast %jit3A_585 : i32 to vector<16xi32>
      %select_n3A_587 = arith.select %eq3A_561, %and3A_34, %broadcast_in_dim3A_586 : vector<16xi1>, vector<16xi32>
      %reduce_sum3A_588 = arith.constant true
      %reduce_sum3A_589 = vector.broadcast %reduce_sum3A_588 : i1 to vector<16xi1>
      %reduce_sum3A_590 = tpu.scan <sum>, %select_n3A_587 masked %reduce_sum3A_589 : vector<16xi32>, vector<16xi1> -> vector<16xi32>
      %reduce_sum3A_591 = vector.extract %reduce_sum3A_590[15] : i32 from vector<16xi32>
      %dma_start3A_592 = arith.constant 9 : i32
      %dma_start3A_593 = arith.constant 0 : i32
      %dma_start3A_594 = arith.constant 0 : i32
      %dma_start3A_595 = tpu.memref_slice %arg9[%dma_start3A_592, %dma_start3A_593, %dma_start3A_594] : memref<16x8x64xf32, #tpu.memory_space<vmem>> -> memref<1x8x64xf32, #tpu.memory_space<vmem>>
      %dma_start3A_596 = tpu.memref_squeeze %dma_start3A_595 : memref<1x8x64xf32, #tpu.memory_space<vmem>> -> memref<8x64xf32, #tpu.memory_space<vmem>>
      %dma_start3A_597 = arith.constant 0 : i32
      %dma_start3A_598 = tpu.memref_slice %arg4[%multiple_of3A_569, %dma_start3A_597] : memref<1000000x64xf32, #tpu.memory_space<hbm>> -> memref<8x64xf32, #tpu.memory_space<hbm>>
      %dma_start3A_599 = arith.constant 0 : i32
      %dma_start3A_600 = arith.constant 0 : i32
      %dma_start3A_601 = tpu.memref_slice %arg9[%dma_start3A_592, %dma_start3A_599, %dma_start3A_600] : memref<16x8x64xf32, #tpu.memory_space<vmem>> -> memref<1x8x64xf32, #tpu.memory_space<vmem>>
      %dma_start3A_602 = tpu.memref_squeeze %dma_start3A_601 : memref<1x8x64xf32, #tpu.memory_space<vmem>> -> memref<8x64xf32, #tpu.memory_space<vmem>>
      %dma_start3A_603 = arith.constant 0 : i32
      %dma_start3A_604 = tpu.memref_slice %arg4[%multiple_of3A_569, %dma_start3A_603] : memref<1000000x64xf32, #tpu.memory_space<hbm>> -> memref<8x64xf32, #tpu.memory_space<hbm>>
      tpu.enqueue_dma source(%dma_start3A_604 : memref<8x64xf32, #tpu.memory_space<hbm>>) target(%dma_start3A_602 : memref<8x64xf32, #tpu.memory_space<vmem>>) target_semaphore(%arg12 : memref<!tpu.dma_semaphore, #tpu.memory_space<semaphore_mem>>)
      %dma_start3A_605 = arith.constant 9 : i32
      %dma_start3A_606 = arith.constant 0 : i32
      %dma_start3A_607 = arith.constant 0 : i32
      %dma_start3A_608 = tpu.memref_slice %arg10[%dma_start3A_605, %dma_start3A_606, %dma_start3A_607] : memref<16x8x64xf32, #tpu.memory_space<vmem>> -> memref<1x8x64xf32, #tpu.memory_space<vmem>>
      %dma_start3A_609 = tpu.memref_squeeze %dma_start3A_608 : memref<1x8x64xf32, #tpu.memory_space<vmem>> -> memref<8x64xf32, #tpu.memory_space<vmem>>
      %dma_start3A_610 = arith.constant 0 : i32
      %dma_start3A_611 = tpu.memref_slice %arg5[%multiple_of3A_577, %dma_start3A_610] : memref<1000000x64xf32, #tpu.memory_space<hbm>> -> memref<8x64xf32, #tpu.memory_space<hbm>>
      %dma_start3A_612 = arith.constant 0 : i32
      %dma_start3A_613 = arith.constant 0 : i32
      %dma_start3A_614 = tpu.memref_slice %arg10[%dma_start3A_605, %dma_start3A_612, %dma_start3A_613] : memref<16x8x64xf32, #tpu.memory_space<vmem>> -> memref<1x8x64xf32, #tpu.memory_space<vmem>>
      %dma_start3A_615 = tpu.memref_squeeze %dma_start3A_614 : memref<1x8x64xf32, #tpu.memory_space<vmem>> -> memref<8x64xf32, #tpu.memory_space<vmem>>
      %dma_start3A_616 = arith.constant 0 : i32
      %dma_start3A_617 = tpu.memref_slice %arg5[%multiple_of3A_577, %dma_start3A_616] : memref<1000000x64xf32, #tpu.memory_space<hbm>> -> memref<8x64xf32, #tpu.memory_space<hbm>>
      tpu.enqueue_dma source(%dma_start3A_617 : memref<8x64xf32, #tpu.memory_space<hbm>>) target(%dma_start3A_615 : memref<8x64xf32, #tpu.memory_space<vmem>>) target_semaphore(%arg13 : memref<!tpu.dma_semaphore, #tpu.memory_space<semaphore_mem>>)
      %eq3A_618 = arith.constant 10 : i32
      %eq3A_619 = vector.broadcast %eq3A_618 : i32 to vector<16xi32>
      %eq3A_620 = arith.cmpi eq, %iota3A, %eq3A_619 : vector<16xi32>
      %jit3A_621 = arith.constant 0 : i32
      %broadcast_in_dim3A_622 = vector.broadcast %jit3A_621 : i32 to vector<16xi32>
      %select_n3A_623 = arith.select %eq3A_620, %shift_left3A_23, %broadcast_in_dim3A_622 : vector<16xi1>, vector<16xi32>
      %reduce_sum3A_624 = arith.constant true
      %reduce_sum3A_625 = vector.broadcast %reduce_sum3A_624 : i1 to vector<16xi1>
      %reduce_sum3A_626 = tpu.scan <sum>, %select_n3A_623 masked %reduce_sum3A_625 : vector<16xi32>, vector<16xi1> -> vector<16xi32>
      %reduce_sum3A_627 = vector.extract %reduce_sum3A_626[15] : i32 from vector<16xi32>
      %multiple_of3A_628 = tpu.assume_multiple %reduce_sum3A_627, 8 : i32
      %jit3A_629 = arith.constant 0 : i32
      %broadcast_in_dim3A_630 = vector.broadcast %jit3A_629 : i32 to vector<16xi32>
      %select_n3A_631 = arith.select %eq3A_620, %shift_left3A_29, %broadcast_in_dim3A_630 : vector<16xi1>, vector<16xi32>
      %reduce_sum3A_632 = arith.constant true
      %reduce_sum3A_633 = vector.broadcast %reduce_sum3A_632 : i1 to vector<16xi1>
      %reduce_sum3A_634 = tpu.scan <sum>, %select_n3A_631 masked %reduce_sum3A_633 : vector<16xi32>, vector<16xi1> -> vector<16xi32>
      %reduce_sum3A_635 = vector.extract %reduce_sum3A_634[15] : i32 from vector<16xi32>
      %multiple_of3A_636 = tpu.assume_multiple %reduce_sum3A_635, 8 : i32
      %jit3A_637 = arith.constant 0 : i32
      %broadcast_in_dim3A_638 = vector.broadcast %jit3A_637 : i32 to vector<16xi32>
      %select_n3A_639 = arith.select %eq3A_620, %and3A_31, %broadcast_in_dim3A_638 : vector<16xi1>, vector<16xi32>
      %reduce_sum3A_640 = arith.constant true
      %reduce_sum3A_641 = vector.broadcast %reduce_sum3A_640 : i1 to vector<16xi1>
      %reduce_sum3A_642 = tpu.scan <sum>, %select_n3A_639 masked %reduce_sum3A_641 : vector<16xi32>, vector<16xi1> -> vector<16xi32>
      %reduce_sum3A_643 = vector.extract %reduce_sum3A_642[15] : i32 from vector<16xi32>
      %jit3A_644 = arith.constant 0 : i32
      %broadcast_in_dim3A_645 = vector.broadcast %jit3A_644 : i32 to vector<16xi32>
      %select_n3A_646 = arith.select %eq3A_620, %and3A_34, %broadcast_in_dim3A_645 : vector<16xi1>, vector<16xi32>
      %reduce_sum3A_647 = arith.constant true
      %reduce_sum3A_648 = vector.broadcast %reduce_sum3A_647 : i1 to vector<16xi1>
      %reduce_sum3A_649 = tpu.scan <sum>, %select_n3A_646 masked %reduce_sum3A_648 : vector<16xi32>, vector<16xi1> -> vector<16xi32>
      %reduce_sum3A_650 = vector.extract %reduce_sum3A_649[15] : i32 from vector<16xi32>
      %dma_start3A_651 = arith.constant 10 : i32
      %dma_start3A_652 = arith.constant 0 : i32
      %dma_start3A_653 = arith.constant 0 : i32
      %dma_start3A_654 = tpu.memref_slice %arg9[%dma_start3A_651, %dma_start3A_652, %dma_start3A_653] : memref<16x8x64xf32, #tpu.memory_space<vmem>> -> memref<1x8x64xf32, #tpu.memory_space<vmem>>
      %dma_start3A_655 = tpu.memref_squeeze %dma_start3A_654 : memref<1x8x64xf32, #tpu.memory_space<vmem>> -> memref<8x64xf32, #tpu.memory_space<vmem>>
      %dma_start3A_656 = arith.constant 0 : i32
      %dma_start3A_657 = tpu.memref_slice %arg4[%multiple_of3A_628, %dma_start3A_656] : memref<1000000x64xf32, #tpu.memory_space<hbm>> -> memref<8x64xf32, #tpu.memory_space<hbm>>
      %dma_start3A_658 = arith.constant 0 : i32
      %dma_start3A_659 = arith.constant 0 : i32
      %dma_start3A_660 = tpu.memref_slice %arg9[%dma_start3A_651, %dma_start3A_658, %dma_start3A_659] : memref<16x8x64xf32, #tpu.memory_space<vmem>> -> memref<1x8x64xf32, #tpu.memory_space<vmem>>
      %dma_start3A_661 = tpu.memref_squeeze %dma_start3A_660 : memref<1x8x64xf32, #tpu.memory_space<vmem>> -> memref<8x64xf32, #tpu.memory_space<vmem>>
      %dma_start3A_662 = arith.constant 0 : i32
      %dma_start3A_663 = tpu.memref_slice %arg4[%multiple_of3A_628, %dma_start3A_662] : memref<1000000x64xf32, #tpu.memory_space<hbm>> -> memref<8x64xf32, #tpu.memory_space<hbm>>
      tpu.enqueue_dma source(%dma_start3A_663 : memref<8x64xf32, #tpu.memory_space<hbm>>) target(%dma_start3A_661 : memref<8x64xf32, #tpu.memory_space<vmem>>) target_semaphore(%arg12 : memref<!tpu.dma_semaphore, #tpu.memory_space<semaphore_mem>>)
      %dma_start3A_664 = arith.constant 10 : i32
      %dma_start3A_665 = arith.constant 0 : i32
      %dma_start3A_666 = arith.constant 0 : i32
      %dma_start3A_667 = tpu.memref_slice %arg10[%dma_start3A_664, %dma_start3A_665, %dma_start3A_666] : memref<16x8x64xf32, #tpu.memory_space<vmem>> -> memref<1x8x64xf32, #tpu.memory_space<vmem>>
      %dma_start3A_668 = tpu.memref_squeeze %dma_start3A_667 : memref<1x8x64xf32, #tpu.memory_space<vmem>> -> memref<8x64xf32, #tpu.memory_space<vmem>>
      %dma_start3A_669 = arith.constant 0 : i32
      %dma_start3A_670 = tpu.memref_slice %arg5[%multiple_of3A_636, %dma_start3A_669] : memref<1000000x64xf32, #tpu.memory_space<hbm>> -> memref<8x64xf32, #tpu.memory_space<hbm>>
      %dma_start3A_671 = arith.constant 0 : i32
      %dma_start3A_672 = arith.constant 0 : i32
      %dma_start3A_673 = tpu.memref_slice %arg10[%dma_start3A_664, %dma_start3A_671, %dma_start3A_672] : memref<16x8x64xf32, #tpu.memory_space<vmem>> -> memref<1x8x64xf32, #tpu.memory_space<vmem>>
      %dma_start3A_674 = tpu.memref_squeeze %dma_start3A_673 : memref<1x8x64xf32, #tpu.memory_space<vmem>> -> memref<8x64xf32, #tpu.memory_space<vmem>>
      %dma_start3A_675 = arith.constant 0 : i32
      %dma_start3A_676 = tpu.memref_slice %arg5[%multiple_of3A_636, %dma_start3A_675] : memref<1000000x64xf32, #tpu.memory_space<hbm>> -> memref<8x64xf32, #tpu.memory_space<hbm>>
      tpu.enqueue_dma source(%dma_start3A_676 : memref<8x64xf32, #tpu.memory_space<hbm>>) target(%dma_start3A_674 : memref<8x64xf32, #tpu.memory_space<vmem>>) target_semaphore(%arg13 : memref<!tpu.dma_semaphore, #tpu.memory_space<semaphore_mem>>)
      %eq3A_677 = arith.constant 11 : i32
      %eq3A_678 = vector.broadcast %eq3A_677 : i32 to vector<16xi32>
      %eq3A_679 = arith.cmpi eq, %iota3A, %eq3A_678 : vector<16xi32>
      %jit3A_680 = arith.constant 0 : i32
      %broadcast_in_dim3A_681 = vector.broadcast %jit3A_680 : i32 to vector<16xi32>
      %select_n3A_682 = arith.select %eq3A_679, %shift_left3A_23, %broadcast_in_dim3A_681 : vector<16xi1>, vector<16xi32>
      %reduce_sum3A_683 = arith.constant true
      %reduce_sum3A_684 = vector.broadcast %reduce_sum3A_683 : i1 to vector<16xi1>
      %reduce_sum3A_685 = tpu.scan <sum>, %select_n3A_682 masked %reduce_sum3A_684 : vector<16xi32>, vector<16xi1> -> vector<16xi32>
      %reduce_sum3A_686 = vector.extract %reduce_sum3A_685[15] : i32 from vector<16xi32>
      %multiple_of3A_687 = tpu.assume_multiple %reduce_sum3A_686, 8 : i32
      %jit3A_688 = arith.constant 0 : i32
      %broadcast_in_dim3A_689 = vector.broadcast %jit3A_688 : i32 to vector<16xi32>
      %select_n3A_690 = arith.select %eq3A_679, %shift_left3A_29, %broadcast_in_dim3A_689 : vector<16xi1>, vector<16xi32>
      %reduce_sum3A_691 = arith.constant true
      %reduce_sum3A_692 = vector.broadcast %reduce_sum3A_691 : i1 to vector<16xi1>
      %reduce_sum3A_693 = tpu.scan <sum>, %select_n3A_690 masked %reduce_sum3A_692 : vector<16xi32>, vector<16xi1> -> vector<16xi32>
      %reduce_sum3A_694 = vector.extract %reduce_sum3A_693[15] : i32 from vector<16xi32>
      %multiple_of3A_695 = tpu.assume_multiple %reduce_sum3A_694, 8 : i32
      %jit3A_696 = arith.constant 0 : i32
      %broadcast_in_dim3A_697 = vector.broadcast %jit3A_696 : i32 to vector<16xi32>
      %select_n3A_698 = arith.select %eq3A_679, %and3A_31, %broadcast_in_dim3A_697 : vector<16xi1>, vector<16xi32>
      %reduce_sum3A_699 = arith.constant true
      %reduce_sum3A_700 = vector.broadcast %reduce_sum3A_699 : i1 to vector<16xi1>
      %reduce_sum3A_701 = tpu.scan <sum>, %select_n3A_698 masked %reduce_sum3A_700 : vector<16xi32>, vector<16xi1> -> vector<16xi32>
      %reduce_sum3A_702 = vector.extract %reduce_sum3A_701[15] : i32 from vector<16xi32>
      %jit3A_703 = arith.constant 0 : i32
      %broadcast_in_dim3A_704 = vector.broadcast %jit3A_703 : i32 to vector<16xi32>
      %select_n3A_705 = arith.select %eq3A_679, %and3A_34, %broadcast_in_dim3A_704 : vector<16xi1>, vector<16xi32>
      %reduce_sum3A_706 = arith.constant true
      %reduce_sum3A_707 = vector.broadcast %reduce_sum3A_706 : i1 to vector<16xi1>
      %reduce_sum3A_708 = tpu.scan <sum>, %select_n3A_705 masked %reduce_sum3A_707 : vector<16xi32>, vector<16xi1> -> vector<16xi32>
      %reduce_sum3A_709 = vector.extract %reduce_sum3A_708[15] : i32 from vector<16xi32>
      %dma_start3A_710 = arith.constant 11 : i32
      %dma_start3A_711 = arith.constant 0 : i32
      %dma_start3A_712 = arith.constant 0 : i32
      %dma_start3A_713 = tpu.memref_slice %arg9[%dma_start3A_710, %dma_start3A_711, %dma_start3A_712] : memref<16x8x64xf32, #tpu.memory_space<vmem>> -> memref<1x8x64xf32, #tpu.memory_space<vmem>>
      %dma_start3A_714 = tpu.memref_squeeze %dma_start3A_713 : memref<1x8x64xf32, #tpu.memory_space<vmem>> -> memref<8x64xf32, #tpu.memory_space<vmem>>
      %dma_start3A_715 = arith.constant 0 : i32
      %dma_start3A_716 = tpu.memref_slice %arg4[%multiple_of3A_687, %dma_start3A_715] : memref<1000000x64xf32, #tpu.memory_space<hbm>> -> memref<8x64xf32, #tpu.memory_space<hbm>>
      %dma_start3A_717 = arith.constant 0 : i32
      %dma_start3A_718 = arith.constant 0 : i32
      %dma_start3A_719 = tpu.memref_slice %arg9[%dma_start3A_710, %dma_start3A_717, %dma_start3A_718] : memref<16x8x64xf32, #tpu.memory_space<vmem>> -> memref<1x8x64xf32, #tpu.memory_space<vmem>>
      %dma_start3A_720 = tpu.memref_squeeze %dma_start3A_719 : memref<1x8x64xf32, #tpu.memory_space<vmem>> -> memref<8x64xf32, #tpu.memory_space<vmem>>
      %dma_start3A_721 = arith.constant 0 : i32
      %dma_start3A_722 = tpu.memref_slice %arg4[%multiple_of3A_687, %dma_start3A_721] : memref<1000000x64xf32, #tpu.memory_space<hbm>> -> memref<8x64xf32, #tpu.memory_space<hbm>>
      tpu.enqueue_dma source(%dma_start3A_722 : memref<8x64xf32, #tpu.memory_space<hbm>>) target(%dma_start3A_720 : memref<8x64xf32, #tpu.memory_space<vmem>>) target_semaphore(%arg12 : memref<!tpu.dma_semaphore, #tpu.memory_space<semaphore_mem>>)
      %dma_start3A_723 = arith.constant 11 : i32
      %dma_start3A_724 = arith.constant 0 : i32
      %dma_start3A_725 = arith.constant 0 : i32
      %dma_start3A_726 = tpu.memref_slice %arg10[%dma_start3A_723, %dma_start3A_724, %dma_start3A_725] : memref<16x8x64xf32, #tpu.memory_space<vmem>> -> memref<1x8x64xf32, #tpu.memory_space<vmem>>
      %dma_start3A_727 = tpu.memref_squeeze %dma_start3A_726 : memref<1x8x64xf32, #tpu.memory_space<vmem>> -> memref<8x64xf32, #tpu.memory_space<vmem>>
      %dma_start3A_728 = arith.constant 0 : i32
      %dma_start3A_729 = tpu.memref_slice %arg5[%multiple_of3A_695, %dma_start3A_728] : memref<1000000x64xf32, #tpu.memory_space<hbm>> -> memref<8x64xf32, #tpu.memory_space<hbm>>
      %dma_start3A_730 = arith.constant 0 : i32
      %dma_start3A_731 = arith.constant 0 : i32
      %dma_start3A_732 = tpu.memref_slice %arg10[%dma_start3A_723, %dma_start3A_730, %dma_start3A_731] : memref<16x8x64xf32, #tpu.memory_space<vmem>> -> memref<1x8x64xf32, #tpu.memory_space<vmem>>
      %dma_start3A_733 = tpu.memref_squeeze %dma_start3A_732 : memref<1x8x64xf32, #tpu.memory_space<vmem>> -> memref<8x64xf32, #tpu.memory_space<vmem>>
      %dma_start3A_734 = arith.constant 0 : i32
      %dma_start3A_735 = tpu.memref_slice %arg5[%multiple_of3A_695, %dma_start3A_734] : memref<1000000x64xf32, #tpu.memory_space<hbm>> -> memref<8x64xf32, #tpu.memory_space<hbm>>
      tpu.enqueue_dma source(%dma_start3A_735 : memref<8x64xf32, #tpu.memory_space<hbm>>) target(%dma_start3A_733 : memref<8x64xf32, #tpu.memory_space<vmem>>) target_semaphore(%arg13 : memref<!tpu.dma_semaphore, #tpu.memory_space<semaphore_mem>>)
      %eq3A_736 = arith.constant 12 : i32
      %eq3A_737 = vector.broadcast %eq3A_736 : i32 to vector<16xi32>
      %eq3A_738 = arith.cmpi eq, %iota3A, %eq3A_737 : vector<16xi32>
      %jit3A_739 = arith.constant 0 : i32
      %broadcast_in_dim3A_740 = vector.broadcast %jit3A_739 : i32 to vector<16xi32>
      %select_n3A_741 = arith.select %eq3A_738, %shift_left3A_23, %broadcast_in_dim3A_740 : vector<16xi1>, vector<16xi32>
      %reduce_sum3A_742 = arith.constant true
      %reduce_sum3A_743 = vector.broadcast %reduce_sum3A_742 : i1 to vector<16xi1>
      %reduce_sum3A_744 = tpu.scan <sum>, %select_n3A_741 masked %reduce_sum3A_743 : vector<16xi32>, vector<16xi1> -> vector<16xi32>
      %reduce_sum3A_745 = vector.extract %reduce_sum3A_744[15] : i32 from vector<16xi32>
      %multiple_of3A_746 = tpu.assume_multiple %reduce_sum3A_745, 8 : i32
      %jit3A_747 = arith.constant 0 : i32
      %broadcast_in_dim3A_748 = vector.broadcast %jit3A_747 : i32 to vector<16xi32>
      %select_n3A_749 = arith.select %eq3A_738, %shift_left3A_29, %broadcast_in_dim3A_748 : vector<16xi1>, vector<16xi32>
      %reduce_sum3A_750 = arith.constant true
      %reduce_sum3A_751 = vector.broadcast %reduce_sum3A_750 : i1 to vector<16xi1>
      %reduce_sum3A_752 = tpu.scan <sum>, %select_n3A_749 masked %reduce_sum3A_751 : vector<16xi32>, vector<16xi1> -> vector<16xi32>
      %reduce_sum3A_753 = vector.extract %reduce_sum3A_752[15] : i32 from vector<16xi32>
      %multiple_of3A_754 = tpu.assume_multiple %reduce_sum3A_753, 8 : i32
      %jit3A_755 = arith.constant 0 : i32
      %broadcast_in_dim3A_756 = vector.broadcast %jit3A_755 : i32 to vector<16xi32>
      %select_n3A_757 = arith.select %eq3A_738, %and3A_31, %broadcast_in_dim3A_756 : vector<16xi1>, vector<16xi32>
      %reduce_sum3A_758 = arith.constant true
      %reduce_sum3A_759 = vector.broadcast %reduce_sum3A_758 : i1 to vector<16xi1>
      %reduce_sum3A_760 = tpu.scan <sum>, %select_n3A_757 masked %reduce_sum3A_759 : vector<16xi32>, vector<16xi1> -> vector<16xi32>
      %reduce_sum3A_761 = vector.extract %reduce_sum3A_760[15] : i32 from vector<16xi32>
      %jit3A_762 = arith.constant 0 : i32
      %broadcast_in_dim3A_763 = vector.broadcast %jit3A_762 : i32 to vector<16xi32>
      %select_n3A_764 = arith.select %eq3A_738, %and3A_34, %broadcast_in_dim3A_763 : vector<16xi1>, vector<16xi32>
      %reduce_sum3A_765 = arith.constant true
      %reduce_sum3A_766 = vector.broadcast %reduce_sum3A_765 : i1 to vector<16xi1>
      %reduce_sum3A_767 = tpu.scan <sum>, %select_n3A_764 masked %reduce_sum3A_766 : vector<16xi32>, vector<16xi1> -> vector<16xi32>
      %reduce_sum3A_768 = vector.extract %reduce_sum3A_767[15] : i32 from vector<16xi32>
      %dma_start3A_769 = arith.constant 12 : i32
      %dma_start3A_770 = arith.constant 0 : i32
      %dma_start3A_771 = arith.constant 0 : i32
      %dma_start3A_772 = tpu.memref_slice %arg9[%dma_start3A_769, %dma_start3A_770, %dma_start3A_771] : memref<16x8x64xf32, #tpu.memory_space<vmem>> -> memref<1x8x64xf32, #tpu.memory_space<vmem>>
      %dma_start3A_773 = tpu.memref_squeeze %dma_start3A_772 : memref<1x8x64xf32, #tpu.memory_space<vmem>> -> memref<8x64xf32, #tpu.memory_space<vmem>>
      %dma_start3A_774 = arith.constant 0 : i32
      %dma_start3A_775 = tpu.memref_slice %arg4[%multiple_of3A_746, %dma_start3A_774] : memref<1000000x64xf32, #tpu.memory_space<hbm>> -> memref<8x64xf32, #tpu.memory_space<hbm>>
      %dma_start3A_776 = arith.constant 0 : i32
      %dma_start3A_777 = arith.constant 0 : i32
      %dma_start3A_778 = tpu.memref_slice %arg9[%dma_start3A_769, %dma_start3A_776, %dma_start3A_777] : memref<16x8x64xf32, #tpu.memory_space<vmem>> -> memref<1x8x64xf32, #tpu.memory_space<vmem>>
      %dma_start3A_779 = tpu.memref_squeeze %dma_start3A_778 : memref<1x8x64xf32, #tpu.memory_space<vmem>> -> memref<8x64xf32, #tpu.memory_space<vmem>>
      %dma_start3A_780 = arith.constant 0 : i32
      %dma_start3A_781 = tpu.memref_slice %arg4[%multiple_of3A_746, %dma_start3A_780] : memref<1000000x64xf32, #tpu.memory_space<hbm>> -> memref<8x64xf32, #tpu.memory_space<hbm>>
      tpu.enqueue_dma source(%dma_start3A_781 : memref<8x64xf32, #tpu.memory_space<hbm>>) target(%dma_start3A_779 : memref<8x64xf32, #tpu.memory_space<vmem>>) target_semaphore(%arg12 : memref<!tpu.dma_semaphore, #tpu.memory_space<semaphore_mem>>)
      %dma_start3A_782 = arith.constant 12 : i32
      %dma_start3A_783 = arith.constant 0 : i32
      %dma_start3A_784 = arith.constant 0 : i32
      %dma_start3A_785 = tpu.memref_slice %arg10[%dma_start3A_782, %dma_start3A_783, %dma_start3A_784] : memref<16x8x64xf32, #tpu.memory_space<vmem>> -> memref<1x8x64xf32, #tpu.memory_space<vmem>>
      %dma_start3A_786 = tpu.memref_squeeze %dma_start3A_785 : memref<1x8x64xf32, #tpu.memory_space<vmem>> -> memref<8x64xf32, #tpu.memory_space<vmem>>
      %dma_start3A_787 = arith.constant 0 : i32
      %dma_start3A_788 = tpu.memref_slice %arg5[%multiple_of3A_754, %dma_start3A_787] : memref<1000000x64xf32, #tpu.memory_space<hbm>> -> memref<8x64xf32, #tpu.memory_space<hbm>>
      %dma_start3A_789 = arith.constant 0 : i32
      %dma_start3A_790 = arith.constant 0 : i32
      %dma_start3A_791 = tpu.memref_slice %arg10[%dma_start3A_782, %dma_start3A_789, %dma_start3A_790] : memref<16x8x64xf32, #tpu.memory_space<vmem>> -> memref<1x8x64xf32, #tpu.memory_space<vmem>>
      %dma_start3A_792 = tpu.memref_squeeze %dma_start3A_791 : memref<1x8x64xf32, #tpu.memory_space<vmem>> -> memref<8x64xf32, #tpu.memory_space<vmem>>
      %dma_start3A_793 = arith.constant 0 : i32
      %dma_start3A_794 = tpu.memref_slice %arg5[%multiple_of3A_754, %dma_start3A_793] : memref<1000000x64xf32, #tpu.memory_space<hbm>> -> memref<8x64xf32, #tpu.memory_space<hbm>>
      tpu.enqueue_dma source(%dma_start3A_794 : memref<8x64xf32, #tpu.memory_space<hbm>>) target(%dma_start3A_792 : memref<8x64xf32, #tpu.memory_space<vmem>>) target_semaphore(%arg13 : memref<!tpu.dma_semaphore, #tpu.memory_space<semaphore_mem>>)
      %eq3A_795 = arith.constant 13 : i32
      %eq3A_796 = vector.broadcast %eq3A_795 : i32 to vector<16xi32>
      %eq3A_797 = arith.cmpi eq, %iota3A, %eq3A_796 : vector<16xi32>
      %jit3A_798 = arith.constant 0 : i32
      %broadcast_in_dim3A_799 = vector.broadcast %jit3A_798 : i32 to vector<16xi32>
      %select_n3A_800 = arith.select %eq3A_797, %shift_left3A_23, %broadcast_in_dim3A_799 : vector<16xi1>, vector<16xi32>
      %reduce_sum3A_801 = arith.constant true
      %reduce_sum3A_802 = vector.broadcast %reduce_sum3A_801 : i1 to vector<16xi1>
      %reduce_sum3A_803 = tpu.scan <sum>, %select_n3A_800 masked %reduce_sum3A_802 : vector<16xi32>, vector<16xi1> -> vector<16xi32>
      %reduce_sum3A_804 = vector.extract %reduce_sum3A_803[15] : i32 from vector<16xi32>
      %multiple_of3A_805 = tpu.assume_multiple %reduce_sum3A_804, 8 : i32
      %jit3A_806 = arith.constant 0 : i32
      %broadcast_in_dim3A_807 = vector.broadcast %jit3A_806 : i32 to vector<16xi32>
      %select_n3A_808 = arith.select %eq3A_797, %shift_left3A_29, %broadcast_in_dim3A_807 : vector<16xi1>, vector<16xi32>
      %reduce_sum3A_809 = arith.constant true
      %reduce_sum3A_810 = vector.broadcast %reduce_sum3A_809 : i1 to vector<16xi1>
      %reduce_sum3A_811 = tpu.scan <sum>, %select_n3A_808 masked %reduce_sum3A_810 : vector<16xi32>, vector<16xi1> -> vector<16xi32>
      %reduce_sum3A_812 = vector.extract %reduce_sum3A_811[15] : i32 from vector<16xi32>
      %multiple_of3A_813 = tpu.assume_multiple %reduce_sum3A_812, 8 : i32
      %jit3A_814 = arith.constant 0 : i32
      %broadcast_in_dim3A_815 = vector.broadcast %jit3A_814 : i32 to vector<16xi32>
      %select_n3A_816 = arith.select %eq3A_797, %and3A_31, %broadcast_in_dim3A_815 : vector<16xi1>, vector<16xi32>
      %reduce_sum3A_817 = arith.constant true
      %reduce_sum3A_818 = vector.broadcast %reduce_sum3A_817 : i1 to vector<16xi1>
      %reduce_sum3A_819 = tpu.scan <sum>, %select_n3A_816 masked %reduce_sum3A_818 : vector<16xi32>, vector<16xi1> -> vector<16xi32>
      %reduce_sum3A_820 = vector.extract %reduce_sum3A_819[15] : i32 from vector<16xi32>
      %jit3A_821 = arith.constant 0 : i32
      %broadcast_in_dim3A_822 = vector.broadcast %jit3A_821 : i32 to vector<16xi32>
      %select_n3A_823 = arith.select %eq3A_797, %and3A_34, %broadcast_in_dim3A_822 : vector<16xi1>, vector<16xi32>
      %reduce_sum3A_824 = arith.constant true
      %reduce_sum3A_825 = vector.broadcast %reduce_sum3A_824 : i1 to vector<16xi1>
      %reduce_sum3A_826 = tpu.scan <sum>, %select_n3A_823 masked %reduce_sum3A_825 : vector<16xi32>, vector<16xi1> -> vector<16xi32>
      %reduce_sum3A_827 = vector.extract %reduce_sum3A_826[15] : i32 from vector<16xi32>
      %dma_start3A_828 = arith.constant 13 : i32
      %dma_start3A_829 = arith.constant 0 : i32
      %dma_start3A_830 = arith.constant 0 : i32
      %dma_start3A_831 = tpu.memref_slice %arg9[%dma_start3A_828, %dma_start3A_829, %dma_start3A_830] : memref<16x8x64xf32, #tpu.memory_space<vmem>> -> memref<1x8x64xf32, #tpu.memory_space<vmem>>
      %dma_start3A_832 = tpu.memref_squeeze %dma_start3A_831 : memref<1x8x64xf32, #tpu.memory_space<vmem>> -> memref<8x64xf32, #tpu.memory_space<vmem>>
      %dma_start3A_833 = arith.constant 0 : i32
      %dma_start3A_834 = tpu.memref_slice %arg4[%multiple_of3A_805, %dma_start3A_833] : memref<1000000x64xf32, #tpu.memory_space<hbm>> -> memref<8x64xf32, #tpu.memory_space<hbm>>
      %dma_start3A_835 = arith.constant 0 : i32
      %dma_start3A_836 = arith.constant 0 : i32
      %dma_start3A_837 = tpu.memref_slice %arg9[%dma_start3A_828, %dma_start3A_835, %dma_start3A_836] : memref<16x8x64xf32, #tpu.memory_space<vmem>> -> memref<1x8x64xf32, #tpu.memory_space<vmem>>
      %dma_start3A_838 = tpu.memref_squeeze %dma_start3A_837 : memref<1x8x64xf32, #tpu.memory_space<vmem>> -> memref<8x64xf32, #tpu.memory_space<vmem>>
      %dma_start3A_839 = arith.constant 0 : i32
      %dma_start3A_840 = tpu.memref_slice %arg4[%multiple_of3A_805, %dma_start3A_839] : memref<1000000x64xf32, #tpu.memory_space<hbm>> -> memref<8x64xf32, #tpu.memory_space<hbm>>
      tpu.enqueue_dma source(%dma_start3A_840 : memref<8x64xf32, #tpu.memory_space<hbm>>) target(%dma_start3A_838 : memref<8x64xf32, #tpu.memory_space<vmem>>) target_semaphore(%arg12 : memref<!tpu.dma_semaphore, #tpu.memory_space<semaphore_mem>>)
      %dma_start3A_841 = arith.constant 13 : i32
      %dma_start3A_842 = arith.constant 0 : i32
      %dma_start3A_843 = arith.constant 0 : i32
      %dma_start3A_844 = tpu.memref_slice %arg10[%dma_start3A_841, %dma_start3A_842, %dma_start3A_843] : memref<16x8x64xf32, #tpu.memory_space<vmem>> -> memref<1x8x64xf32, #tpu.memory_space<vmem>>
      %dma_start3A_845 = tpu.memref_squeeze %dma_start3A_844 : memref<1x8x64xf32, #tpu.memory_space<vmem>> -> memref<8x64xf32, #tpu.memory_space<vmem>>
      %dma_start3A_846 = arith.constant 0 : i32
      %dma_start3A_847 = tpu.memref_slice %arg5[%multiple_of3A_813, %dma_start3A_846] : memref<1000000x64xf32, #tpu.memory_space<hbm>> -> memref<8x64xf32, #tpu.memory_space<hbm>>
      %dma_start3A_848 = arith.constant 0 : i32
      %dma_start3A_849 = arith.constant 0 : i32
      %dma_start3A_850 = tpu.memref_slice %arg10[%dma_start3A_841, %dma_start3A_848, %dma_start3A_849] : memref<16x8x64xf32, #tpu.memory_space<vmem>> -> memref<1x8x64xf32, #tpu.memory_space<vmem>>
      %dma_start3A_851 = tpu.memref_squeeze %dma_start3A_850 : memref<1x8x64xf32, #tpu.memory_space<vmem>> -> memref<8x64xf32, #tpu.memory_space<vmem>>
      %dma_start3A_852 = arith.constant 0 : i32
      %dma_start3A_853 = tpu.memref_slice %arg5[%multiple_of3A_813, %dma_start3A_852] : memref<1000000x64xf32, #tpu.memory_space<hbm>> -> memref<8x64xf32, #tpu.memory_space<hbm>>
      tpu.enqueue_dma source(%dma_start3A_853 : memref<8x64xf32, #tpu.memory_space<hbm>>) target(%dma_start3A_851 : memref<8x64xf32, #tpu.memory_space<vmem>>) target_semaphore(%arg13 : memref<!tpu.dma_semaphore, #tpu.memory_space<semaphore_mem>>)
      %eq3A_854 = arith.constant 14 : i32
      %eq3A_855 = vector.broadcast %eq3A_854 : i32 to vector<16xi32>
      %eq3A_856 = arith.cmpi eq, %iota3A, %eq3A_855 : vector<16xi32>
      %jit3A_857 = arith.constant 0 : i32
      %broadcast_in_dim3A_858 = vector.broadcast %jit3A_857 : i32 to vector<16xi32>
      %select_n3A_859 = arith.select %eq3A_856, %shift_left3A_23, %broadcast_in_dim3A_858 : vector<16xi1>, vector<16xi32>
      %reduce_sum3A_860 = arith.constant true
      %reduce_sum3A_861 = vector.broadcast %reduce_sum3A_860 : i1 to vector<16xi1>
      %reduce_sum3A_862 = tpu.scan <sum>, %select_n3A_859 masked %reduce_sum3A_861 : vector<16xi32>, vector<16xi1> -> vector<16xi32>
      %reduce_sum3A_863 = vector.extract %reduce_sum3A_862[15] : i32 from vector<16xi32>
      %multiple_of3A_864 = tpu.assume_multiple %reduce_sum3A_863, 8 : i32
      %jit3A_865 = arith.constant 0 : i32
      %broadcast_in_dim3A_866 = vector.broadcast %jit3A_865 : i32 to vector<16xi32>
      %select_n3A_867 = arith.select %eq3A_856, %shift_left3A_29, %broadcast_in_dim3A_866 : vector<16xi1>, vector<16xi32>
      %reduce_sum3A_868 = arith.constant true
      %reduce_sum3A_869 = vector.broadcast %reduce_sum3A_868 : i1 to vector<16xi1>
      %reduce_sum3A_870 = tpu.scan <sum>, %select_n3A_867 masked %reduce_sum3A_869 : vector<16xi32>, vector<16xi1> -> vector<16xi32>
      %reduce_sum3A_871 = vector.extract %reduce_sum3A_870[15] : i32 from vector<16xi32>
      %multiple_of3A_872 = tpu.assume_multiple %reduce_sum3A_871, 8 : i32
      %jit3A_873 = arith.constant 0 : i32
      %broadcast_in_dim3A_874 = vector.broadcast %jit3A_873 : i32 to vector<16xi32>
      %select_n3A_875 = arith.select %eq3A_856, %and3A_31, %broadcast_in_dim3A_874 : vector<16xi1>, vector<16xi32>
      %reduce_sum3A_876 = arith.constant true
      %reduce_sum3A_877 = vector.broadcast %reduce_sum3A_876 : i1 to vector<16xi1>
      %reduce_sum3A_878 = tpu.scan <sum>, %select_n3A_875 masked %reduce_sum3A_877 : vector<16xi32>, vector<16xi1> -> vector<16xi32>
      %reduce_sum3A_879 = vector.extract %reduce_sum3A_878[15] : i32 from vector<16xi32>
      %jit3A_880 = arith.constant 0 : i32
      %broadcast_in_dim3A_881 = vector.broadcast %jit3A_880 : i32 to vector<16xi32>
      %select_n3A_882 = arith.select %eq3A_856, %and3A_34, %broadcast_in_dim3A_881 : vector<16xi1>, vector<16xi32>
      %reduce_sum3A_883 = arith.constant true
      %reduce_sum3A_884 = vector.broadcast %reduce_sum3A_883 : i1 to vector<16xi1>
      %reduce_sum3A_885 = tpu.scan <sum>, %select_n3A_882 masked %reduce_sum3A_884 : vector<16xi32>, vector<16xi1> -> vector<16xi32>
      %reduce_sum3A_886 = vector.extract %reduce_sum3A_885[15] : i32 from vector<16xi32>
      %dma_start3A_887 = arith.constant 14 : i32
      %dma_start3A_888 = arith.constant 0 : i32
      %dma_start3A_889 = arith.constant 0 : i32
      %dma_start3A_890 = tpu.memref_slice %arg9[%dma_start3A_887, %dma_start3A_888, %dma_start3A_889] : memref<16x8x64xf32, #tpu.memory_space<vmem>> -> memref<1x8x64xf32, #tpu.memory_space<vmem>>
      %dma_start3A_891 = tpu.memref_squeeze %dma_start3A_890 : memref<1x8x64xf32, #tpu.memory_space<vmem>> -> memref<8x64xf32, #tpu.memory_space<vmem>>
      %dma_start3A_892 = arith.constant 0 : i32
      %dma_start3A_893 = tpu.memref_slice %arg4[%multiple_of3A_864, %dma_start3A_892] : memref<1000000x64xf32, #tpu.memory_space<hbm>> -> memref<8x64xf32, #tpu.memory_space<hbm>>
      %dma_start3A_894 = arith.constant 0 : i32
      %dma_start3A_895 = arith.constant 0 : i32
      %dma_start3A_896 = tpu.memref_slice %arg9[%dma_start3A_887, %dma_start3A_894, %dma_start3A_895] : memref<16x8x64xf32, #tpu.memory_space<vmem>> -> memref<1x8x64xf32, #tpu.memory_space<vmem>>
      %dma_start3A_897 = tpu.memref_squeeze %dma_start3A_896 : memref<1x8x64xf32, #tpu.memory_space<vmem>> -> memref<8x64xf32, #tpu.memory_space<vmem>>
      %dma_start3A_898 = arith.constant 0 : i32
      %dma_start3A_899 = tpu.memref_slice %arg4[%multiple_of3A_864, %dma_start3A_898] : memref<1000000x64xf32, #tpu.memory_space<hbm>> -> memref<8x64xf32, #tpu.memory_space<hbm>>
      tpu.enqueue_dma source(%dma_start3A_899 : memref<8x64xf32, #tpu.memory_space<hbm>>) target(%dma_start3A_897 : memref<8x64xf32, #tpu.memory_space<vmem>>) target_semaphore(%arg12 : memref<!tpu.dma_semaphore, #tpu.memory_space<semaphore_mem>>)
      %dma_start3A_900 = arith.constant 14 : i32
      %dma_start3A_901 = arith.constant 0 : i32
      %dma_start3A_902 = arith.constant 0 : i32
      %dma_start3A_903 = tpu.memref_slice %arg10[%dma_start3A_900, %dma_start3A_901, %dma_start3A_902] : memref<16x8x64xf32, #tpu.memory_space<vmem>> -> memref<1x8x64xf32, #tpu.memory_space<vmem>>
      %dma_start3A_904 = tpu.memref_squeeze %dma_start3A_903 : memref<1x8x64xf32, #tpu.memory_space<vmem>> -> memref<8x64xf32, #tpu.memory_space<vmem>>
      %dma_start3A_905 = arith.constant 0 : i32
      %dma_start3A_906 = tpu.memref_slice %arg5[%multiple_of3A_872, %dma_start3A_905] : memref<1000000x64xf32, #tpu.memory_space<hbm>> -> memref<8x64xf32, #tpu.memory_space<hbm>>
      %dma_start3A_907 = arith.constant 0 : i32
      %dma_start3A_908 = arith.constant 0 : i32
      %dma_start3A_909 = tpu.memref_slice %arg10[%dma_start3A_900, %dma_start3A_907, %dma_start3A_908] : memref<16x8x64xf32, #tpu.memory_space<vmem>> -> memref<1x8x64xf32, #tpu.memory_space<vmem>>
      %dma_start3A_910 = tpu.memref_squeeze %dma_start3A_909 : memref<1x8x64xf32, #tpu.memory_space<vmem>> -> memref<8x64xf32, #tpu.memory_space<vmem>>
      %dma_start3A_911 = arith.constant 0 : i32
      %dma_start3A_912 = tpu.memref_slice %arg5[%multiple_of3A_872, %dma_start3A_911] : memref<1000000x64xf32, #tpu.memory_space<hbm>> -> memref<8x64xf32, #tpu.memory_space<hbm>>
      tpu.enqueue_dma source(%dma_start3A_912 : memref<8x64xf32, #tpu.memory_space<hbm>>) target(%dma_start3A_910 : memref<8x64xf32, #tpu.memory_space<vmem>>) target_semaphore(%arg13 : memref<!tpu.dma_semaphore, #tpu.memory_space<semaphore_mem>>)
      %eq3A_913 = arith.constant 15 : i32
      %eq3A_914 = vector.broadcast %eq3A_913 : i32 to vector<16xi32>
      %eq3A_915 = arith.cmpi eq, %iota3A, %eq3A_914 : vector<16xi32>
      %jit3A_916 = arith.constant 0 : i32
      %broadcast_in_dim3A_917 = vector.broadcast %jit3A_916 : i32 to vector<16xi32>
      %select_n3A_918 = arith.select %eq3A_915, %shift_left3A_23, %broadcast_in_dim3A_917 : vector<16xi1>, vector<16xi32>
      %reduce_sum3A_919 = arith.constant true
      %reduce_sum3A_920 = vector.broadcast %reduce_sum3A_919 : i1 to vector<16xi1>
      %reduce_sum3A_921 = tpu.scan <sum>, %select_n3A_918 masked %reduce_sum3A_920 : vector<16xi32>, vector<16xi1> -> vector<16xi32>
      %reduce_sum3A_922 = vector.extract %reduce_sum3A_921[15] : i32 from vector<16xi32>
      %multiple_of3A_923 = tpu.assume_multiple %reduce_sum3A_922, 8 : i32
      %jit3A_924 = arith.constant 0 : i32
      %broadcast_in_dim3A_925 = vector.broadcast %jit3A_924 : i32 to vector<16xi32>
      %select_n3A_926 = arith.select %eq3A_915, %shift_left3A_29, %broadcast_in_dim3A_925 : vector<16xi1>, vector<16xi32>
      %reduce_sum3A_927 = arith.constant true
      %reduce_sum3A_928 = vector.broadcast %reduce_sum3A_927 : i1 to vector<16xi1>
      %reduce_sum3A_929 = tpu.scan <sum>, %select_n3A_926 masked %reduce_sum3A_928 : vector<16xi32>, vector<16xi1> -> vector<16xi32>
      %reduce_sum3A_930 = vector.extract %reduce_sum3A_929[15] : i32 from vector<16xi32>
      %multiple_of3A_931 = tpu.assume_multiple %reduce_sum3A_930, 8 : i32
      %jit3A_932 = arith.constant 0 : i32
      %broadcast_in_dim3A_933 = vector.broadcast %jit3A_932 : i32 to vector<16xi32>
      %select_n3A_934 = arith.select %eq3A_915, %and3A_31, %broadcast_in_dim3A_933 : vector<16xi1>, vector<16xi32>
      %reduce_sum3A_935 = arith.constant true
      %reduce_sum3A_936 = vector.broadcast %reduce_sum3A_935 : i1 to vector<16xi1>
      %reduce_sum3A_937 = tpu.scan <sum>, %select_n3A_934 masked %reduce_sum3A_936 : vector<16xi32>, vector<16xi1> -> vector<16xi32>
      %reduce_sum3A_938 = vector.extract %reduce_sum3A_937[15] : i32 from vector<16xi32>
      %jit3A_939 = arith.constant 0 : i32
      %broadcast_in_dim3A_940 = vector.broadcast %jit3A_939 : i32 to vector<16xi32>
      %select_n3A_941 = arith.select %eq3A_915, %and3A_34, %broadcast_in_dim3A_940 : vector<16xi1>, vector<16xi32>
      %reduce_sum3A_942 = arith.constant true
      %reduce_sum3A_943 = vector.broadcast %reduce_sum3A_942 : i1 to vector<16xi1>
      %reduce_sum3A_944 = tpu.scan <sum>, %select_n3A_941 masked %reduce_sum3A_943 : vector<16xi32>, vector<16xi1> -> vector<16xi32>
      %reduce_sum3A_945 = vector.extract %reduce_sum3A_944[15] : i32 from vector<16xi32>
      %dma_start3A_946 = arith.constant 15 : i32
      %dma_start3A_947 = arith.constant 0 : i32
      %dma_start3A_948 = arith.constant 0 : i32
      %dma_start3A_949 = tpu.memref_slice %arg9[%dma_start3A_946, %dma_start3A_947, %dma_start3A_948] : memref<16x8x64xf32, #tpu.memory_space<vmem>> -> memref<1x8x64xf32, #tpu.memory_space<vmem>>
      %dma_start3A_950 = tpu.memref_squeeze %dma_start3A_949 : memref<1x8x64xf32, #tpu.memory_space<vmem>> -> memref<8x64xf32, #tpu.memory_space<vmem>>
      %dma_start3A_951 = arith.constant 0 : i32
      %dma_start3A_952 = tpu.memref_slice %arg4[%multiple_of3A_923, %dma_start3A_951] : memref<1000000x64xf32, #tpu.memory_space<hbm>> -> memref<8x64xf32, #tpu.memory_space<hbm>>
      %dma_start3A_953 = arith.constant 0 : i32
      %dma_start3A_954 = arith.constant 0 : i32
      %dma_start3A_955 = tpu.memref_slice %arg9[%dma_start3A_946, %dma_start3A_953, %dma_start3A_954] : memref<16x8x64xf32, #tpu.memory_space<vmem>> -> memref<1x8x64xf32, #tpu.memory_space<vmem>>
      %dma_start3A_956 = tpu.memref_squeeze %dma_start3A_955 : memref<1x8x64xf32, #tpu.memory_space<vmem>> -> memref<8x64xf32, #tpu.memory_space<vmem>>
      %dma_start3A_957 = arith.constant 0 : i32
      %dma_start3A_958 = tpu.memref_slice %arg4[%multiple_of3A_923, %dma_start3A_957] : memref<1000000x64xf32, #tpu.memory_space<hbm>> -> memref<8x64xf32, #tpu.memory_space<hbm>>
      tpu.enqueue_dma source(%dma_start3A_958 : memref<8x64xf32, #tpu.memory_space<hbm>>) target(%dma_start3A_956 : memref<8x64xf32, #tpu.memory_space<vmem>>) target_semaphore(%arg12 : memref<!tpu.dma_semaphore, #tpu.memory_space<semaphore_mem>>)
      %dma_start3A_959 = arith.constant 15 : i32
      %dma_start3A_960 = arith.constant 0 : i32
      %dma_start3A_961 = arith.constant 0 : i32
      %dma_start3A_962 = tpu.memref_slice %arg10[%dma_start3A_959, %dma_start3A_960, %dma_start3A_961] : memref<16x8x64xf32, #tpu.memory_space<vmem>> -> memref<1x8x64xf32, #tpu.memory_space<vmem>>
      %dma_start3A_963 = tpu.memref_squeeze %dma_start3A_962 : memref<1x8x64xf32, #tpu.memory_space<vmem>> -> memref<8x64xf32, #tpu.memory_space<vmem>>
      %dma_start3A_964 = arith.constant 0 : i32
      %dma_start3A_965 = tpu.memref_slice %arg5[%multiple_of3A_931, %dma_start3A_964] : memref<1000000x64xf32, #tpu.memory_space<hbm>> -> memref<8x64xf32, #tpu.memory_space<hbm>>
      %dma_start3A_966 = arith.constant 0 : i32
      %dma_start3A_967 = arith.constant 0 : i32
      %dma_start3A_968 = tpu.memref_slice %arg10[%dma_start3A_959, %dma_start3A_966, %dma_start3A_967] : memref<16x8x64xf32, #tpu.memory_space<vmem>> -> memref<1x8x64xf32, #tpu.memory_space<vmem>>
      %dma_start3A_969 = tpu.memref_squeeze %dma_start3A_968 : memref<1x8x64xf32, #tpu.memory_space<vmem>> -> memref<8x64xf32, #tpu.memory_space<vmem>>
      %dma_start3A_970 = arith.constant 0 : i32
      %dma_start3A_971 = tpu.memref_slice %arg5[%multiple_of3A_931, %dma_start3A_970] : memref<1000000x64xf32, #tpu.memory_space<hbm>> -> memref<8x64xf32, #tpu.memory_space<hbm>>
      tpu.enqueue_dma source(%dma_start3A_971 : memref<8x64xf32, #tpu.memory_space<hbm>>) target(%dma_start3A_969 : memref<8x64xf32, #tpu.memory_space<vmem>>) target_semaphore(%arg13 : memref<!tpu.dma_semaphore, #tpu.memory_space<semaphore_mem>>)
      %dma_wait3A = arith.constant 0 : i32
      %dma_wait3A_972 = arith.constant 0 : i32
      %dma_wait3A_973 = arith.constant 0 : i32
      %dma_wait3A_974 = tpu.memref_slice %arg9[%dma_wait3A, %dma_wait3A_972, %dma_wait3A_973] : memref<16x8x64xf32, #tpu.memory_space<vmem>> -> memref<1x8x64xf32, #tpu.memory_space<vmem>>
      %dma_wait3A_975 = tpu.memref_squeeze %dma_wait3A_974 : memref<1x8x64xf32, #tpu.memory_space<vmem>> -> memref<8x64xf32, #tpu.memory_space<vmem>>
      %dma_wait3A_976 = arith.constant 0 : i32
      %dma_wait3A_977 = tpu.memref_slice %arg4[%multiple_of3A, %dma_wait3A_976] : memref<1000000x64xf32, #tpu.memory_space<hbm>> -> memref<8x64xf32, #tpu.memory_space<hbm>>
      %dma_wait3A_978 = arith.constant 0 : i32
      %dma_wait3A_979 = arith.constant 0 : i32
      %dma_wait3A_980 = tpu.memref_slice %arg9[%dma_wait3A, %dma_wait3A_978, %dma_wait3A_979] : memref<16x8x64xf32, #tpu.memory_space<vmem>> -> memref<1x8x64xf32, #tpu.memory_space<vmem>>
      %dma_wait3A_981 = tpu.memref_squeeze %dma_wait3A_980 : memref<1x8x64xf32, #tpu.memory_space<vmem>> -> memref<8x64xf32, #tpu.memory_space<vmem>>
      %dma_wait3A_982 = arith.constant 0 : i32
      %dma_wait3A_983 = tpu.memref_slice %arg4[%multiple_of3A, %dma_wait3A_982] : memref<1000000x64xf32, #tpu.memory_space<hbm>> -> memref<8x64xf32, #tpu.memory_space<hbm>>
      tpu.wait_dma2 semaphore(%arg12 : memref<!tpu.dma_semaphore, #tpu.memory_space<semaphore_mem>>) src(%dma_wait3A_983 : memref<8x64xf32, #tpu.memory_space<hbm>>) dst(%dma_wait3A_981 : memref<8x64xf32, #tpu.memory_space<vmem>>)
      %dma_wait3A_984 = arith.constant 0 : i32
      %dma_wait3A_985 = arith.constant 0 : i32
      %dma_wait3A_986 = arith.constant 0 : i32
      %dma_wait3A_987 = tpu.memref_slice %arg10[%dma_wait3A_984, %dma_wait3A_985, %dma_wait3A_986] : memref<16x8x64xf32, #tpu.memory_space<vmem>> -> memref<1x8x64xf32, #tpu.memory_space<vmem>>
      %dma_wait3A_988 = tpu.memref_squeeze %dma_wait3A_987 : memref<1x8x64xf32, #tpu.memory_space<vmem>> -> memref<8x64xf32, #tpu.memory_space<vmem>>
      %dma_wait3A_989 = arith.constant 0 : i32
      %dma_wait3A_990 = tpu.memref_slice %arg5[%multiple_of3A_47, %dma_wait3A_989] : memref<1000000x64xf32, #tpu.memory_space<hbm>> -> memref<8x64xf32, #tpu.memory_space<hbm>>
      %dma_wait3A_991 = arith.constant 0 : i32
      %dma_wait3A_992 = arith.constant 0 : i32
      %dma_wait3A_993 = tpu.memref_slice %arg10[%dma_wait3A_984, %dma_wait3A_991, %dma_wait3A_992] : memref<16x8x64xf32, #tpu.memory_space<vmem>> -> memref<1x8x64xf32, #tpu.memory_space<vmem>>
      %dma_wait3A_994 = tpu.memref_squeeze %dma_wait3A_993 : memref<1x8x64xf32, #tpu.memory_space<vmem>> -> memref<8x64xf32, #tpu.memory_space<vmem>>
      %dma_wait3A_995 = arith.constant 0 : i32
      %dma_wait3A_996 = tpu.memref_slice %arg5[%multiple_of3A_47, %dma_wait3A_995] : memref<1000000x64xf32, #tpu.memory_space<hbm>> -> memref<8x64xf32, #tpu.memory_space<hbm>>
      tpu.wait_dma2 semaphore(%arg13 : memref<!tpu.dma_semaphore, #tpu.memory_space<semaphore_mem>>) src(%dma_wait3A_996 : memref<8x64xf32, #tpu.memory_space<hbm>>) dst(%dma_wait3A_994 : memref<8x64xf32, #tpu.memory_space<vmem>>)
      %dma_wait3A_997 = arith.constant 1 : i32
      %dma_wait3A_998 = arith.constant 0 : i32
      %dma_wait3A_999 = arith.constant 0 : i32
      %dma_wait3A_1000 = tpu.memref_slice %arg9[%dma_wait3A_997, %dma_wait3A_998, %dma_wait3A_999] : memref<16x8x64xf32, #tpu.memory_space<vmem>> -> memref<1x8x64xf32, #tpu.memory_space<vmem>>
      %dma_wait3A_1001 = tpu.memref_squeeze %dma_wait3A_1000 : memref<1x8x64xf32, #tpu.memory_space<vmem>> -> memref<8x64xf32, #tpu.memory_space<vmem>>
      %dma_wait3A_1002 = arith.constant 0 : i32
      %dma_wait3A_1003 = tpu.memref_slice %arg4[%multiple_of3A_97, %dma_wait3A_1002] : memref<1000000x64xf32, #tpu.memory_space<hbm>> -> memref<8x64xf32, #tpu.memory_space<hbm>>
      %dma_wait3A_1004 = arith.constant 0 : i32
      %dma_wait3A_1005 = arith.constant 0 : i32
      %dma_wait3A_1006 = tpu.memref_slice %arg9[%dma_wait3A_997, %dma_wait3A_1004, %dma_wait3A_1005] : memref<16x8x64xf32, #tpu.memory_space<vmem>> -> memref<1x8x64xf32, #tpu.memory_space<vmem>>
      %dma_wait3A_1007 = tpu.memref_squeeze %dma_wait3A_1006 : memref<1x8x64xf32, #tpu.memory_space<vmem>> -> memref<8x64xf32, #tpu.memory_space<vmem>>
      %dma_wait3A_1008 = arith.constant 0 : i32
      %dma_wait3A_1009 = tpu.memref_slice %arg4[%multiple_of3A_97, %dma_wait3A_1008] : memref<1000000x64xf32, #tpu.memory_space<hbm>> -> memref<8x64xf32, #tpu.memory_space<hbm>>
      tpu.wait_dma2 semaphore(%arg12 : memref<!tpu.dma_semaphore, #tpu.memory_space<semaphore_mem>>) src(%dma_wait3A_1009 : memref<8x64xf32, #tpu.memory_space<hbm>>) dst(%dma_wait3A_1007 : memref<8x64xf32, #tpu.memory_space<vmem>>)
      %dma_wait3A_1010 = arith.constant 1 : i32
      %dma_wait3A_1011 = arith.constant 0 : i32
      %dma_wait3A_1012 = arith.constant 0 : i32
      %dma_wait3A_1013 = tpu.memref_slice %arg10[%dma_wait3A_1010, %dma_wait3A_1011, %dma_wait3A_1012] : memref<16x8x64xf32, #tpu.memory_space<vmem>> -> memref<1x8x64xf32, #tpu.memory_space<vmem>>
      %dma_wait3A_1014 = tpu.memref_squeeze %dma_wait3A_1013 : memref<1x8x64xf32, #tpu.memory_space<vmem>> -> memref<8x64xf32, #tpu.memory_space<vmem>>
      %dma_wait3A_1015 = arith.constant 0 : i32
      %dma_wait3A_1016 = tpu.memref_slice %arg5[%multiple_of3A_105, %dma_wait3A_1015] : memref<1000000x64xf32, #tpu.memory_space<hbm>> -> memref<8x64xf32, #tpu.memory_space<hbm>>
      %dma_wait3A_1017 = arith.constant 0 : i32
      %dma_wait3A_1018 = arith.constant 0 : i32
      %dma_wait3A_1019 = tpu.memref_slice %arg10[%dma_wait3A_1010, %dma_wait3A_1017, %dma_wait3A_1018] : memref<16x8x64xf32, #tpu.memory_space<vmem>> -> memref<1x8x64xf32, #tpu.memory_space<vmem>>
      %dma_wait3A_1020 = tpu.memref_squeeze %dma_wait3A_1019 : memref<1x8x64xf32, #tpu.memory_space<vmem>> -> memref<8x64xf32, #tpu.memory_space<vmem>>
      %dma_wait3A_1021 = arith.constant 0 : i32
      %dma_wait3A_1022 = tpu.memref_slice %arg5[%multiple_of3A_105, %dma_wait3A_1021] : memref<1000000x64xf32, #tpu.memory_space<hbm>> -> memref<8x64xf32, #tpu.memory_space<hbm>>
      tpu.wait_dma2 semaphore(%arg13 : memref<!tpu.dma_semaphore, #tpu.memory_space<semaphore_mem>>) src(%dma_wait3A_1022 : memref<8x64xf32, #tpu.memory_space<hbm>>) dst(%dma_wait3A_1020 : memref<8x64xf32, #tpu.memory_space<vmem>>)
      %dma_wait3A_1023 = arith.constant 2 : i32
      %dma_wait3A_1024 = arith.constant 0 : i32
      %dma_wait3A_1025 = arith.constant 0 : i32
      %dma_wait3A_1026 = tpu.memref_slice %arg9[%dma_wait3A_1023, %dma_wait3A_1024, %dma_wait3A_1025] : memref<16x8x64xf32, #tpu.memory_space<vmem>> -> memref<1x8x64xf32, #tpu.memory_space<vmem>>
      %dma_wait3A_1027 = tpu.memref_squeeze %dma_wait3A_1026 : memref<1x8x64xf32, #tpu.memory_space<vmem>> -> memref<8x64xf32, #tpu.memory_space<vmem>>
      %dma_wait3A_1028 = arith.constant 0 : i32
      %dma_wait3A_1029 = tpu.memref_slice %arg4[%multiple_of3A_156, %dma_wait3A_1028] : memref<1000000x64xf32, #tpu.memory_space<hbm>> -> memref<8x64xf32, #tpu.memory_space<hbm>>
      %dma_wait3A_1030 = arith.constant 0 : i32
      %dma_wait3A_1031 = arith.constant 0 : i32
      %dma_wait3A_1032 = tpu.memref_slice %arg9[%dma_wait3A_1023, %dma_wait3A_1030, %dma_wait3A_1031] : memref<16x8x64xf32, #tpu.memory_space<vmem>> -> memref<1x8x64xf32, #tpu.memory_space<vmem>>
      %dma_wait3A_1033 = tpu.memref_squeeze %dma_wait3A_1032 : memref<1x8x64xf32, #tpu.memory_space<vmem>> -> memref<8x64xf32, #tpu.memory_space<vmem>>
      %dma_wait3A_1034 = arith.constant 0 : i32
      %dma_wait3A_1035 = tpu.memref_slice %arg4[%multiple_of3A_156, %dma_wait3A_1034] : memref<1000000x64xf32, #tpu.memory_space<hbm>> -> memref<8x64xf32, #tpu.memory_space<hbm>>
      tpu.wait_dma2 semaphore(%arg12 : memref<!tpu.dma_semaphore, #tpu.memory_space<semaphore_mem>>) src(%dma_wait3A_1035 : memref<8x64xf32, #tpu.memory_space<hbm>>) dst(%dma_wait3A_1033 : memref<8x64xf32, #tpu.memory_space<vmem>>)
      %dma_wait3A_1036 = arith.constant 2 : i32
      %dma_wait3A_1037 = arith.constant 0 : i32
      %dma_wait3A_1038 = arith.constant 0 : i32
      %dma_wait3A_1039 = tpu.memref_slice %arg10[%dma_wait3A_1036, %dma_wait3A_1037, %dma_wait3A_1038] : memref<16x8x64xf32, #tpu.memory_space<vmem>> -> memref<1x8x64xf32, #tpu.memory_space<vmem>>
      %dma_wait3A_1040 = tpu.memref_squeeze %dma_wait3A_1039 : memref<1x8x64xf32, #tpu.memory_space<vmem>> -> memref<8x64xf32, #tpu.memory_space<vmem>>
      %dma_wait3A_1041 = arith.constant 0 : i32
      %dma_wait3A_1042 = tpu.memref_slice %arg5[%multiple_of3A_164, %dma_wait3A_1041] : memref<1000000x64xf32, #tpu.memory_space<hbm>> -> memref<8x64xf32, #tpu.memory_space<hbm>>
      %dma_wait3A_1043 = arith.constant 0 : i32
      %dma_wait3A_1044 = arith.constant 0 : i32
      %dma_wait3A_1045 = tpu.memref_slice %arg10[%dma_wait3A_1036, %dma_wait3A_1043, %dma_wait3A_1044] : memref<16x8x64xf32, #tpu.memory_space<vmem>> -> memref<1x8x64xf32, #tpu.memory_space<vmem>>
      %dma_wait3A_1046 = tpu.memref_squeeze %dma_wait3A_1045 : memref<1x8x64xf32, #tpu.memory_space<vmem>> -> memref<8x64xf32, #tpu.memory_space<vmem>>
      %dma_wait3A_1047 = arith.constant 0 : i32
      %dma_wait3A_1048 = tpu.memref_slice %arg5[%multiple_of3A_164, %dma_wait3A_1047] : memref<1000000x64xf32, #tpu.memory_space<hbm>> -> memref<8x64xf32, #tpu.memory_space<hbm>>
      tpu.wait_dma2 semaphore(%arg13 : memref<!tpu.dma_semaphore, #tpu.memory_space<semaphore_mem>>) src(%dma_wait3A_1048 : memref<8x64xf32, #tpu.memory_space<hbm>>) dst(%dma_wait3A_1046 : memref<8x64xf32, #tpu.memory_space<vmem>>)
      %dma_wait3A_1049 = arith.constant 3 : i32
      %dma_wait3A_1050 = arith.constant 0 : i32
      %dma_wait3A_1051 = arith.constant 0 : i32
      %dma_wait3A_1052 = tpu.memref_slice %arg9[%dma_wait3A_1049, %dma_wait3A_1050, %dma_wait3A_1051] : memref<16x8x64xf32, #tpu.memory_space<vmem>> -> memref<1x8x64xf32, #tpu.memory_space<vmem>>
      %dma_wait3A_1053 = tpu.memref_squeeze %dma_wait3A_1052 : memref<1x8x64xf32, #tpu.memory_space<vmem>> -> memref<8x64xf32, #tpu.memory_space<vmem>>
      %dma_wait3A_1054 = arith.constant 0 : i32
      %dma_wait3A_1055 = tpu.memref_slice %arg4[%multiple_of3A_215, %dma_wait3A_1054] : memref<1000000x64xf32, #tpu.memory_space<hbm>> -> memref<8x64xf32, #tpu.memory_space<hbm>>
      %dma_wait3A_1056 = arith.constant 0 : i32
      %dma_wait3A_1057 = arith.constant 0 : i32
      %dma_wait3A_1058 = tpu.memref_slice %arg9[%dma_wait3A_1049, %dma_wait3A_1056, %dma_wait3A_1057] : memref<16x8x64xf32, #tpu.memory_space<vmem>> -> memref<1x8x64xf32, #tpu.memory_space<vmem>>
      %dma_wait3A_1059 = tpu.memref_squeeze %dma_wait3A_1058 : memref<1x8x64xf32, #tpu.memory_space<vmem>> -> memref<8x64xf32, #tpu.memory_space<vmem>>
      %dma_wait3A_1060 = arith.constant 0 : i32
      %dma_wait3A_1061 = tpu.memref_slice %arg4[%multiple_of3A_215, %dma_wait3A_1060] : memref<1000000x64xf32, #tpu.memory_space<hbm>> -> memref<8x64xf32, #tpu.memory_space<hbm>>
      tpu.wait_dma2 semaphore(%arg12 : memref<!tpu.dma_semaphore, #tpu.memory_space<semaphore_mem>>) src(%dma_wait3A_1061 : memref<8x64xf32, #tpu.memory_space<hbm>>) dst(%dma_wait3A_1059 : memref<8x64xf32, #tpu.memory_space<vmem>>)
      %dma_wait3A_1062 = arith.constant 3 : i32
      %dma_wait3A_1063 = arith.constant 0 : i32
      %dma_wait3A_1064 = arith.constant 0 : i32
      %dma_wait3A_1065 = tpu.memref_slice %arg10[%dma_wait3A_1062, %dma_wait3A_1063, %dma_wait3A_1064] : memref<16x8x64xf32, #tpu.memory_space<vmem>> -> memref<1x8x64xf32, #tpu.memory_space<vmem>>
      %dma_wait3A_1066 = tpu.memref_squeeze %dma_wait3A_1065 : memref<1x8x64xf32, #tpu.memory_space<vmem>> -> memref<8x64xf32, #tpu.memory_space<vmem>>
      %dma_wait3A_1067 = arith.constant 0 : i32
      %dma_wait3A_1068 = tpu.memref_slice %arg5[%multiple_of3A_223, %dma_wait3A_1067] : memref<1000000x64xf32, #tpu.memory_space<hbm>> -> memref<8x64xf32, #tpu.memory_space<hbm>>
      %dma_wait3A_1069 = arith.constant 0 : i32
      %dma_wait3A_1070 = arith.constant 0 : i32
      %dma_wait3A_1071 = tpu.memref_slice %arg10[%dma_wait3A_1062, %dma_wait3A_1069, %dma_wait3A_1070] : memref<16x8x64xf32, #tpu.memory_space<vmem>> -> memref<1x8x64xf32, #tpu.memory_space<vmem>>
      %dma_wait3A_1072 = tpu.memref_squeeze %dma_wait3A_1071 : memref<1x8x64xf32, #tpu.memory_space<vmem>> -> memref<8x64xf32, #tpu.memory_space<vmem>>
      %dma_wait3A_1073 = arith.constant 0 : i32
      %dma_wait3A_1074 = tpu.memref_slice %arg5[%multiple_of3A_223, %dma_wait3A_1073] : memref<1000000x64xf32, #tpu.memory_space<hbm>> -> memref<8x64xf32, #tpu.memory_space<hbm>>
      tpu.wait_dma2 semaphore(%arg13 : memref<!tpu.dma_semaphore, #tpu.memory_space<semaphore_mem>>) src(%dma_wait3A_1074 : memref<8x64xf32, #tpu.memory_space<hbm>>) dst(%dma_wait3A_1072 : memref<8x64xf32, #tpu.memory_space<vmem>>)
      %dma_wait3A_1075 = arith.constant 4 : i32
      %dma_wait3A_1076 = arith.constant 0 : i32
      %dma_wait3A_1077 = arith.constant 0 : i32
      %dma_wait3A_1078 = tpu.memref_slice %arg9[%dma_wait3A_1075, %dma_wait3A_1076, %dma_wait3A_1077] : memref<16x8x64xf32, #tpu.memory_space<vmem>> -> memref<1x8x64xf32, #tpu.memory_space<vmem>>
      %dma_wait3A_1079 = tpu.memref_squeeze %dma_wait3A_1078 : memref<1x8x64xf32, #tpu.memory_space<vmem>> -> memref<8x64xf32, #tpu.memory_space<vmem>>
      %dma_wait3A_1080 = arith.constant 0 : i32
      %dma_wait3A_1081 = tpu.memref_slice %arg4[%multiple_of3A_274, %dma_wait3A_1080] : memref<1000000x64xf32, #tpu.memory_space<hbm>> -> memref<8x64xf32, #tpu.memory_space<hbm>>
      %dma_wait3A_1082 = arith.constant 0 : i32
      %dma_wait3A_1083 = arith.constant 0 : i32
      %dma_wait3A_1084 = tpu.memref_slice %arg9[%dma_wait3A_1075, %dma_wait3A_1082, %dma_wait3A_1083] : memref<16x8x64xf32, #tpu.memory_space<vmem>> -> memref<1x8x64xf32, #tpu.memory_space<vmem>>
      %dma_wait3A_1085 = tpu.memref_squeeze %dma_wait3A_1084 : memref<1x8x64xf32, #tpu.memory_space<vmem>> -> memref<8x64xf32, #tpu.memory_space<vmem>>
      %dma_wait3A_1086 = arith.constant 0 : i32
      %dma_wait3A_1087 = tpu.memref_slice %arg4[%multiple_of3A_274, %dma_wait3A_1086] : memref<1000000x64xf32, #tpu.memory_space<hbm>> -> memref<8x64xf32, #tpu.memory_space<hbm>>
      tpu.wait_dma2 semaphore(%arg12 : memref<!tpu.dma_semaphore, #tpu.memory_space<semaphore_mem>>) src(%dma_wait3A_1087 : memref<8x64xf32, #tpu.memory_space<hbm>>) dst(%dma_wait3A_1085 : memref<8x64xf32, #tpu.memory_space<vmem>>)
      %dma_wait3A_1088 = arith.constant 4 : i32
      %dma_wait3A_1089 = arith.constant 0 : i32
      %dma_wait3A_1090 = arith.constant 0 : i32
      %dma_wait3A_1091 = tpu.memref_slice %arg10[%dma_wait3A_1088, %dma_wait3A_1089, %dma_wait3A_1090] : memref<16x8x64xf32, #tpu.memory_space<vmem>> -> memref<1x8x64xf32, #tpu.memory_space<vmem>>
      %dma_wait3A_1092 = tpu.memref_squeeze %dma_wait3A_1091 : memref<1x8x64xf32, #tpu.memory_space<vmem>> -> memref<8x64xf32, #tpu.memory_space<vmem>>
      %dma_wait3A_1093 = arith.constant 0 : i32
      %dma_wait3A_1094 = tpu.memref_slice %arg5[%multiple_of3A_282, %dma_wait3A_1093] : memref<1000000x64xf32, #tpu.memory_space<hbm>> -> memref<8x64xf32, #tpu.memory_space<hbm>>
      %dma_wait3A_1095 = arith.constant 0 : i32
      %dma_wait3A_1096 = arith.constant 0 : i32
      %dma_wait3A_1097 = tpu.memref_slice %arg10[%dma_wait3A_1088, %dma_wait3A_1095, %dma_wait3A_1096] : memref<16x8x64xf32, #tpu.memory_space<vmem>> -> memref<1x8x64xf32, #tpu.memory_space<vmem>>
      %dma_wait3A_1098 = tpu.memref_squeeze %dma_wait3A_1097 : memref<1x8x64xf32, #tpu.memory_space<vmem>> -> memref<8x64xf32, #tpu.memory_space<vmem>>
      %dma_wait3A_1099 = arith.constant 0 : i32
      %dma_wait3A_1100 = tpu.memref_slice %arg5[%multiple_of3A_282, %dma_wait3A_1099] : memref<1000000x64xf32, #tpu.memory_space<hbm>> -> memref<8x64xf32, #tpu.memory_space<hbm>>
      tpu.wait_dma2 semaphore(%arg13 : memref<!tpu.dma_semaphore, #tpu.memory_space<semaphore_mem>>) src(%dma_wait3A_1100 : memref<8x64xf32, #tpu.memory_space<hbm>>) dst(%dma_wait3A_1098 : memref<8x64xf32, #tpu.memory_space<vmem>>)
      %dma_wait3A_1101 = arith.constant 5 : i32
      %dma_wait3A_1102 = arith.constant 0 : i32
      %dma_wait3A_1103 = arith.constant 0 : i32
      %dma_wait3A_1104 = tpu.memref_slice %arg9[%dma_wait3A_1101, %dma_wait3A_1102, %dma_wait3A_1103] : memref<16x8x64xf32, #tpu.memory_space<vmem>> -> memref<1x8x64xf32, #tpu.memory_space<vmem>>
      %dma_wait3A_1105 = tpu.memref_squeeze %dma_wait3A_1104 : memref<1x8x64xf32, #tpu.memory_space<vmem>> -> memref<8x64xf32, #tpu.memory_space<vmem>>
      %dma_wait3A_1106 = arith.constant 0 : i32
      %dma_wait3A_1107 = tpu.memref_slice %arg4[%multiple_of3A_333, %dma_wait3A_1106] : memref<1000000x64xf32, #tpu.memory_space<hbm>> -> memref<8x64xf32, #tpu.memory_space<hbm>>
      %dma_wait3A_1108 = arith.constant 0 : i32
      %dma_wait3A_1109 = arith.constant 0 : i32
      %dma_wait3A_1110 = tpu.memref_slice %arg9[%dma_wait3A_1101, %dma_wait3A_1108, %dma_wait3A_1109] : memref<16x8x64xf32, #tpu.memory_space<vmem>> -> memref<1x8x64xf32, #tpu.memory_space<vmem>>
      %dma_wait3A_1111 = tpu.memref_squeeze %dma_wait3A_1110 : memref<1x8x64xf32, #tpu.memory_space<vmem>> -> memref<8x64xf32, #tpu.memory_space<vmem>>
      %dma_wait3A_1112 = arith.constant 0 : i32
      %dma_wait3A_1113 = tpu.memref_slice %arg4[%multiple_of3A_333, %dma_wait3A_1112] : memref<1000000x64xf32, #tpu.memory_space<hbm>> -> memref<8x64xf32, #tpu.memory_space<hbm>>
      tpu.wait_dma2 semaphore(%arg12 : memref<!tpu.dma_semaphore, #tpu.memory_space<semaphore_mem>>) src(%dma_wait3A_1113 : memref<8x64xf32, #tpu.memory_space<hbm>>) dst(%dma_wait3A_1111 : memref<8x64xf32, #tpu.memory_space<vmem>>)
      %dma_wait3A_1114 = arith.constant 5 : i32
      %dma_wait3A_1115 = arith.constant 0 : i32
      %dma_wait3A_1116 = arith.constant 0 : i32
      %dma_wait3A_1117 = tpu.memref_slice %arg10[%dma_wait3A_1114, %dma_wait3A_1115, %dma_wait3A_1116] : memref<16x8x64xf32, #tpu.memory_space<vmem>> -> memref<1x8x64xf32, #tpu.memory_space<vmem>>
      %dma_wait3A_1118 = tpu.memref_squeeze %dma_wait3A_1117 : memref<1x8x64xf32, #tpu.memory_space<vmem>> -> memref<8x64xf32, #tpu.memory_space<vmem>>
      %dma_wait3A_1119 = arith.constant 0 : i32
      %dma_wait3A_1120 = tpu.memref_slice %arg5[%multiple_of3A_341, %dma_wait3A_1119] : memref<1000000x64xf32, #tpu.memory_space<hbm>> -> memref<8x64xf32, #tpu.memory_space<hbm>>
      %dma_wait3A_1121 = arith.constant 0 : i32
      %dma_wait3A_1122 = arith.constant 0 : i32
      %dma_wait3A_1123 = tpu.memref_slice %arg10[%dma_wait3A_1114, %dma_wait3A_1121, %dma_wait3A_1122] : memref<16x8x64xf32, #tpu.memory_space<vmem>> -> memref<1x8x64xf32, #tpu.memory_space<vmem>>
      %dma_wait3A_1124 = tpu.memref_squeeze %dma_wait3A_1123 : memref<1x8x64xf32, #tpu.memory_space<vmem>> -> memref<8x64xf32, #tpu.memory_space<vmem>>
      %dma_wait3A_1125 = arith.constant 0 : i32
      %dma_wait3A_1126 = tpu.memref_slice %arg5[%multiple_of3A_341, %dma_wait3A_1125] : memref<1000000x64xf32, #tpu.memory_space<hbm>> -> memref<8x64xf32, #tpu.memory_space<hbm>>
      tpu.wait_dma2 semaphore(%arg13 : memref<!tpu.dma_semaphore, #tpu.memory_space<semaphore_mem>>) src(%dma_wait3A_1126 : memref<8x64xf32, #tpu.memory_space<hbm>>) dst(%dma_wait3A_1124 : memref<8x64xf32, #tpu.memory_space<vmem>>)
      %dma_wait3A_1127 = arith.constant 6 : i32
      %dma_wait3A_1128 = arith.constant 0 : i32
      %dma_wait3A_1129 = arith.constant 0 : i32
      %dma_wait3A_1130 = tpu.memref_slice %arg9[%dma_wait3A_1127, %dma_wait3A_1128, %dma_wait3A_1129] : memref<16x8x64xf32, #tpu.memory_space<vmem>> -> memref<1x8x64xf32, #tpu.memory_space<vmem>>
      %dma_wait3A_1131 = tpu.memref_squeeze %dma_wait3A_1130 : memref<1x8x64xf32, #tpu.memory_space<vmem>> -> memref<8x64xf32, #tpu.memory_space<vmem>>
      %dma_wait3A_1132 = arith.constant 0 : i32
      %dma_wait3A_1133 = tpu.memref_slice %arg4[%multiple_of3A_392, %dma_wait3A_1132] : memref<1000000x64xf32, #tpu.memory_space<hbm>> -> memref<8x64xf32, #tpu.memory_space<hbm>>
      %dma_wait3A_1134 = arith.constant 0 : i32
      %dma_wait3A_1135 = arith.constant 0 : i32
      %dma_wait3A_1136 = tpu.memref_slice %arg9[%dma_wait3A_1127, %dma_wait3A_1134, %dma_wait3A_1135] : memref<16x8x64xf32, #tpu.memory_space<vmem>> -> memref<1x8x64xf32, #tpu.memory_space<vmem>>
      %dma_wait3A_1137 = tpu.memref_squeeze %dma_wait3A_1136 : memref<1x8x64xf32, #tpu.memory_space<vmem>> -> memref<8x64xf32, #tpu.memory_space<vmem>>
      %dma_wait3A_1138 = arith.constant 0 : i32
      %dma_wait3A_1139 = tpu.memref_slice %arg4[%multiple_of3A_392, %dma_wait3A_1138] : memref<1000000x64xf32, #tpu.memory_space<hbm>> -> memref<8x64xf32, #tpu.memory_space<hbm>>
      tpu.wait_dma2 semaphore(%arg12 : memref<!tpu.dma_semaphore, #tpu.memory_space<semaphore_mem>>) src(%dma_wait3A_1139 : memref<8x64xf32, #tpu.memory_space<hbm>>) dst(%dma_wait3A_1137 : memref<8x64xf32, #tpu.memory_space<vmem>>)
      %dma_wait3A_1140 = arith.constant 6 : i32
      %dma_wait3A_1141 = arith.constant 0 : i32
      %dma_wait3A_1142 = arith.constant 0 : i32
      %dma_wait3A_1143 = tpu.memref_slice %arg10[%dma_wait3A_1140, %dma_wait3A_1141, %dma_wait3A_1142] : memref<16x8x64xf32, #tpu.memory_space<vmem>> -> memref<1x8x64xf32, #tpu.memory_space<vmem>>
      %dma_wait3A_1144 = tpu.memref_squeeze %dma_wait3A_1143 : memref<1x8x64xf32, #tpu.memory_space<vmem>> -> memref<8x64xf32, #tpu.memory_space<vmem>>
      %dma_wait3A_1145 = arith.constant 0 : i32
      %dma_wait3A_1146 = tpu.memref_slice %arg5[%multiple_of3A_400, %dma_wait3A_1145] : memref<1000000x64xf32, #tpu.memory_space<hbm>> -> memref<8x64xf32, #tpu.memory_space<hbm>>
      %dma_wait3A_1147 = arith.constant 0 : i32
      %dma_wait3A_1148 = arith.constant 0 : i32
      %dma_wait3A_1149 = tpu.memref_slice %arg10[%dma_wait3A_1140, %dma_wait3A_1147, %dma_wait3A_1148] : memref<16x8x64xf32, #tpu.memory_space<vmem>> -> memref<1x8x64xf32, #tpu.memory_space<vmem>>
      %dma_wait3A_1150 = tpu.memref_squeeze %dma_wait3A_1149 : memref<1x8x64xf32, #tpu.memory_space<vmem>> -> memref<8x64xf32, #tpu.memory_space<vmem>>
      %dma_wait3A_1151 = arith.constant 0 : i32
      %dma_wait3A_1152 = tpu.memref_slice %arg5[%multiple_of3A_400, %dma_wait3A_1151] : memref<1000000x64xf32, #tpu.memory_space<hbm>> -> memref<8x64xf32, #tpu.memory_space<hbm>>
      tpu.wait_dma2 semaphore(%arg13 : memref<!tpu.dma_semaphore, #tpu.memory_space<semaphore_mem>>) src(%dma_wait3A_1152 : memref<8x64xf32, #tpu.memory_space<hbm>>) dst(%dma_wait3A_1150 : memref<8x64xf32, #tpu.memory_space<vmem>>)
      %dma_wait3A_1153 = arith.constant 7 : i32
      %dma_wait3A_1154 = arith.constant 0 : i32
      %dma_wait3A_1155 = arith.constant 0 : i32
      %dma_wait3A_1156 = tpu.memref_slice %arg9[%dma_wait3A_1153, %dma_wait3A_1154, %dma_wait3A_1155] : memref<16x8x64xf32, #tpu.memory_space<vmem>> -> memref<1x8x64xf32, #tpu.memory_space<vmem>>
      %dma_wait3A_1157 = tpu.memref_squeeze %dma_wait3A_1156 : memref<1x8x64xf32, #tpu.memory_space<vmem>> -> memref<8x64xf32, #tpu.memory_space<vmem>>
      %dma_wait3A_1158 = arith.constant 0 : i32
      %dma_wait3A_1159 = tpu.memref_slice %arg4[%multiple_of3A_451, %dma_wait3A_1158] : memref<1000000x64xf32, #tpu.memory_space<hbm>> -> memref<8x64xf32, #tpu.memory_space<hbm>>
      %dma_wait3A_1160 = arith.constant 0 : i32
      %dma_wait3A_1161 = arith.constant 0 : i32
      %dma_wait3A_1162 = tpu.memref_slice %arg9[%dma_wait3A_1153, %dma_wait3A_1160, %dma_wait3A_1161] : memref<16x8x64xf32, #tpu.memory_space<vmem>> -> memref<1x8x64xf32, #tpu.memory_space<vmem>>
      %dma_wait3A_1163 = tpu.memref_squeeze %dma_wait3A_1162 : memref<1x8x64xf32, #tpu.memory_space<vmem>> -> memref<8x64xf32, #tpu.memory_space<vmem>>
      %dma_wait3A_1164 = arith.constant 0 : i32
      %dma_wait3A_1165 = tpu.memref_slice %arg4[%multiple_of3A_451, %dma_wait3A_1164] : memref<1000000x64xf32, #tpu.memory_space<hbm>> -> memref<8x64xf32, #tpu.memory_space<hbm>>
      tpu.wait_dma2 semaphore(%arg12 : memref<!tpu.dma_semaphore, #tpu.memory_space<semaphore_mem>>) src(%dma_wait3A_1165 : memref<8x64xf32, #tpu.memory_space<hbm>>) dst(%dma_wait3A_1163 : memref<8x64xf32, #tpu.memory_space<vmem>>)
      %dma_wait3A_1166 = arith.constant 7 : i32
      %dma_wait3A_1167 = arith.constant 0 : i32
      %dma_wait3A_1168 = arith.constant 0 : i32
      %dma_wait3A_1169 = tpu.memref_slice %arg10[%dma_wait3A_1166, %dma_wait3A_1167, %dma_wait3A_1168] : memref<16x8x64xf32, #tpu.memory_space<vmem>> -> memref<1x8x64xf32, #tpu.memory_space<vmem>>
      %dma_wait3A_1170 = tpu.memref_squeeze %dma_wait3A_1169 : memref<1x8x64xf32, #tpu.memory_space<vmem>> -> memref<8x64xf32, #tpu.memory_space<vmem>>
      %dma_wait3A_1171 = arith.constant 0 : i32
      %dma_wait3A_1172 = tpu.memref_slice %arg5[%multiple_of3A_459, %dma_wait3A_1171] : memref<1000000x64xf32, #tpu.memory_space<hbm>> -> memref<8x64xf32, #tpu.memory_space<hbm>>
      %dma_wait3A_1173 = arith.constant 0 : i32
      %dma_wait3A_1174 = arith.constant 0 : i32
      %dma_wait3A_1175 = tpu.memref_slice %arg10[%dma_wait3A_1166, %dma_wait3A_1173, %dma_wait3A_1174] : memref<16x8x64xf32, #tpu.memory_space<vmem>> -> memref<1x8x64xf32, #tpu.memory_space<vmem>>
      %dma_wait3A_1176 = tpu.memref_squeeze %dma_wait3A_1175 : memref<1x8x64xf32, #tpu.memory_space<vmem>> -> memref<8x64xf32, #tpu.memory_space<vmem>>
      %dma_wait3A_1177 = arith.constant 0 : i32
      %dma_wait3A_1178 = tpu.memref_slice %arg5[%multiple_of3A_459, %dma_wait3A_1177] : memref<1000000x64xf32, #tpu.memory_space<hbm>> -> memref<8x64xf32, #tpu.memory_space<hbm>>
      tpu.wait_dma2 semaphore(%arg13 : memref<!tpu.dma_semaphore, #tpu.memory_space<semaphore_mem>>) src(%dma_wait3A_1178 : memref<8x64xf32, #tpu.memory_space<hbm>>) dst(%dma_wait3A_1176 : memref<8x64xf32, #tpu.memory_space<vmem>>)
      %dma_wait3A_1179 = arith.constant 8 : i32
      %dma_wait3A_1180 = arith.constant 0 : i32
      %dma_wait3A_1181 = arith.constant 0 : i32
      %dma_wait3A_1182 = tpu.memref_slice %arg9[%dma_wait3A_1179, %dma_wait3A_1180, %dma_wait3A_1181] : memref<16x8x64xf32, #tpu.memory_space<vmem>> -> memref<1x8x64xf32, #tpu.memory_space<vmem>>
      %dma_wait3A_1183 = tpu.memref_squeeze %dma_wait3A_1182 : memref<1x8x64xf32, #tpu.memory_space<vmem>> -> memref<8x64xf32, #tpu.memory_space<vmem>>
      %dma_wait3A_1184 = arith.constant 0 : i32
      %dma_wait3A_1185 = tpu.memref_slice %arg4[%multiple_of3A_510, %dma_wait3A_1184] : memref<1000000x64xf32, #tpu.memory_space<hbm>> -> memref<8x64xf32, #tpu.memory_space<hbm>>
      %dma_wait3A_1186 = arith.constant 0 : i32
      %dma_wait3A_1187 = arith.constant 0 : i32
      %dma_wait3A_1188 = tpu.memref_slice %arg9[%dma_wait3A_1179, %dma_wait3A_1186, %dma_wait3A_1187] : memref<16x8x64xf32, #tpu.memory_space<vmem>> -> memref<1x8x64xf32, #tpu.memory_space<vmem>>
      %dma_wait3A_1189 = tpu.memref_squeeze %dma_wait3A_1188 : memref<1x8x64xf32, #tpu.memory_space<vmem>> -> memref<8x64xf32, #tpu.memory_space<vmem>>
      %dma_wait3A_1190 = arith.constant 0 : i32
      %dma_wait3A_1191 = tpu.memref_slice %arg4[%multiple_of3A_510, %dma_wait3A_1190] : memref<1000000x64xf32, #tpu.memory_space<hbm>> -> memref<8x64xf32, #tpu.memory_space<hbm>>
      tpu.wait_dma2 semaphore(%arg12 : memref<!tpu.dma_semaphore, #tpu.memory_space<semaphore_mem>>) src(%dma_wait3A_1191 : memref<8x64xf32, #tpu.memory_space<hbm>>) dst(%dma_wait3A_1189 : memref<8x64xf32, #tpu.memory_space<vmem>>)
      %dma_wait3A_1192 = arith.constant 8 : i32
      %dma_wait3A_1193 = arith.constant 0 : i32
      %dma_wait3A_1194 = arith.constant 0 : i32
      %dma_wait3A_1195 = tpu.memref_slice %arg10[%dma_wait3A_1192, %dma_wait3A_1193, %dma_wait3A_1194] : memref<16x8x64xf32, #tpu.memory_space<vmem>> -> memref<1x8x64xf32, #tpu.memory_space<vmem>>
      %dma_wait3A_1196 = tpu.memref_squeeze %dma_wait3A_1195 : memref<1x8x64xf32, #tpu.memory_space<vmem>> -> memref<8x64xf32, #tpu.memory_space<vmem>>
      %dma_wait3A_1197 = arith.constant 0 : i32
      %dma_wait3A_1198 = tpu.memref_slice %arg5[%multiple_of3A_518, %dma_wait3A_1197] : memref<1000000x64xf32, #tpu.memory_space<hbm>> -> memref<8x64xf32, #tpu.memory_space<hbm>>
      %dma_wait3A_1199 = arith.constant 0 : i32
      %dma_wait3A_1200 = arith.constant 0 : i32
      %dma_wait3A_1201 = tpu.memref_slice %arg10[%dma_wait3A_1192, %dma_wait3A_1199, %dma_wait3A_1200] : memref<16x8x64xf32, #tpu.memory_space<vmem>> -> memref<1x8x64xf32, #tpu.memory_space<vmem>>
      %dma_wait3A_1202 = tpu.memref_squeeze %dma_wait3A_1201 : memref<1x8x64xf32, #tpu.memory_space<vmem>> -> memref<8x64xf32, #tpu.memory_space<vmem>>
      %dma_wait3A_1203 = arith.constant 0 : i32
      %dma_wait3A_1204 = tpu.memref_slice %arg5[%multiple_of3A_518, %dma_wait3A_1203] : memref<1000000x64xf32, #tpu.memory_space<hbm>> -> memref<8x64xf32, #tpu.memory_space<hbm>>
      tpu.wait_dma2 semaphore(%arg13 : memref<!tpu.dma_semaphore, #tpu.memory_space<semaphore_mem>>) src(%dma_wait3A_1204 : memref<8x64xf32, #tpu.memory_space<hbm>>) dst(%dma_wait3A_1202 : memref<8x64xf32, #tpu.memory_space<vmem>>)
      %dma_wait3A_1205 = arith.constant 9 : i32
      %dma_wait3A_1206 = arith.constant 0 : i32
      %dma_wait3A_1207 = arith.constant 0 : i32
      %dma_wait3A_1208 = tpu.memref_slice %arg9[%dma_wait3A_1205, %dma_wait3A_1206, %dma_wait3A_1207] : memref<16x8x64xf32, #tpu.memory_space<vmem>> -> memref<1x8x64xf32, #tpu.memory_space<vmem>>
      %dma_wait3A_1209 = tpu.memref_squeeze %dma_wait3A_1208 : memref<1x8x64xf32, #tpu.memory_space<vmem>> -> memref<8x64xf32, #tpu.memory_space<vmem>>
      %dma_wait3A_1210 = arith.constant 0 : i32
      %dma_wait3A_1211 = tpu.memref_slice %arg4[%multiple_of3A_569, %dma_wait3A_1210] : memref<1000000x64xf32, #tpu.memory_space<hbm>> -> memref<8x64xf32, #tpu.memory_space<hbm>>
      %dma_wait3A_1212 = arith.constant 0 : i32
      %dma_wait3A_1213 = arith.constant 0 : i32
      %dma_wait3A_1214 = tpu.memref_slice %arg9[%dma_wait3A_1205, %dma_wait3A_1212, %dma_wait3A_1213] : memref<16x8x64xf32, #tpu.memory_space<vmem>> -> memref<1x8x64xf32, #tpu.memory_space<vmem>>
      %dma_wait3A_1215 = tpu.memref_squeeze %dma_wait3A_1214 : memref<1x8x64xf32, #tpu.memory_space<vmem>> -> memref<8x64xf32, #tpu.memory_space<vmem>>
      %dma_wait3A_1216 = arith.constant 0 : i32
      %dma_wait3A_1217 = tpu.memref_slice %arg4[%multiple_of3A_569, %dma_wait3A_1216] : memref<1000000x64xf32, #tpu.memory_space<hbm>> -> memref<8x64xf32, #tpu.memory_space<hbm>>
      tpu.wait_dma2 semaphore(%arg12 : memref<!tpu.dma_semaphore, #tpu.memory_space<semaphore_mem>>) src(%dma_wait3A_1217 : memref<8x64xf32, #tpu.memory_space<hbm>>) dst(%dma_wait3A_1215 : memref<8x64xf32, #tpu.memory_space<vmem>>)
      %dma_wait3A_1218 = arith.constant 9 : i32
      %dma_wait3A_1219 = arith.constant 0 : i32
      %dma_wait3A_1220 = arith.constant 0 : i32
      %dma_wait3A_1221 = tpu.memref_slice %arg10[%dma_wait3A_1218, %dma_wait3A_1219, %dma_wait3A_1220] : memref<16x8x64xf32, #tpu.memory_space<vmem>> -> memref<1x8x64xf32, #tpu.memory_space<vmem>>
      %dma_wait3A_1222 = tpu.memref_squeeze %dma_wait3A_1221 : memref<1x8x64xf32, #tpu.memory_space<vmem>> -> memref<8x64xf32, #tpu.memory_space<vmem>>
      %dma_wait3A_1223 = arith.constant 0 : i32
      %dma_wait3A_1224 = tpu.memref_slice %arg5[%multiple_of3A_577, %dma_wait3A_1223] : memref<1000000x64xf32, #tpu.memory_space<hbm>> -> memref<8x64xf32, #tpu.memory_space<hbm>>
      %dma_wait3A_1225 = arith.constant 0 : i32
      %dma_wait3A_1226 = arith.constant 0 : i32
      %dma_wait3A_1227 = tpu.memref_slice %arg10[%dma_wait3A_1218, %dma_wait3A_1225, %dma_wait3A_1226] : memref<16x8x64xf32, #tpu.memory_space<vmem>> -> memref<1x8x64xf32, #tpu.memory_space<vmem>>
      %dma_wait3A_1228 = tpu.memref_squeeze %dma_wait3A_1227 : memref<1x8x64xf32, #tpu.memory_space<vmem>> -> memref<8x64xf32, #tpu.memory_space<vmem>>
      %dma_wait3A_1229 = arith.constant 0 : i32
      %dma_wait3A_1230 = tpu.memref_slice %arg5[%multiple_of3A_577, %dma_wait3A_1229] : memref<1000000x64xf32, #tpu.memory_space<hbm>> -> memref<8x64xf32, #tpu.memory_space<hbm>>
      tpu.wait_dma2 semaphore(%arg13 : memref<!tpu.dma_semaphore, #tpu.memory_space<semaphore_mem>>) src(%dma_wait3A_1230 : memref<8x64xf32, #tpu.memory_space<hbm>>) dst(%dma_wait3A_1228 : memref<8x64xf32, #tpu.memory_space<vmem>>)
      %dma_wait3A_1231 = arith.constant 10 : i32
      %dma_wait3A_1232 = arith.constant 0 : i32
      %dma_wait3A_1233 = arith.constant 0 : i32
      %dma_wait3A_1234 = tpu.memref_slice %arg9[%dma_wait3A_1231, %dma_wait3A_1232, %dma_wait3A_1233] : memref<16x8x64xf32, #tpu.memory_space<vmem>> -> memref<1x8x64xf32, #tpu.memory_space<vmem>>
      %dma_wait3A_1235 = tpu.memref_squeeze %dma_wait3A_1234 : memref<1x8x64xf32, #tpu.memory_space<vmem>> -> memref<8x64xf32, #tpu.memory_space<vmem>>
      %dma_wait3A_1236 = arith.constant 0 : i32
      %dma_wait3A_1237 = tpu.memref_slice %arg4[%multiple_of3A_628, %dma_wait3A_1236] : memref<1000000x64xf32, #tpu.memory_space<hbm>> -> memref<8x64xf32, #tpu.memory_space<hbm>>
      %dma_wait3A_1238 = arith.constant 0 : i32
      %dma_wait3A_1239 = arith.constant 0 : i32
      %dma_wait3A_1240 = tpu.memref_slice %arg9[%dma_wait3A_1231, %dma_wait3A_1238, %dma_wait3A_1239] : memref<16x8x64xf32, #tpu.memory_space<vmem>> -> memref<1x8x64xf32, #tpu.memory_space<vmem>>
      %dma_wait3A_1241 = tpu.memref_squeeze %dma_wait3A_1240 : memref<1x8x64xf32, #tpu.memory_space<vmem>> -> memref<8x64xf32, #tpu.memory_space<vmem>>
      %dma_wait3A_1242 = arith.constant 0 : i32
      %dma_wait3A_1243 = tpu.memref_slice %arg4[%multiple_of3A_628, %dma_wait3A_1242] : memref<1000000x64xf32, #tpu.memory_space<hbm>> -> memref<8x64xf32, #tpu.memory_space<hbm>>
      tpu.wait_dma2 semaphore(%arg12 : memref<!tpu.dma_semaphore, #tpu.memory_space<semaphore_mem>>) src(%dma_wait3A_1243 : memref<8x64xf32, #tpu.memory_space<hbm>>) dst(%dma_wait3A_1241 : memref<8x64xf32, #tpu.memory_space<vmem>>)
      %dma_wait3A_1244 = arith.constant 10 : i32
      %dma_wait3A_1245 = arith.constant 0 : i32
      %dma_wait3A_1246 = arith.constant 0 : i32
      %dma_wait3A_1247 = tpu.memref_slice %arg10[%dma_wait3A_1244, %dma_wait3A_1245, %dma_wait3A_1246] : memref<16x8x64xf32, #tpu.memory_space<vmem>> -> memref<1x8x64xf32, #tpu.memory_space<vmem>>
      %dma_wait3A_1248 = tpu.memref_squeeze %dma_wait3A_1247 : memref<1x8x64xf32, #tpu.memory_space<vmem>> -> memref<8x64xf32, #tpu.memory_space<vmem>>
      %dma_wait3A_1249 = arith.constant 0 : i32
      %dma_wait3A_1250 = tpu.memref_slice %arg5[%multiple_of3A_636, %dma_wait3A_1249] : memref<1000000x64xf32, #tpu.memory_space<hbm>> -> memref<8x64xf32, #tpu.memory_space<hbm>>
      %dma_wait3A_1251 = arith.constant 0 : i32
      %dma_wait3A_1252 = arith.constant 0 : i32
      %dma_wait3A_1253 = tpu.memref_slice %arg10[%dma_wait3A_1244, %dma_wait3A_1251, %dma_wait3A_1252] : memref<16x8x64xf32, #tpu.memory_space<vmem>> -> memref<1x8x64xf32, #tpu.memory_space<vmem>>
      %dma_wait3A_1254 = tpu.memref_squeeze %dma_wait3A_1253 : memref<1x8x64xf32, #tpu.memory_space<vmem>> -> memref<8x64xf32, #tpu.memory_space<vmem>>
      %dma_wait3A_1255 = arith.constant 0 : i32
      %dma_wait3A_1256 = tpu.memref_slice %arg5[%multiple_of3A_636, %dma_wait3A_1255] : memref<1000000x64xf32, #tpu.memory_space<hbm>> -> memref<8x64xf32, #tpu.memory_space<hbm>>
      tpu.wait_dma2 semaphore(%arg13 : memref<!tpu.dma_semaphore, #tpu.memory_space<semaphore_mem>>) src(%dma_wait3A_1256 : memref<8x64xf32, #tpu.memory_space<hbm>>) dst(%dma_wait3A_1254 : memref<8x64xf32, #tpu.memory_space<vmem>>)
      %dma_wait3A_1257 = arith.constant 11 : i32
      %dma_wait3A_1258 = arith.constant 0 : i32
      %dma_wait3A_1259 = arith.constant 0 : i32
      %dma_wait3A_1260 = tpu.memref_slice %arg9[%dma_wait3A_1257, %dma_wait3A_1258, %dma_wait3A_1259] : memref<16x8x64xf32, #tpu.memory_space<vmem>> -> memref<1x8x64xf32, #tpu.memory_space<vmem>>
      %dma_wait3A_1261 = tpu.memref_squeeze %dma_wait3A_1260 : memref<1x8x64xf32, #tpu.memory_space<vmem>> -> memref<8x64xf32, #tpu.memory_space<vmem>>
      %dma_wait3A_1262 = arith.constant 0 : i32
      %dma_wait3A_1263 = tpu.memref_slice %arg4[%multiple_of3A_687, %dma_wait3A_1262] : memref<1000000x64xf32, #tpu.memory_space<hbm>> -> memref<8x64xf32, #tpu.memory_space<hbm>>
      %dma_wait3A_1264 = arith.constant 0 : i32
      %dma_wait3A_1265 = arith.constant 0 : i32
      %dma_wait3A_1266 = tpu.memref_slice %arg9[%dma_wait3A_1257, %dma_wait3A_1264, %dma_wait3A_1265] : memref<16x8x64xf32, #tpu.memory_space<vmem>> -> memref<1x8x64xf32, #tpu.memory_space<vmem>>
      %dma_wait3A_1267 = tpu.memref_squeeze %dma_wait3A_1266 : memref<1x8x64xf32, #tpu.memory_space<vmem>> -> memref<8x64xf32, #tpu.memory_space<vmem>>
      %dma_wait3A_1268 = arith.constant 0 : i32
      %dma_wait3A_1269 = tpu.memref_slice %arg4[%multiple_of3A_687, %dma_wait3A_1268] : memref<1000000x64xf32, #tpu.memory_space<hbm>> -> memref<8x64xf32, #tpu.memory_space<hbm>>
      tpu.wait_dma2 semaphore(%arg12 : memref<!tpu.dma_semaphore, #tpu.memory_space<semaphore_mem>>) src(%dma_wait3A_1269 : memref<8x64xf32, #tpu.memory_space<hbm>>) dst(%dma_wait3A_1267 : memref<8x64xf32, #tpu.memory_space<vmem>>)
      %dma_wait3A_1270 = arith.constant 11 : i32
      %dma_wait3A_1271 = arith.constant 0 : i32
      %dma_wait3A_1272 = arith.constant 0 : i32
      %dma_wait3A_1273 = tpu.memref_slice %arg10[%dma_wait3A_1270, %dma_wait3A_1271, %dma_wait3A_1272] : memref<16x8x64xf32, #tpu.memory_space<vmem>> -> memref<1x8x64xf32, #tpu.memory_space<vmem>>
      %dma_wait3A_1274 = tpu.memref_squeeze %dma_wait3A_1273 : memref<1x8x64xf32, #tpu.memory_space<vmem>> -> memref<8x64xf32, #tpu.memory_space<vmem>>
      %dma_wait3A_1275 = arith.constant 0 : i32
      %dma_wait3A_1276 = tpu.memref_slice %arg5[%multiple_of3A_695, %dma_wait3A_1275] : memref<1000000x64xf32, #tpu.memory_space<hbm>> -> memref<8x64xf32, #tpu.memory_space<hbm>>
      %dma_wait3A_1277 = arith.constant 0 : i32
      %dma_wait3A_1278 = arith.constant 0 : i32
      %dma_wait3A_1279 = tpu.memref_slice %arg10[%dma_wait3A_1270, %dma_wait3A_1277, %dma_wait3A_1278] : memref<16x8x64xf32, #tpu.memory_space<vmem>> -> memref<1x8x64xf32, #tpu.memory_space<vmem>>
      %dma_wait3A_1280 = tpu.memref_squeeze %dma_wait3A_1279 : memref<1x8x64xf32, #tpu.memory_space<vmem>> -> memref<8x64xf32, #tpu.memory_space<vmem>>
      %dma_wait3A_1281 = arith.constant 0 : i32
      %dma_wait3A_1282 = tpu.memref_slice %arg5[%multiple_of3A_695, %dma_wait3A_1281] : memref<1000000x64xf32, #tpu.memory_space<hbm>> -> memref<8x64xf32, #tpu.memory_space<hbm>>
      tpu.wait_dma2 semaphore(%arg13 : memref<!tpu.dma_semaphore, #tpu.memory_space<semaphore_mem>>) src(%dma_wait3A_1282 : memref<8x64xf32, #tpu.memory_space<hbm>>) dst(%dma_wait3A_1280 : memref<8x64xf32, #tpu.memory_space<vmem>>)
      %dma_wait3A_1283 = arith.constant 12 : i32
      %dma_wait3A_1284 = arith.constant 0 : i32
      %dma_wait3A_1285 = arith.constant 0 : i32
      %dma_wait3A_1286 = tpu.memref_slice %arg9[%dma_wait3A_1283, %dma_wait3A_1284, %dma_wait3A_1285] : memref<16x8x64xf32, #tpu.memory_space<vmem>> -> memref<1x8x64xf32, #tpu.memory_space<vmem>>
      %dma_wait3A_1287 = tpu.memref_squeeze %dma_wait3A_1286 : memref<1x8x64xf32, #tpu.memory_space<vmem>> -> memref<8x64xf32, #tpu.memory_space<vmem>>
      %dma_wait3A_1288 = arith.constant 0 : i32
      %dma_wait3A_1289 = tpu.memref_slice %arg4[%multiple_of3A_746, %dma_wait3A_1288] : memref<1000000x64xf32, #tpu.memory_space<hbm>> -> memref<8x64xf32, #tpu.memory_space<hbm>>
      %dma_wait3A_1290 = arith.constant 0 : i32
      %dma_wait3A_1291 = arith.constant 0 : i32
      %dma_wait3A_1292 = tpu.memref_slice %arg9[%dma_wait3A_1283, %dma_wait3A_1290, %dma_wait3A_1291] : memref<16x8x64xf32, #tpu.memory_space<vmem>> -> memref<1x8x64xf32, #tpu.memory_space<vmem>>
      %dma_wait3A_1293 = tpu.memref_squeeze %dma_wait3A_1292 : memref<1x8x64xf32, #tpu.memory_space<vmem>> -> memref<8x64xf32, #tpu.memory_space<vmem>>
      %dma_wait3A_1294 = arith.constant 0 : i32
      %dma_wait3A_1295 = tpu.memref_slice %arg4[%multiple_of3A_746, %dma_wait3A_1294] : memref<1000000x64xf32, #tpu.memory_space<hbm>> -> memref<8x64xf32, #tpu.memory_space<hbm>>
      tpu.wait_dma2 semaphore(%arg12 : memref<!tpu.dma_semaphore, #tpu.memory_space<semaphore_mem>>) src(%dma_wait3A_1295 : memref<8x64xf32, #tpu.memory_space<hbm>>) dst(%dma_wait3A_1293 : memref<8x64xf32, #tpu.memory_space<vmem>>)
      %dma_wait3A_1296 = arith.constant 12 : i32
      %dma_wait3A_1297 = arith.constant 0 : i32
      %dma_wait3A_1298 = arith.constant 0 : i32
      %dma_wait3A_1299 = tpu.memref_slice %arg10[%dma_wait3A_1296, %dma_wait3A_1297, %dma_wait3A_1298] : memref<16x8x64xf32, #tpu.memory_space<vmem>> -> memref<1x8x64xf32, #tpu.memory_space<vmem>>
      %dma_wait3A_1300 = tpu.memref_squeeze %dma_wait3A_1299 : memref<1x8x64xf32, #tpu.memory_space<vmem>> -> memref<8x64xf32, #tpu.memory_space<vmem>>
      %dma_wait3A_1301 = arith.constant 0 : i32
      %dma_wait3A_1302 = tpu.memref_slice %arg5[%multiple_of3A_754, %dma_wait3A_1301] : memref<1000000x64xf32, #tpu.memory_space<hbm>> -> memref<8x64xf32, #tpu.memory_space<hbm>>
      %dma_wait3A_1303 = arith.constant 0 : i32
      %dma_wait3A_1304 = arith.constant 0 : i32
      %dma_wait3A_1305 = tpu.memref_slice %arg10[%dma_wait3A_1296, %dma_wait3A_1303, %dma_wait3A_1304] : memref<16x8x64xf32, #tpu.memory_space<vmem>> -> memref<1x8x64xf32, #tpu.memory_space<vmem>>
      %dma_wait3A_1306 = tpu.memref_squeeze %dma_wait3A_1305 : memref<1x8x64xf32, #tpu.memory_space<vmem>> -> memref<8x64xf32, #tpu.memory_space<vmem>>
      %dma_wait3A_1307 = arith.constant 0 : i32
      %dma_wait3A_1308 = tpu.memref_slice %arg5[%multiple_of3A_754, %dma_wait3A_1307] : memref<1000000x64xf32, #tpu.memory_space<hbm>> -> memref<8x64xf32, #tpu.memory_space<hbm>>
      tpu.wait_dma2 semaphore(%arg13 : memref<!tpu.dma_semaphore, #tpu.memory_space<semaphore_mem>>) src(%dma_wait3A_1308 : memref<8x64xf32, #tpu.memory_space<hbm>>) dst(%dma_wait3A_1306 : memref<8x64xf32, #tpu.memory_space<vmem>>)
      %dma_wait3A_1309 = arith.constant 13 : i32
      %dma_wait3A_1310 = arith.constant 0 : i32
      %dma_wait3A_1311 = arith.constant 0 : i32
      %dma_wait3A_1312 = tpu.memref_slice %arg9[%dma_wait3A_1309, %dma_wait3A_1310, %dma_wait3A_1311] : memref<16x8x64xf32, #tpu.memory_space<vmem>> -> memref<1x8x64xf32, #tpu.memory_space<vmem>>
      %dma_wait3A_1313 = tpu.memref_squeeze %dma_wait3A_1312 : memref<1x8x64xf32, #tpu.memory_space<vmem>> -> memref<8x64xf32, #tpu.memory_space<vmem>>
      %dma_wait3A_1314 = arith.constant 0 : i32
      %dma_wait3A_1315 = tpu.memref_slice %arg4[%multiple_of3A_805, %dma_wait3A_1314] : memref<1000000x64xf32, #tpu.memory_space<hbm>> -> memref<8x64xf32, #tpu.memory_space<hbm>>
      %dma_wait3A_1316 = arith.constant 0 : i32
      %dma_wait3A_1317 = arith.constant 0 : i32
      %dma_wait3A_1318 = tpu.memref_slice %arg9[%dma_wait3A_1309, %dma_wait3A_1316, %dma_wait3A_1317] : memref<16x8x64xf32, #tpu.memory_space<vmem>> -> memref<1x8x64xf32, #tpu.memory_space<vmem>>
      %dma_wait3A_1319 = tpu.memref_squeeze %dma_wait3A_1318 : memref<1x8x64xf32, #tpu.memory_space<vmem>> -> memref<8x64xf32, #tpu.memory_space<vmem>>
      %dma_wait3A_1320 = arith.constant 0 : i32
      %dma_wait3A_1321 = tpu.memref_slice %arg4[%multiple_of3A_805, %dma_wait3A_1320] : memref<1000000x64xf32, #tpu.memory_space<hbm>> -> memref<8x64xf32, #tpu.memory_space<hbm>>
      tpu.wait_dma2 semaphore(%arg12 : memref<!tpu.dma_semaphore, #tpu.memory_space<semaphore_mem>>) src(%dma_wait3A_1321 : memref<8x64xf32, #tpu.memory_space<hbm>>) dst(%dma_wait3A_1319 : memref<8x64xf32, #tpu.memory_space<vmem>>)
      %dma_wait3A_1322 = arith.constant 13 : i32
      %dma_wait3A_1323 = arith.constant 0 : i32
      %dma_wait3A_1324 = arith.constant 0 : i32
      %dma_wait3A_1325 = tpu.memref_slice %arg10[%dma_wait3A_1322, %dma_wait3A_1323, %dma_wait3A_1324] : memref<16x8x64xf32, #tpu.memory_space<vmem>> -> memref<1x8x64xf32, #tpu.memory_space<vmem>>
      %dma_wait3A_1326 = tpu.memref_squeeze %dma_wait3A_1325 : memref<1x8x64xf32, #tpu.memory_space<vmem>> -> memref<8x64xf32, #tpu.memory_space<vmem>>
      %dma_wait3A_1327 = arith.constant 0 : i32
      %dma_wait3A_1328 = tpu.memref_slice %arg5[%multiple_of3A_813, %dma_wait3A_1327] : memref<1000000x64xf32, #tpu.memory_space<hbm>> -> memref<8x64xf32, #tpu.memory_space<hbm>>
      %dma_wait3A_1329 = arith.constant 0 : i32
      %dma_wait3A_1330 = arith.constant 0 : i32
      %dma_wait3A_1331 = tpu.memref_slice %arg10[%dma_wait3A_1322, %dma_wait3A_1329, %dma_wait3A_1330] : memref<16x8x64xf32, #tpu.memory_space<vmem>> -> memref<1x8x64xf32, #tpu.memory_space<vmem>>
      %dma_wait3A_1332 = tpu.memref_squeeze %dma_wait3A_1331 : memref<1x8x64xf32, #tpu.memory_space<vmem>> -> memref<8x64xf32, #tpu.memory_space<vmem>>
      %dma_wait3A_1333 = arith.constant 0 : i32
      %dma_wait3A_1334 = tpu.memref_slice %arg5[%multiple_of3A_813, %dma_wait3A_1333] : memref<1000000x64xf32, #tpu.memory_space<hbm>> -> memref<8x64xf32, #tpu.memory_space<hbm>>
      tpu.wait_dma2 semaphore(%arg13 : memref<!tpu.dma_semaphore, #tpu.memory_space<semaphore_mem>>) src(%dma_wait3A_1334 : memref<8x64xf32, #tpu.memory_space<hbm>>) dst(%dma_wait3A_1332 : memref<8x64xf32, #tpu.memory_space<vmem>>)
      %dma_wait3A_1335 = arith.constant 14 : i32
      %dma_wait3A_1336 = arith.constant 0 : i32
      %dma_wait3A_1337 = arith.constant 0 : i32
      %dma_wait3A_1338 = tpu.memref_slice %arg9[%dma_wait3A_1335, %dma_wait3A_1336, %dma_wait3A_1337] : memref<16x8x64xf32, #tpu.memory_space<vmem>> -> memref<1x8x64xf32, #tpu.memory_space<vmem>>
      %dma_wait3A_1339 = tpu.memref_squeeze %dma_wait3A_1338 : memref<1x8x64xf32, #tpu.memory_space<vmem>> -> memref<8x64xf32, #tpu.memory_space<vmem>>
      %dma_wait3A_1340 = arith.constant 0 : i32
      %dma_wait3A_1341 = tpu.memref_slice %arg4[%multiple_of3A_864, %dma_wait3A_1340] : memref<1000000x64xf32, #tpu.memory_space<hbm>> -> memref<8x64xf32, #tpu.memory_space<hbm>>
      %dma_wait3A_1342 = arith.constant 0 : i32
      %dma_wait3A_1343 = arith.constant 0 : i32
      %dma_wait3A_1344 = tpu.memref_slice %arg9[%dma_wait3A_1335, %dma_wait3A_1342, %dma_wait3A_1343] : memref<16x8x64xf32, #tpu.memory_space<vmem>> -> memref<1x8x64xf32, #tpu.memory_space<vmem>>
      %dma_wait3A_1345 = tpu.memref_squeeze %dma_wait3A_1344 : memref<1x8x64xf32, #tpu.memory_space<vmem>> -> memref<8x64xf32, #tpu.memory_space<vmem>>
      %dma_wait3A_1346 = arith.constant 0 : i32
      %dma_wait3A_1347 = tpu.memref_slice %arg4[%multiple_of3A_864, %dma_wait3A_1346] : memref<1000000x64xf32, #tpu.memory_space<hbm>> -> memref<8x64xf32, #tpu.memory_space<hbm>>
      tpu.wait_dma2 semaphore(%arg12 : memref<!tpu.dma_semaphore, #tpu.memory_space<semaphore_mem>>) src(%dma_wait3A_1347 : memref<8x64xf32, #tpu.memory_space<hbm>>) dst(%dma_wait3A_1345 : memref<8x64xf32, #tpu.memory_space<vmem>>)
      %dma_wait3A_1348 = arith.constant 14 : i32
      %dma_wait3A_1349 = arith.constant 0 : i32
      %dma_wait3A_1350 = arith.constant 0 : i32
      %dma_wait3A_1351 = tpu.memref_slice %arg10[%dma_wait3A_1348, %dma_wait3A_1349, %dma_wait3A_1350] : memref<16x8x64xf32, #tpu.memory_space<vmem>> -> memref<1x8x64xf32, #tpu.memory_space<vmem>>
      %dma_wait3A_1352 = tpu.memref_squeeze %dma_wait3A_1351 : memref<1x8x64xf32, #tpu.memory_space<vmem>> -> memref<8x64xf32, #tpu.memory_space<vmem>>
      %dma_wait3A_1353 = arith.constant 0 : i32
      %dma_wait3A_1354 = tpu.memref_slice %arg5[%multiple_of3A_872, %dma_wait3A_1353] : memref<1000000x64xf32, #tpu.memory_space<hbm>> -> memref<8x64xf32, #tpu.memory_space<hbm>>
      %dma_wait3A_1355 = arith.constant 0 : i32
      %dma_wait3A_1356 = arith.constant 0 : i32
      %dma_wait3A_1357 = tpu.memref_slice %arg10[%dma_wait3A_1348, %dma_wait3A_1355, %dma_wait3A_1356] : memref<16x8x64xf32, #tpu.memory_space<vmem>> -> memref<1x8x64xf32, #tpu.memory_space<vmem>>
      %dma_wait3A_1358 = tpu.memref_squeeze %dma_wait3A_1357 : memref<1x8x64xf32, #tpu.memory_space<vmem>> -> memref<8x64xf32, #tpu.memory_space<vmem>>
      %dma_wait3A_1359 = arith.constant 0 : i32
      %dma_wait3A_1360 = tpu.memref_slice %arg5[%multiple_of3A_872, %dma_wait3A_1359] : memref<1000000x64xf32, #tpu.memory_space<hbm>> -> memref<8x64xf32, #tpu.memory_space<hbm>>
      tpu.wait_dma2 semaphore(%arg13 : memref<!tpu.dma_semaphore, #tpu.memory_space<semaphore_mem>>) src(%dma_wait3A_1360 : memref<8x64xf32, #tpu.memory_space<hbm>>) dst(%dma_wait3A_1358 : memref<8x64xf32, #tpu.memory_space<vmem>>)
      %dma_wait3A_1361 = arith.constant 15 : i32
      %dma_wait3A_1362 = arith.constant 0 : i32
      %dma_wait3A_1363 = arith.constant 0 : i32
      %dma_wait3A_1364 = tpu.memref_slice %arg9[%dma_wait3A_1361, %dma_wait3A_1362, %dma_wait3A_1363] : memref<16x8x64xf32, #tpu.memory_space<vmem>> -> memref<1x8x64xf32, #tpu.memory_space<vmem>>
      %dma_wait3A_1365 = tpu.memref_squeeze %dma_wait3A_1364 : memref<1x8x64xf32, #tpu.memory_space<vmem>> -> memref<8x64xf32, #tpu.memory_space<vmem>>
      %dma_wait3A_1366 = arith.constant 0 : i32
      %dma_wait3A_1367 = tpu.memref_slice %arg4[%multiple_of3A_923, %dma_wait3A_1366] : memref<1000000x64xf32, #tpu.memory_space<hbm>> -> memref<8x64xf32, #tpu.memory_space<hbm>>
      %dma_wait3A_1368 = arith.constant 0 : i32
      %dma_wait3A_1369 = arith.constant 0 : i32
      %dma_wait3A_1370 = tpu.memref_slice %arg9[%dma_wait3A_1361, %dma_wait3A_1368, %dma_wait3A_1369] : memref<16x8x64xf32, #tpu.memory_space<vmem>> -> memref<1x8x64xf32, #tpu.memory_space<vmem>>
      %dma_wait3A_1371 = tpu.memref_squeeze %dma_wait3A_1370 : memref<1x8x64xf32, #tpu.memory_space<vmem>> -> memref<8x64xf32, #tpu.memory_space<vmem>>
      %dma_wait3A_1372 = arith.constant 0 : i32
      %dma_wait3A_1373 = tpu.memref_slice %arg4[%multiple_of3A_923, %dma_wait3A_1372] : memref<1000000x64xf32, #tpu.memory_space<hbm>> -> memref<8x64xf32, #tpu.memory_space<hbm>>
      tpu.wait_dma2 semaphore(%arg12 : memref<!tpu.dma_semaphore, #tpu.memory_space<semaphore_mem>>) src(%dma_wait3A_1373 : memref<8x64xf32, #tpu.memory_space<hbm>>) dst(%dma_wait3A_1371 : memref<8x64xf32, #tpu.memory_space<vmem>>)
      %dma_wait3A_1374 = arith.constant 15 : i32
      %dma_wait3A_1375 = arith.constant 0 : i32
      %dma_wait3A_1376 = arith.constant 0 : i32
      %dma_wait3A_1377 = tpu.memref_slice %arg10[%dma_wait3A_1374, %dma_wait3A_1375, %dma_wait3A_1376] : memref<16x8x64xf32, #tpu.memory_space<vmem>> -> memref<1x8x64xf32, #tpu.memory_space<vmem>>
      %dma_wait3A_1378 = tpu.memref_squeeze %dma_wait3A_1377 : memref<1x8x64xf32, #tpu.memory_space<vmem>> -> memref<8x64xf32, #tpu.memory_space<vmem>>
      %dma_wait3A_1379 = arith.constant 0 : i32
      %dma_wait3A_1380 = tpu.memref_slice %arg5[%multiple_of3A_931, %dma_wait3A_1379] : memref<1000000x64xf32, #tpu.memory_space<hbm>> -> memref<8x64xf32, #tpu.memory_space<hbm>>
      %dma_wait3A_1381 = arith.constant 0 : i32
      %dma_wait3A_1382 = arith.constant 0 : i32
      %dma_wait3A_1383 = tpu.memref_slice %arg10[%dma_wait3A_1374, %dma_wait3A_1381, %dma_wait3A_1382] : memref<16x8x64xf32, #tpu.memory_space<vmem>> -> memref<1x8x64xf32, #tpu.memory_space<vmem>>
      %dma_wait3A_1384 = tpu.memref_squeeze %dma_wait3A_1383 : memref<1x8x64xf32, #tpu.memory_space<vmem>> -> memref<8x64xf32, #tpu.memory_space<vmem>>
      %dma_wait3A_1385 = arith.constant 0 : i32
      %dma_wait3A_1386 = tpu.memref_slice %arg5[%multiple_of3A_931, %dma_wait3A_1385] : memref<1000000x64xf32, #tpu.memory_space<hbm>> -> memref<8x64xf32, #tpu.memory_space<hbm>>
      tpu.wait_dma2 semaphore(%arg13 : memref<!tpu.dma_semaphore, #tpu.memory_space<semaphore_mem>>) src(%dma_wait3A_1386 : memref<8x64xf32, #tpu.memory_space<hbm>>) dst(%dma_wait3A_1384 : memref<8x64xf32, #tpu.memory_space<vmem>>)
      %broadcast_in_dim3A_1387 = arith.constant 0.000000e+00 : f32
      %broadcast_in_dim3A_1388 = vector.broadcast %broadcast_in_dim3A_1387 : f32 to vector<16xf32>
      %get3A_1389 = arith.constant 0 : i32
      %get3A_1390 = arith.index_cast %get3A_1389 : i32 to index
      %get3A_1391 = arith.index_cast %reduce_sum3A_54 : i32 to index
      %get3A_1392 = arith.constant 0 : index
      %get3A_1393 = tpu.vector_load %arg9[%get3A_1390, %get3A_1391, %get3A_1392] {strides = array<i32>} : memref<16x8x64xf32, #tpu.memory_space<vmem>>, vector<16xf32>,
      %get3A_1394 = arith.constant 0 : i32
      %get3A_1395 = arith.index_cast %get3A_1394 : i32 to index
      %get3A_1396 = arith.index_cast %reduce_sum3A_61 : i32 to index
      %get3A_1397 = arith.constant 0 : index
      %get3A_1398 = tpu.vector_load %arg10[%get3A_1395, %get3A_1396, %get3A_1397] {strides = array<i32>} : memref<16x8x64xf32, #tpu.memory_space<vmem>>, vector<16xf32>,
      %mul3A_1399 = arith.mulf %get3A_1393, %get3A_1398 : vector<16xf32>
      %get3A_1400 = arith.constant 0 : i32
      %get3A_1401 = arith.index_cast %get3A_1400 : i32 to index
      %get3A_1402 = arith.index_cast %reduce_sum3A_54 : i32 to index
      %get3A_1403 = arith.constant 16 : index
      %get3A_1404 = tpu.vector_load %arg9[%get3A_1401, %get3A_1402, %get3A_1403] {strides = array<i32>} : memref<16x8x64xf32, #tpu.memory_space<vmem>>, vector<16xf32>,
      %get3A_1405 = arith.constant 0 : i32
      %get3A_1406 = arith.index_cast %get3A_1405 : i32 to index
      %get3A_1407 = arith.index_cast %reduce_sum3A_61 : i32 to index
      %get3A_1408 = arith.constant 16 : index
      %get3A_1409 = tpu.vector_load %arg10[%get3A_1406, %get3A_1407, %get3A_1408] {strides = array<i32>} : memref<16x8x64xf32, #tpu.memory_space<vmem>>, vector<16xf32>,
      %mul3A_1410 = arith.mulf %get3A_1404, %get3A_1409 : vector<16xf32>
      %add3A_1411 = arith.addf %mul3A_1399, %mul3A_1410 : vector<16xf32>
      %get3A_1412 = arith.constant 0 : i32
      %get3A_1413 = arith.index_cast %get3A_1412 : i32 to index
      %get3A_1414 = arith.index_cast %reduce_sum3A_54 : i32 to index
      %get3A_1415 = arith.constant 32 : index
      %get3A_1416 = tpu.vector_load %arg9[%get3A_1413, %get3A_1414, %get3A_1415] {strides = array<i32>} : memref<16x8x64xf32, #tpu.memory_space<vmem>>, vector<16xf32>,
      %get3A_1417 = arith.constant 0 : i32
      %get3A_1418 = arith.index_cast %get3A_1417 : i32 to index
      %get3A_1419 = arith.index_cast %reduce_sum3A_61 : i32 to index
      %get3A_1420 = arith.constant 32 : index
      %get3A_1421 = tpu.vector_load %arg10[%get3A_1418, %get3A_1419, %get3A_1420] {strides = array<i32>} : memref<16x8x64xf32, #tpu.memory_space<vmem>>, vector<16xf32>,
      %mul3A_1422 = arith.mulf %get3A_1416, %get3A_1421 : vector<16xf32>
      %add3A_1423 = arith.addf %add3A_1411, %mul3A_1422 : vector<16xf32>
      %get3A_1424 = arith.constant 0 : i32
      %get3A_1425 = arith.index_cast %get3A_1424 : i32 to index
      %get3A_1426 = arith.index_cast %reduce_sum3A_54 : i32 to index
      %get3A_1427 = arith.constant 48 : index
      %get3A_1428 = tpu.vector_load %arg9[%get3A_1425, %get3A_1426, %get3A_1427] {strides = array<i32>} : memref<16x8x64xf32, #tpu.memory_space<vmem>>, vector<16xf32>,
      %get3A_1429 = arith.constant 0 : i32
      %get3A_1430 = arith.index_cast %get3A_1429 : i32 to index
      %get3A_1431 = arith.index_cast %reduce_sum3A_61 : i32 to index
      %get3A_1432 = arith.constant 48 : index
      %get3A_1433 = tpu.vector_load %arg10[%get3A_1430, %get3A_1431, %get3A_1432] {strides = array<i32>} : memref<16x8x64xf32, #tpu.memory_space<vmem>>, vector<16xf32>,
      %mul3A_1434 = arith.mulf %get3A_1428, %get3A_1433 : vector<16xf32>
      %add3A_1435 = arith.addf %add3A_1423, %mul3A_1434 : vector<16xf32>
      %eq3A_1436 = arith.constant 0 : i32
      %eq3A_1437 = vector.broadcast %eq3A_1436 : i32 to vector<16xi32>
      %eq3A_1438 = arith.cmpi eq, %iota3A, %eq3A_1437 : vector<16xi32>
      %reduce_sum3A_1439 = arith.constant true
      %reduce_sum3A_1440 = vector.broadcast %reduce_sum3A_1439 : i1 to vector<16xi1>
      %reduce_sum3A_1441 = tpu.scan <sum>, %add3A_1435 masked %reduce_sum3A_1440 : vector<16xf32>, vector<16xi1> -> vector<16xf32>
      %reduce_sum3A_1442 = vector.extract %reduce_sum3A_1441[15] : f32 from vector<16xf32>
      %broadcast_in_dim3A_1443 = vector.broadcast %reduce_sum3A_1442 : f32 to vector<16xf32>
      %select_n3A_1444 = arith.select %eq3A_1438, %broadcast_in_dim3A_1443, %broadcast_in_dim3A_1388 : vector<16xi1>, vector<16xf32>
      %get3A_1445 = arith.constant 1 : i32
      %get3A_1446 = arith.index_cast %get3A_1445 : i32 to index
      %get3A_1447 = arith.index_cast %reduce_sum3A_112 : i32 to index
      %get3A_1448 = arith.constant 0 : index
      %get3A_1449 = tpu.vector_load %arg9[%get3A_1446, %get3A_1447, %get3A_1448] {strides = array<i32>} : memref<16x8x64xf32, #tpu.memory_space<vmem>>, vector<16xf32>,
      %get3A_1450 = arith.constant 1 : i32
      %get3A_1451 = arith.index_cast %get3A_1450 : i32 to index
      %get3A_1452 = arith.index_cast %reduce_sum3A_119 : i32 to index
      %get3A_1453 = arith.constant 0 : index
      %get3A_1454 = tpu.vector_load %arg10[%get3A_1451, %get3A_1452, %get3A_1453] {strides = array<i32>} : memref<16x8x64xf32, #tpu.memory_space<vmem>>, vector<16xf32>,
      %mul3A_1455 = arith.mulf %get3A_1449, %get3A_1454 : vector<16xf32>
      %get3A_1456 = arith.constant 1 : i32
      %get3A_1457 = arith.index_cast %get3A_1456 : i32 to index
      %get3A_1458 = arith.index_cast %reduce_sum3A_112 : i32 to index
      %get3A_1459 = arith.constant 16 : index
      %get3A_1460 = tpu.vector_load %arg9[%get3A_1457, %get3A_1458, %get3A_1459] {strides = array<i32>} : memref<16x8x64xf32, #tpu.memory_space<vmem>>, vector<16xf32>,
      %get3A_1461 = arith.constant 1 : i32
      %get3A_1462 = arith.index_cast %get3A_1461 : i32 to index
      %get3A_1463 = arith.index_cast %reduce_sum3A_119 : i32 to index
      %get3A_1464 = arith.constant 16 : index
      %get3A_1465 = tpu.vector_load %arg10[%get3A_1462, %get3A_1463, %get3A_1464] {strides = array<i32>} : memref<16x8x64xf32, #tpu.memory_space<vmem>>, vector<16xf32>,
      %mul3A_1466 = arith.mulf %get3A_1460, %get3A_1465 : vector<16xf32>
      %add3A_1467 = arith.addf %mul3A_1455, %mul3A_1466 : vector<16xf32>
      %get3A_1468 = arith.constant 1 : i32
      %get3A_1469 = arith.index_cast %get3A_1468 : i32 to index
      %get3A_1470 = arith.index_cast %reduce_sum3A_112 : i32 to index
      %get3A_1471 = arith.constant 32 : index
      %get3A_1472 = tpu.vector_load %arg9[%get3A_1469, %get3A_1470, %get3A_1471] {strides = array<i32>} : memref<16x8x64xf32, #tpu.memory_space<vmem>>, vector<16xf32>,
      %get3A_1473 = arith.constant 1 : i32
      %get3A_1474 = arith.index_cast %get3A_1473 : i32 to index
      %get3A_1475 = arith.index_cast %reduce_sum3A_119 : i32 to index
      %get3A_1476 = arith.constant 32 : index
      %get3A_1477 = tpu.vector_load %arg10[%get3A_1474, %get3A_1475, %get3A_1476] {strides = array<i32>} : memref<16x8x64xf32, #tpu.memory_space<vmem>>, vector<16xf32>,
      %mul3A_1478 = arith.mulf %get3A_1472, %get3A_1477 : vector<16xf32>
      %add3A_1479 = arith.addf %add3A_1467, %mul3A_1478 : vector<16xf32>
      %get3A_1480 = arith.constant 1 : i32
      %get3A_1481 = arith.index_cast %get3A_1480 : i32 to index
      %get3A_1482 = arith.index_cast %reduce_sum3A_112 : i32 to index
      %get3A_1483 = arith.constant 48 : index
      %get3A_1484 = tpu.vector_load %arg9[%get3A_1481, %get3A_1482, %get3A_1483] {strides = array<i32>} : memref<16x8x64xf32, #tpu.memory_space<vmem>>, vector<16xf32>,
      %get3A_1485 = arith.constant 1 : i32
      %get3A_1486 = arith.index_cast %get3A_1485 : i32 to index
      %get3A_1487 = arith.index_cast %reduce_sum3A_119 : i32 to index
      %get3A_1488 = arith.constant 48 : index
      %get3A_1489 = tpu.vector_load %arg10[%get3A_1486, %get3A_1487, %get3A_1488] {strides = array<i32>} : memref<16x8x64xf32, #tpu.memory_space<vmem>>, vector<16xf32>,
      %mul3A_1490 = arith.mulf %get3A_1484, %get3A_1489 : vector<16xf32>
      %add3A_1491 = arith.addf %add3A_1479, %mul3A_1490 : vector<16xf32>
      %eq3A_1492 = arith.constant 1 : i32
      %eq3A_1493 = vector.broadcast %eq3A_1492 : i32 to vector<16xi32>
      %eq3A_1494 = arith.cmpi eq, %iota3A, %eq3A_1493 : vector<16xi32>
      %reduce_sum3A_1495 = arith.constant true
      %reduce_sum3A_1496 = vector.broadcast %reduce_sum3A_1495 : i1 to vector<16xi1>
      %reduce_sum3A_1497 = tpu.scan <sum>, %add3A_1491 masked %reduce_sum3A_1496 : vector<16xf32>, vector<16xi1> -> vector<16xf32>
      %reduce_sum3A_1498 = vector.extract %reduce_sum3A_1497[15] : f32 from vector<16xf32>
      %broadcast_in_dim3A_1499 = vector.broadcast %reduce_sum3A_1498 : f32 to vector<16xf32>
      %select_n3A_1500 = arith.select %eq3A_1494, %broadcast_in_dim3A_1499, %select_n3A_1444 : vector<16xi1>, vector<16xf32>
      %get3A_1501 = arith.constant 2 : i32
      %get3A_1502 = arith.index_cast %get3A_1501 : i32 to index
      %get3A_1503 = arith.index_cast %reduce_sum3A_171 : i32 to index
      %get3A_1504 = arith.constant 0 : index
      %get3A_1505 = tpu.vector_load %arg9[%get3A_1502, %get3A_1503, %get3A_1504] {strides = array<i32>} : memref<16x8x64xf32, #tpu.memory_space<vmem>>, vector<16xf32>,
      %get3A_1506 = arith.constant 2 : i32
      %get3A_1507 = arith.index_cast %get3A_1506 : i32 to index
      %get3A_1508 = arith.index_cast %reduce_sum3A_178 : i32 to index
      %get3A_1509 = arith.constant 0 : index
      %get3A_1510 = tpu.vector_load %arg10[%get3A_1507, %get3A_1508, %get3A_1509] {strides = array<i32>} : memref<16x8x64xf32, #tpu.memory_space<vmem>>, vector<16xf32>,
      %mul3A_1511 = arith.mulf %get3A_1505, %get3A_1510 : vector<16xf32>
      %get3A_1512 = arith.constant 2 : i32
      %get3A_1513 = arith.index_cast %get3A_1512 : i32 to index
      %get3A_1514 = arith.index_cast %reduce_sum3A_171 : i32 to index
      %get3A_1515 = arith.constant 16 : index
      %get3A_1516 = tpu.vector_load %arg9[%get3A_1513, %get3A_1514, %get3A_1515] {strides = array<i32>} : memref<16x8x64xf32, #tpu.memory_space<vmem>>, vector<16xf32>,
      %get3A_1517 = arith.constant 2 : i32
      %get3A_1518 = arith.index_cast %get3A_1517 : i32 to index
      %get3A_1519 = arith.index_cast %reduce_sum3A_178 : i32 to index
      %get3A_1520 = arith.constant 16 : index
      %get3A_1521 = tpu.vector_load %arg10[%get3A_1518, %get3A_1519, %get3A_1520] {strides = array<i32>} : memref<16x8x64xf32, #tpu.memory_space<vmem>>, vector<16xf32>,
      %mul3A_1522 = arith.mulf %get3A_1516, %get3A_1521 : vector<16xf32>
      %add3A_1523 = arith.addf %mul3A_1511, %mul3A_1522 : vector<16xf32>
      %get3A_1524 = arith.constant 2 : i32
      %get3A_1525 = arith.index_cast %get3A_1524 : i32 to index
      %get3A_1526 = arith.index_cast %reduce_sum3A_171 : i32 to index
      %get3A_1527 = arith.constant 32 : index
      %get3A_1528 = tpu.vector_load %arg9[%get3A_1525, %get3A_1526, %get3A_1527] {strides = array<i32>} : memref<16x8x64xf32, #tpu.memory_space<vmem>>, vector<16xf32>,
      %get3A_1529 = arith.constant 2 : i32
      %get3A_1530 = arith.index_cast %get3A_1529 : i32 to index
      %get3A_1531 = arith.index_cast %reduce_sum3A_178 : i32 to index
      %get3A_1532 = arith.constant 32 : index
      %get3A_1533 = tpu.vector_load %arg10[%get3A_1530, %get3A_1531, %get3A_1532] {strides = array<i32>} : memref<16x8x64xf32, #tpu.memory_space<vmem>>, vector<16xf32>,
      %mul3A_1534 = arith.mulf %get3A_1528, %get3A_1533 : vector<16xf32>
      %add3A_1535 = arith.addf %add3A_1523, %mul3A_1534 : vector<16xf32>
      %get3A_1536 = arith.constant 2 : i32
      %get3A_1537 = arith.index_cast %get3A_1536 : i32 to index
      %get3A_1538 = arith.index_cast %reduce_sum3A_171 : i32 to index
      %get3A_1539 = arith.constant 48 : index
      %get3A_1540 = tpu.vector_load %arg9[%get3A_1537, %get3A_1538, %get3A_1539] {strides = array<i32>} : memref<16x8x64xf32, #tpu.memory_space<vmem>>, vector<16xf32>,
      %get3A_1541 = arith.constant 2 : i32
      %get3A_1542 = arith.index_cast %get3A_1541 : i32 to index
      %get3A_1543 = arith.index_cast %reduce_sum3A_178 : i32 to index
      %get3A_1544 = arith.constant 48 : index
      %get3A_1545 = tpu.vector_load %arg10[%get3A_1542, %get3A_1543, %get3A_1544] {strides = array<i32>} : memref<16x8x64xf32, #tpu.memory_space<vmem>>, vector<16xf32>,
      %mul3A_1546 = arith.mulf %get3A_1540, %get3A_1545 : vector<16xf32>
      %add3A_1547 = arith.addf %add3A_1535, %mul3A_1546 : vector<16xf32>
      %eq3A_1548 = arith.constant 2 : i32
      %eq3A_1549 = vector.broadcast %eq3A_1548 : i32 to vector<16xi32>
      %eq3A_1550 = arith.cmpi eq, %iota3A, %eq3A_1549 : vector<16xi32>
      %reduce_sum3A_1551 = arith.constant true
      %reduce_sum3A_1552 = vector.broadcast %reduce_sum3A_1551 : i1 to vector<16xi1>
      %reduce_sum3A_1553 = tpu.scan <sum>, %add3A_1547 masked %reduce_sum3A_1552 : vector<16xf32>, vector<16xi1> -> vector<16xf32>
      %reduce_sum3A_1554 = vector.extract %reduce_sum3A_1553[15] : f32 from vector<16xf32>
      %broadcast_in_dim3A_1555 = vector.broadcast %reduce_sum3A_1554 : f32 to vector<16xf32>
      %select_n3A_1556 = arith.select %eq3A_1550, %broadcast_in_dim3A_1555, %select_n3A_1500 : vector<16xi1>, vector<16xf32>
      %get3A_1557 = arith.constant 3 : i32
      %get3A_1558 = arith.index_cast %get3A_1557 : i32 to index
      %get3A_1559 = arith.index_cast %reduce_sum3A_230 : i32 to index
      %get3A_1560 = arith.constant 0 : index
      %get3A_1561 = tpu.vector_load %arg9[%get3A_1558, %get3A_1559, %get3A_1560] {strides = array<i32>} : memref<16x8x64xf32, #tpu.memory_space<vmem>>, vector<16xf32>,
      %get3A_1562 = arith.constant 3 : i32
      %get3A_1563 = arith.index_cast %get3A_1562 : i32 to index
      %get3A_1564 = arith.index_cast %reduce_sum3A_237 : i32 to index
      %get3A_1565 = arith.constant 0 : index
      %get3A_1566 = tpu.vector_load %arg10[%get3A_1563, %get3A_1564, %get3A_1565] {strides = array<i32>} : memref<16x8x64xf32, #tpu.memory_space<vmem>>, vector<16xf32>,
      %mul3A_1567 = arith.mulf %get3A_1561, %get3A_1566 : vector<16xf32>
      %get3A_1568 = arith.constant 3 : i32
      %get3A_1569 = arith.index_cast %get3A_1568 : i32 to index
      %get3A_1570 = arith.index_cast %reduce_sum3A_230 : i32 to index
      %get3A_1571 = arith.constant 16 : index
      %get3A_1572 = tpu.vector_load %arg9[%get3A_1569, %get3A_1570, %get3A_1571] {strides = array<i32>} : memref<16x8x64xf32, #tpu.memory_space<vmem>>, vector<16xf32>,
      %get3A_1573 = arith.constant 3 : i32
      %get3A_1574 = arith.index_cast %get3A_1573 : i32 to index
      %get3A_1575 = arith.index_cast %reduce_sum3A_237 : i32 to index
      %get3A_1576 = arith.constant 16 : index
      %get3A_1577 = tpu.vector_load %arg10[%get3A_1574, %get3A_1575, %get3A_1576] {strides = array<i32>} : memref<16x8x64xf32, #tpu.memory_space<vmem>>, vector<16xf32>,
      %mul3A_1578 = arith.mulf %get3A_1572, %get3A_1577 : vector<16xf32>
      %add3A_1579 = arith.addf %mul3A_1567, %mul3A_1578 : vector<16xf32>
      %get3A_1580 = arith.constant 3 : i32
      %get3A_1581 = arith.index_cast %get3A_1580 : i32 to index
      %get3A_1582 = arith.index_cast %reduce_sum3A_230 : i32 to index
      %get3A_1583 = arith.constant 32 : index
      %get3A_1584 = tpu.vector_load %arg9[%get3A_1581, %get3A_1582, %get3A_1583] {strides = array<i32>} : memref<16x8x64xf32, #tpu.memory_space<vmem>>, vector<16xf32>,
      %get3A_1585 = arith.constant 3 : i32
      %get3A_1586 = arith.index_cast %get3A_1585 : i32 to index
      %get3A_1587 = arith.index_cast %reduce_sum3A_237 : i32 to index
      %get3A_1588 = arith.constant 32 : index
      %get3A_1589 = tpu.vector_load %arg10[%get3A_1586, %get3A_1587, %get3A_1588] {strides = array<i32>} : memref<16x8x64xf32, #tpu.memory_space<vmem>>, vector<16xf32>,
      %mul3A_1590 = arith.mulf %get3A_1584, %get3A_1589 : vector<16xf32>
      %add3A_1591 = arith.addf %add3A_1579, %mul3A_1590 : vector<16xf32>
      %get3A_1592 = arith.constant 3 : i32
      %get3A_1593 = arith.index_cast %get3A_1592 : i32 to index
      %get3A_1594 = arith.index_cast %reduce_sum3A_230 : i32 to index
      %get3A_1595 = arith.constant 48 : index
      %get3A_1596 = tpu.vector_load %arg9[%get3A_1593, %get3A_1594, %get3A_1595] {strides = array<i32>} : memref<16x8x64xf32, #tpu.memory_space<vmem>>, vector<16xf32>,
      %get3A_1597 = arith.constant 3 : i32
      %get3A_1598 = arith.index_cast %get3A_1597 : i32 to index
      %get3A_1599 = arith.index_cast %reduce_sum3A_237 : i32 to index
      %get3A_1600 = arith.constant 48 : index
      %get3A_1601 = tpu.vector_load %arg10[%get3A_1598, %get3A_1599, %get3A_1600] {strides = array<i32>} : memref<16x8x64xf32, #tpu.memory_space<vmem>>, vector<16xf32>,
      %mul3A_1602 = arith.mulf %get3A_1596, %get3A_1601 : vector<16xf32>
      %add3A_1603 = arith.addf %add3A_1591, %mul3A_1602 : vector<16xf32>
      %eq3A_1604 = arith.constant 3 : i32
      %eq3A_1605 = vector.broadcast %eq3A_1604 : i32 to vector<16xi32>
      %eq3A_1606 = arith.cmpi eq, %iota3A, %eq3A_1605 : vector<16xi32>
      %reduce_sum3A_1607 = arith.constant true
      %reduce_sum3A_1608 = vector.broadcast %reduce_sum3A_1607 : i1 to vector<16xi1>
      %reduce_sum3A_1609 = tpu.scan <sum>, %add3A_1603 masked %reduce_sum3A_1608 : vector<16xf32>, vector<16xi1> -> vector<16xf32>
      %reduce_sum3A_1610 = vector.extract %reduce_sum3A_1609[15] : f32 from vector<16xf32>
      %broadcast_in_dim3A_1611 = vector.broadcast %reduce_sum3A_1610 : f32 to vector<16xf32>
      %select_n3A_1612 = arith.select %eq3A_1606, %broadcast_in_dim3A_1611, %select_n3A_1556 : vector<16xi1>, vector<16xf32>
      %get3A_1613 = arith.constant 4 : i32
      %get3A_1614 = arith.index_cast %get3A_1613 : i32 to index
      %get3A_1615 = arith.index_cast %reduce_sum3A_289 : i32 to index
      %get3A_1616 = arith.constant 0 : index
      %get3A_1617 = tpu.vector_load %arg9[%get3A_1614, %get3A_1615, %get3A_1616] {strides = array<i32>} : memref<16x8x64xf32, #tpu.memory_space<vmem>>, vector<16xf32>,
      %get3A_1618 = arith.constant 4 : i32
      %get3A_1619 = arith.index_cast %get3A_1618 : i32 to index
      %get3A_1620 = arith.index_cast %reduce_sum3A_296 : i32 to index
      %get3A_1621 = arith.constant 0 : index
      %get3A_1622 = tpu.vector_load %arg10[%get3A_1619, %get3A_1620, %get3A_1621] {strides = array<i32>} : memref<16x8x64xf32, #tpu.memory_space<vmem>>, vector<16xf32>,
      %mul3A_1623 = arith.mulf %get3A_1617, %get3A_1622 : vector<16xf32>
      %get3A_1624 = arith.constant 4 : i32
      %get3A_1625 = arith.index_cast %get3A_1624 : i32 to index
      %get3A_1626 = arith.index_cast %reduce_sum3A_289 : i32 to index
      %get3A_1627 = arith.constant 16 : index
      %get3A_1628 = tpu.vector_load %arg9[%get3A_1625, %get3A_1626, %get3A_1627] {strides = array<i32>} : memref<16x8x64xf32, #tpu.memory_space<vmem>>, vector<16xf32>,
      %get3A_1629 = arith.constant 4 : i32
      %get3A_1630 = arith.index_cast %get3A_1629 : i32 to index
      %get3A_1631 = arith.index_cast %reduce_sum3A_296 : i32 to index
      %get3A_1632 = arith.constant 16 : index
      %get3A_1633 = tpu.vector_load %arg10[%get3A_1630, %get3A_1631, %get3A_1632] {strides = array<i32>} : memref<16x8x64xf32, #tpu.memory_space<vmem>>, vector<16xf32>,
      %mul3A_1634 = arith.mulf %get3A_1628, %get3A_1633 : vector<16xf32>
      %add3A_1635 = arith.addf %mul3A_1623, %mul3A_1634 : vector<16xf32>
      %get3A_1636 = arith.constant 4 : i32
      %get3A_1637 = arith.index_cast %get3A_1636 : i32 to index
      %get3A_1638 = arith.index_cast %reduce_sum3A_289 : i32 to index
      %get3A_1639 = arith.constant 32 : index
      %get3A_1640 = tpu.vector_load %arg9[%get3A_1637, %get3A_1638, %get3A_1639] {strides = array<i32>} : memref<16x8x64xf32, #tpu.memory_space<vmem>>, vector<16xf32>,
      %get3A_1641 = arith.constant 4 : i32
      %get3A_1642 = arith.index_cast %get3A_1641 : i32 to index
      %get3A_1643 = arith.index_cast %reduce_sum3A_296 : i32 to index
      %get3A_1644 = arith.constant 32 : index
      %get3A_1645 = tpu.vector_load %arg10[%get3A_1642, %get3A_1643, %get3A_1644] {strides = array<i32>} : memref<16x8x64xf32, #tpu.memory_space<vmem>>, vector<16xf32>,
      %mul3A_1646 = arith.mulf %get3A_1640, %get3A_1645 : vector<16xf32>
      %add3A_1647 = arith.addf %add3A_1635, %mul3A_1646 : vector<16xf32>
      %get3A_1648 = arith.constant 4 : i32
      %get3A_1649 = arith.index_cast %get3A_1648 : i32 to index
      %get3A_1650 = arith.index_cast %reduce_sum3A_289 : i32 to index
      %get3A_1651 = arith.constant 48 : index
      %get3A_1652 = tpu.vector_load %arg9[%get3A_1649, %get3A_1650, %get3A_1651] {strides = array<i32>} : memref<16x8x64xf32, #tpu.memory_space<vmem>>, vector<16xf32>,
      %get3A_1653 = arith.constant 4 : i32
      %get3A_1654 = arith.index_cast %get3A_1653 : i32 to index
      %get3A_1655 = arith.index_cast %reduce_sum3A_296 : i32 to index
      %get3A_1656 = arith.constant 48 : index
      %get3A_1657 = tpu.vector_load %arg10[%get3A_1654, %get3A_1655, %get3A_1656] {strides = array<i32>} : memref<16x8x64xf32, #tpu.memory_space<vmem>>, vector<16xf32>,
      %mul3A_1658 = arith.mulf %get3A_1652, %get3A_1657 : vector<16xf32>
      %add3A_1659 = arith.addf %add3A_1647, %mul3A_1658 : vector<16xf32>
      %eq3A_1660 = arith.constant 4 : i32
      %eq3A_1661 = vector.broadcast %eq3A_1660 : i32 to vector<16xi32>
      %eq3A_1662 = arith.cmpi eq, %iota3A, %eq3A_1661 : vector<16xi32>
      %reduce_sum3A_1663 = arith.constant true
      %reduce_sum3A_1664 = vector.broadcast %reduce_sum3A_1663 : i1 to vector<16xi1>
      %reduce_sum3A_1665 = tpu.scan <sum>, %add3A_1659 masked %reduce_sum3A_1664 : vector<16xf32>, vector<16xi1> -> vector<16xf32>
      %reduce_sum3A_1666 = vector.extract %reduce_sum3A_1665[15] : f32 from vector<16xf32>
      %broadcast_in_dim3A_1667 = vector.broadcast %reduce_sum3A_1666 : f32 to vector<16xf32>
      %select_n3A_1668 = arith.select %eq3A_1662, %broadcast_in_dim3A_1667, %select_n3A_1612 : vector<16xi1>, vector<16xf32>
      %get3A_1669 = arith.constant 5 : i32
      %get3A_1670 = arith.index_cast %get3A_1669 : i32 to index
      %get3A_1671 = arith.index_cast %reduce_sum3A_348 : i32 to index
      %get3A_1672 = arith.constant 0 : index
      %get3A_1673 = tpu.vector_load %arg9[%get3A_1670, %get3A_1671, %get3A_1672] {strides = array<i32>} : memref<16x8x64xf32, #tpu.memory_space<vmem>>, vector<16xf32>,
      %get3A_1674 = arith.constant 5 : i32
      %get3A_1675 = arith.index_cast %get3A_1674 : i32 to index
      %get3A_1676 = arith.index_cast %reduce_sum3A_355 : i32 to index
      %get3A_1677 = arith.constant 0 : index
      %get3A_1678 = tpu.vector_load %arg10[%get3A_1675, %get3A_1676, %get3A_1677] {strides = array<i32>} : memref<16x8x64xf32, #tpu.memory_space<vmem>>, vector<16xf32>,
      %mul3A_1679 = arith.mulf %get3A_1673, %get3A_1678 : vector<16xf32>
      %get3A_1680 = arith.constant 5 : i32
      %get3A_1681 = arith.index_cast %get3A_1680 : i32 to index
      %get3A_1682 = arith.index_cast %reduce_sum3A_348 : i32 to index
      %get3A_1683 = arith.constant 16 : index
      %get3A_1684 = tpu.vector_load %arg9[%get3A_1681, %get3A_1682, %get3A_1683] {strides = array<i32>} : memref<16x8x64xf32, #tpu.memory_space<vmem>>, vector<16xf32>,
      %get3A_1685 = arith.constant 5 : i32
      %get3A_1686 = arith.index_cast %get3A_1685 : i32 to index
      %get3A_1687 = arith.index_cast %reduce_sum3A_355 : i32 to index
      %get3A_1688 = arith.constant 16 : index
      %get3A_1689 = tpu.vector_load %arg10[%get3A_1686, %get3A_1687, %get3A_1688] {strides = array<i32>} : memref<16x8x64xf32, #tpu.memory_space<vmem>>, vector<16xf32>,
      %mul3A_1690 = arith.mulf %get3A_1684, %get3A_1689 : vector<16xf32>
      %add3A_1691 = arith.addf %mul3A_1679, %mul3A_1690 : vector<16xf32>
      %get3A_1692 = arith.constant 5 : i32
      %get3A_1693 = arith.index_cast %get3A_1692 : i32 to index
      %get3A_1694 = arith.index_cast %reduce_sum3A_348 : i32 to index
      %get3A_1695 = arith.constant 32 : index
      %get3A_1696 = tpu.vector_load %arg9[%get3A_1693, %get3A_1694, %get3A_1695] {strides = array<i32>} : memref<16x8x64xf32, #tpu.memory_space<vmem>>, vector<16xf32>,
      %get3A_1697 = arith.constant 5 : i32
      %get3A_1698 = arith.index_cast %get3A_1697 : i32 to index
      %get3A_1699 = arith.index_cast %reduce_sum3A_355 : i32 to index
      %get3A_1700 = arith.constant 32 : index
      %get3A_1701 = tpu.vector_load %arg10[%get3A_1698, %get3A_1699, %get3A_1700] {strides = array<i32>} : memref<16x8x64xf32, #tpu.memory_space<vmem>>, vector<16xf32>,
      %mul3A_1702 = arith.mulf %get3A_1696, %get3A_1701 : vector<16xf32>
      %add3A_1703 = arith.addf %add3A_1691, %mul3A_1702 : vector<16xf32>
      %get3A_1704 = arith.constant 5 : i32
      %get3A_1705 = arith.index_cast %get3A_1704 : i32 to index
      %get3A_1706 = arith.index_cast %reduce_sum3A_348 : i32 to index
      %get3A_1707 = arith.constant 48 : index
      %get3A_1708 = tpu.vector_load %arg9[%get3A_1705, %get3A_1706, %get3A_1707] {strides = array<i32>} : memref<16x8x64xf32, #tpu.memory_space<vmem>>, vector<16xf32>,
      %get3A_1709 = arith.constant 5 : i32
      %get3A_1710 = arith.index_cast %get3A_1709 : i32 to index
      %get3A_1711 = arith.index_cast %reduce_sum3A_355 : i32 to index
      %get3A_1712 = arith.constant 48 : index
      %get3A_1713 = tpu.vector_load %arg10[%get3A_1710, %get3A_1711, %get3A_1712] {strides = array<i32>} : memref<16x8x64xf32, #tpu.memory_space<vmem>>, vector<16xf32>,
      %mul3A_1714 = arith.mulf %get3A_1708, %get3A_1713 : vector<16xf32>
      %add3A_1715 = arith.addf %add3A_1703, %mul3A_1714 : vector<16xf32>
      %eq3A_1716 = arith.constant 5 : i32
      %eq3A_1717 = vector.broadcast %eq3A_1716 : i32 to vector<16xi32>
      %eq3A_1718 = arith.cmpi eq, %iota3A, %eq3A_1717 : vector<16xi32>
      %reduce_sum3A_1719 = arith.constant true
      %reduce_sum3A_1720 = vector.broadcast %reduce_sum3A_1719 : i1 to vector<16xi1>
      %reduce_sum3A_1721 = tpu.scan <sum>, %add3A_1715 masked %reduce_sum3A_1720 : vector<16xf32>, vector<16xi1> -> vector<16xf32>
      %reduce_sum3A_1722 = vector.extract %reduce_sum3A_1721[15] : f32 from vector<16xf32>
      %broadcast_in_dim3A_1723 = vector.broadcast %reduce_sum3A_1722 : f32 to vector<16xf32>
      %select_n3A_1724 = arith.select %eq3A_1718, %broadcast_in_dim3A_1723, %select_n3A_1668 : vector<16xi1>, vector<16xf32>
      %get3A_1725 = arith.constant 6 : i32
      %get3A_1726 = arith.index_cast %get3A_1725 : i32 to index
      %get3A_1727 = arith.index_cast %reduce_sum3A_407 : i32 to index
      %get3A_1728 = arith.constant 0 : index
      %get3A_1729 = tpu.vector_load %arg9[%get3A_1726, %get3A_1727, %get3A_1728] {strides = array<i32>} : memref<16x8x64xf32, #tpu.memory_space<vmem>>, vector<16xf32>,
      %get3A_1730 = arith.constant 6 : i32
      %get3A_1731 = arith.index_cast %get3A_1730 : i32 to index
      %get3A_1732 = arith.index_cast %reduce_sum3A_414 : i32 to index
      %get3A_1733 = arith.constant 0 : index
      %get3A_1734 = tpu.vector_load %arg10[%get3A_1731, %get3A_1732, %get3A_1733] {strides = array<i32>} : memref<16x8x64xf32, #tpu.memory_space<vmem>>, vector<16xf32>,
      %mul3A_1735 = arith.mulf %get3A_1729, %get3A_1734 : vector<16xf32>
      %get3A_1736 = arith.constant 6 : i32
      %get3A_1737 = arith.index_cast %get3A_1736 : i32 to index
      %get3A_1738 = arith.index_cast %reduce_sum3A_407 : i32 to index
      %get3A_1739 = arith.constant 16 : index
      %get3A_1740 = tpu.vector_load %arg9[%get3A_1737, %get3A_1738, %get3A_1739] {strides = array<i32>} : memref<16x8x64xf32, #tpu.memory_space<vmem>>, vector<16xf32>,
      %get3A_1741 = arith.constant 6 : i32
      %get3A_1742 = arith.index_cast %get3A_1741 : i32 to index
      %get3A_1743 = arith.index_cast %reduce_sum3A_414 : i32 to index
      %get3A_1744 = arith.constant 16 : index
      %get3A_1745 = tpu.vector_load %arg10[%get3A_1742, %get3A_1743, %get3A_1744] {strides = array<i32>} : memref<16x8x64xf32, #tpu.memory_space<vmem>>, vector<16xf32>,
      %mul3A_1746 = arith.mulf %get3A_1740, %get3A_1745 : vector<16xf32>
      %add3A_1747 = arith.addf %mul3A_1735, %mul3A_1746 : vector<16xf32>
      %get3A_1748 = arith.constant 6 : i32
      %get3A_1749 = arith.index_cast %get3A_1748 : i32 to index
      %get3A_1750 = arith.index_cast %reduce_sum3A_407 : i32 to index
      %get3A_1751 = arith.constant 32 : index
      %get3A_1752 = tpu.vector_load %arg9[%get3A_1749, %get3A_1750, %get3A_1751] {strides = array<i32>} : memref<16x8x64xf32, #tpu.memory_space<vmem>>, vector<16xf32>,
      %get3A_1753 = arith.constant 6 : i32
      %get3A_1754 = arith.index_cast %get3A_1753 : i32 to index
      %get3A_1755 = arith.index_cast %reduce_sum3A_414 : i32 to index
      %get3A_1756 = arith.constant 32 : index
      %get3A_1757 = tpu.vector_load %arg10[%get3A_1754, %get3A_1755, %get3A_1756] {strides = array<i32>} : memref<16x8x64xf32, #tpu.memory_space<vmem>>, vector<16xf32>,
      %mul3A_1758 = arith.mulf %get3A_1752, %get3A_1757 : vector<16xf32>
      %add3A_1759 = arith.addf %add3A_1747, %mul3A_1758 : vector<16xf32>
      %get3A_1760 = arith.constant 6 : i32
      %get3A_1761 = arith.index_cast %get3A_1760 : i32 to index
      %get3A_1762 = arith.index_cast %reduce_sum3A_407 : i32 to index
      %get3A_1763 = arith.constant 48 : index
      %get3A_1764 = tpu.vector_load %arg9[%get3A_1761, %get3A_1762, %get3A_1763] {strides = array<i32>} : memref<16x8x64xf32, #tpu.memory_space<vmem>>, vector<16xf32>,
      %get3A_1765 = arith.constant 6 : i32
      %get3A_1766 = arith.index_cast %get3A_1765 : i32 to index
      %get3A_1767 = arith.index_cast %reduce_sum3A_414 : i32 to index
      %get3A_1768 = arith.constant 48 : index
      %get3A_1769 = tpu.vector_load %arg10[%get3A_1766, %get3A_1767, %get3A_1768] {strides = array<i32>} : memref<16x8x64xf32, #tpu.memory_space<vmem>>, vector<16xf32>,
      %mul3A_1770 = arith.mulf %get3A_1764, %get3A_1769 : vector<16xf32>
      %add3A_1771 = arith.addf %add3A_1759, %mul3A_1770 : vector<16xf32>
      %eq3A_1772 = arith.constant 6 : i32
      %eq3A_1773 = vector.broadcast %eq3A_1772 : i32 to vector<16xi32>
      %eq3A_1774 = arith.cmpi eq, %iota3A, %eq3A_1773 : vector<16xi32>
      %reduce_sum3A_1775 = arith.constant true
      %reduce_sum3A_1776 = vector.broadcast %reduce_sum3A_1775 : i1 to vector<16xi1>
      %reduce_sum3A_1777 = tpu.scan <sum>, %add3A_1771 masked %reduce_sum3A_1776 : vector<16xf32>, vector<16xi1> -> vector<16xf32>
      %reduce_sum3A_1778 = vector.extract %reduce_sum3A_1777[15] : f32 from vector<16xf32>
      %broadcast_in_dim3A_1779 = vector.broadcast %reduce_sum3A_1778 : f32 to vector<16xf32>
      %select_n3A_1780 = arith.select %eq3A_1774, %broadcast_in_dim3A_1779, %select_n3A_1724 : vector<16xi1>, vector<16xf32>
      %get3A_1781 = arith.constant 7 : i32
      %get3A_1782 = arith.index_cast %get3A_1781 : i32 to index
      %get3A_1783 = arith.index_cast %reduce_sum3A_466 : i32 to index
      %get3A_1784 = arith.constant 0 : index
      %get3A_1785 = tpu.vector_load %arg9[%get3A_1782, %get3A_1783, %get3A_1784] {strides = array<i32>} : memref<16x8x64xf32, #tpu.memory_space<vmem>>, vector<16xf32>,
      %get3A_1786 = arith.constant 7 : i32
      %get3A_1787 = arith.index_cast %get3A_1786 : i32 to index
      %get3A_1788 = arith.index_cast %reduce_sum3A_473 : i32 to index
      %get3A_1789 = arith.constant 0 : index
      %get3A_1790 = tpu.vector_load %arg10[%get3A_1787, %get3A_1788, %get3A_1789] {strides = array<i32>} : memref<16x8x64xf32, #tpu.memory_space<vmem>>, vector<16xf32>,
      %mul3A_1791 = arith.mulf %get3A_1785, %get3A_1790 : vector<16xf32>
      %get3A_1792 = arith.constant 7 : i32
      %get3A_1793 = arith.index_cast %get3A_1792 : i32 to index
      %get3A_1794 = arith.index_cast %reduce_sum3A_466 : i32 to index
      %get3A_1795 = arith.constant 16 : index
      %get3A_1796 = tpu.vector_load %arg9[%get3A_1793, %get3A_1794, %get3A_1795] {strides = array<i32>} : memref<16x8x64xf32, #tpu.memory_space<vmem>>, vector<16xf32>,
      %get3A_1797 = arith.constant 7 : i32
      %get3A_1798 = arith.index_cast %get3A_1797 : i32 to index
      %get3A_1799 = arith.index_cast %reduce_sum3A_473 : i32 to index
      %get3A_1800 = arith.constant 16 : index
      %get3A_1801 = tpu.vector_load %arg10[%get3A_1798, %get3A_1799, %get3A_1800] {strides = array<i32>} : memref<16x8x64xf32, #tpu.memory_space<vmem>>, vector<16xf32>,
      %mul3A_1802 = arith.mulf %get3A_1796, %get3A_1801 : vector<16xf32>
      %add3A_1803 = arith.addf %mul3A_1791, %mul3A_1802 : vector<16xf32>
      %get3A_1804 = arith.constant 7 : i32
      %get3A_1805 = arith.index_cast %get3A_1804 : i32 to index
      %get3A_1806 = arith.index_cast %reduce_sum3A_466 : i32 to index
      %get3A_1807 = arith.constant 32 : index
      %get3A_1808 = tpu.vector_load %arg9[%get3A_1805, %get3A_1806, %get3A_1807] {strides = array<i32>} : memref<16x8x64xf32, #tpu.memory_space<vmem>>, vector<16xf32>,
      %get3A_1809 = arith.constant 7 : i32
      %get3A_1810 = arith.index_cast %get3A_1809 : i32 to index
      %get3A_1811 = arith.index_cast %reduce_sum3A_473 : i32 to index
      %get3A_1812 = arith.constant 32 : index
      %get3A_1813 = tpu.vector_load %arg10[%get3A_1810, %get3A_1811, %get3A_1812] {strides = array<i32>} : memref<16x8x64xf32, #tpu.memory_space<vmem>>, vector<16xf32>,
      %mul3A_1814 = arith.mulf %get3A_1808, %get3A_1813 : vector<16xf32>
      %add3A_1815 = arith.addf %add3A_1803, %mul3A_1814 : vector<16xf32>
      %get3A_1816 = arith.constant 7 : i32
      %get3A_1817 = arith.index_cast %get3A_1816 : i32 to index
      %get3A_1818 = arith.index_cast %reduce_sum3A_466 : i32 to index
      %get3A_1819 = arith.constant 48 : index
      %get3A_1820 = tpu.vector_load %arg9[%get3A_1817, %get3A_1818, %get3A_1819] {strides = array<i32>} : memref<16x8x64xf32, #tpu.memory_space<vmem>>, vector<16xf32>,
      %get3A_1821 = arith.constant 7 : i32
      %get3A_1822 = arith.index_cast %get3A_1821 : i32 to index
      %get3A_1823 = arith.index_cast %reduce_sum3A_473 : i32 to index
      %get3A_1824 = arith.constant 48 : index
      %get3A_1825 = tpu.vector_load %arg10[%get3A_1822, %get3A_1823, %get3A_1824] {strides = array<i32>} : memref<16x8x64xf32, #tpu.memory_space<vmem>>, vector<16xf32>,
      %mul3A_1826 = arith.mulf %get3A_1820, %get3A_1825 : vector<16xf32>
      %add3A_1827 = arith.addf %add3A_1815, %mul3A_1826 : vector<16xf32>
      %eq3A_1828 = arith.constant 7 : i32
      %eq3A_1829 = vector.broadcast %eq3A_1828 : i32 to vector<16xi32>
      %eq3A_1830 = arith.cmpi eq, %iota3A, %eq3A_1829 : vector<16xi32>
      %reduce_sum3A_1831 = arith.constant true
      %reduce_sum3A_1832 = vector.broadcast %reduce_sum3A_1831 : i1 to vector<16xi1>
      %reduce_sum3A_1833 = tpu.scan <sum>, %add3A_1827 masked %reduce_sum3A_1832 : vector<16xf32>, vector<16xi1> -> vector<16xf32>
      %reduce_sum3A_1834 = vector.extract %reduce_sum3A_1833[15] : f32 from vector<16xf32>
      %broadcast_in_dim3A_1835 = vector.broadcast %reduce_sum3A_1834 : f32 to vector<16xf32>
      %select_n3A_1836 = arith.select %eq3A_1830, %broadcast_in_dim3A_1835, %select_n3A_1780 : vector<16xi1>, vector<16xf32>
      %get3A_1837 = arith.constant 8 : i32
      %get3A_1838 = arith.index_cast %get3A_1837 : i32 to index
      %get3A_1839 = arith.index_cast %reduce_sum3A_525 : i32 to index
      %get3A_1840 = arith.constant 0 : index
      %get3A_1841 = tpu.vector_load %arg9[%get3A_1838, %get3A_1839, %get3A_1840] {strides = array<i32>} : memref<16x8x64xf32, #tpu.memory_space<vmem>>, vector<16xf32>,
      %get3A_1842 = arith.constant 8 : i32
      %get3A_1843 = arith.index_cast %get3A_1842 : i32 to index
      %get3A_1844 = arith.index_cast %reduce_sum3A_532 : i32 to index
      %get3A_1845 = arith.constant 0 : index
      %get3A_1846 = tpu.vector_load %arg10[%get3A_1843, %get3A_1844, %get3A_1845] {strides = array<i32>} : memref<16x8x64xf32, #tpu.memory_space<vmem>>, vector<16xf32>,
      %mul3A_1847 = arith.mulf %get3A_1841, %get3A_1846 : vector<16xf32>
      %get3A_1848 = arith.constant 8 : i32
      %get3A_1849 = arith.index_cast %get3A_1848 : i32 to index
      %get3A_1850 = arith.index_cast %reduce_sum3A_525 : i32 to index
      %get3A_1851 = arith.constant 16 : index
      %get3A_1852 = tpu.vector_load %arg9[%get3A_1849, %get3A_1850, %get3A_1851] {strides = array<i32>} : memref<16x8x64xf32, #tpu.memory_space<vmem>>, vector<16xf32>,
      %get3A_1853 = arith.constant 8 : i32
      %get3A_1854 = arith.index_cast %get3A_1853 : i32 to index
      %get3A_1855 = arith.index_cast %reduce_sum3A_532 : i32 to index
      %get3A_1856 = arith.constant 16 : index
      %get3A_1857 = tpu.vector_load %arg10[%get3A_1854, %get3A_1855, %get3A_1856] {strides = array<i32>} : memref<16x8x64xf32, #tpu.memory_space<vmem>>, vector<16xf32>,
      %mul3A_1858 = arith.mulf %get3A_1852, %get3A_1857 : vector<16xf32>
      %add3A_1859 = arith.addf %mul3A_1847, %mul3A_1858 : vector<16xf32>
      %get3A_1860 = arith.constant 8 : i32
      %get3A_1861 = arith.index_cast %get3A_1860 : i32 to index
      %get3A_1862 = arith.index_cast %reduce_sum3A_525 : i32 to index
      %get3A_1863 = arith.constant 32 : index
      %get3A_1864 = tpu.vector_load %arg9[%get3A_1861, %get3A_1862, %get3A_1863] {strides = array<i32>} : memref<16x8x64xf32, #tpu.memory_space<vmem>>, vector<16xf32>,
      %get3A_1865 = arith.constant 8 : i32
      %get3A_1866 = arith.index_cast %get3A_1865 : i32 to index
      %get3A_1867 = arith.index_cast %reduce_sum3A_532 : i32 to index
      %get3A_1868 = arith.constant 32 : index
      %get3A_1869 = tpu.vector_load %arg10[%get3A_1866, %get3A_1867, %get3A_1868] {strides = array<i32>} : memref<16x8x64xf32, #tpu.memory_space<vmem>>, vector<16xf32>,
      %mul3A_1870 = arith.mulf %get3A_1864, %get3A_1869 : vector<16xf32>
      %add3A_1871 = arith.addf %add3A_1859, %mul3A_1870 : vector<16xf32>
      %get3A_1872 = arith.constant 8 : i32
      %get3A_1873 = arith.index_cast %get3A_1872 : i32 to index
      %get3A_1874 = arith.index_cast %reduce_sum3A_525 : i32 to index
      %get3A_1875 = arith.constant 48 : index
      %get3A_1876 = tpu.vector_load %arg9[%get3A_1873, %get3A_1874, %get3A_1875] {strides = array<i32>} : memref<16x8x64xf32, #tpu.memory_space<vmem>>, vector<16xf32>,
      %get3A_1877 = arith.constant 8 : i32
      %get3A_1878 = arith.index_cast %get3A_1877 : i32 to index
      %get3A_1879 = arith.index_cast %reduce_sum3A_532 : i32 to index
      %get3A_1880 = arith.constant 48 : index
      %get3A_1881 = tpu.vector_load %arg10[%get3A_1878, %get3A_1879, %get3A_1880] {strides = array<i32>} : memref<16x8x64xf32, #tpu.memory_space<vmem>>, vector<16xf32>,
      %mul3A_1882 = arith.mulf %get3A_1876, %get3A_1881 : vector<16xf32>
      %add3A_1883 = arith.addf %add3A_1871, %mul3A_1882 : vector<16xf32>
      %eq3A_1884 = arith.constant 8 : i32
      %eq3A_1885 = vector.broadcast %eq3A_1884 : i32 to vector<16xi32>
      %eq3A_1886 = arith.cmpi eq, %iota3A, %eq3A_1885 : vector<16xi32>
      %reduce_sum3A_1887 = arith.constant true
      %reduce_sum3A_1888 = vector.broadcast %reduce_sum3A_1887 : i1 to vector<16xi1>
      %reduce_sum3A_1889 = tpu.scan <sum>, %add3A_1883 masked %reduce_sum3A_1888 : vector<16xf32>, vector<16xi1> -> vector<16xf32>
      %reduce_sum3A_1890 = vector.extract %reduce_sum3A_1889[15] : f32 from vector<16xf32>
      %broadcast_in_dim3A_1891 = vector.broadcast %reduce_sum3A_1890 : f32 to vector<16xf32>
      %select_n3A_1892 = arith.select %eq3A_1886, %broadcast_in_dim3A_1891, %select_n3A_1836 : vector<16xi1>, vector<16xf32>
      %get3A_1893 = arith.constant 9 : i32
      %get3A_1894 = arith.index_cast %get3A_1893 : i32 to index
      %get3A_1895 = arith.index_cast %reduce_sum3A_584 : i32 to index
      %get3A_1896 = arith.constant 0 : index
      %get3A_1897 = tpu.vector_load %arg9[%get3A_1894, %get3A_1895, %get3A_1896] {strides = array<i32>} : memref<16x8x64xf32, #tpu.memory_space<vmem>>, vector<16xf32>,
      %get3A_1898 = arith.constant 9 : i32
      %get3A_1899 = arith.index_cast %get3A_1898 : i32 to index
      %get3A_1900 = arith.index_cast %reduce_sum3A_591 : i32 to index
      %get3A_1901 = arith.constant 0 : index
      %get3A_1902 = tpu.vector_load %arg10[%get3A_1899, %get3A_1900, %get3A_1901] {strides = array<i32>} : memref<16x8x64xf32, #tpu.memory_space<vmem>>, vector<16xf32>,
      %mul3A_1903 = arith.mulf %get3A_1897, %get3A_1902 : vector<16xf32>
      %get3A_1904 = arith.constant 9 : i32
      %get3A_1905 = arith.index_cast %get3A_1904 : i32 to index
      %get3A_1906 = arith.index_cast %reduce_sum3A_584 : i32 to index
      %get3A_1907 = arith.constant 16 : index
      %get3A_1908 = tpu.vector_load %arg9[%get3A_1905, %get3A_1906, %get3A_1907] {strides = array<i32>} : memref<16x8x64xf32, #tpu.memory_space<vmem>>, vector<16xf32>,
      %get3A_1909 = arith.constant 9 : i32
      %get3A_1910 = arith.index_cast %get3A_1909 : i32 to index
      %get3A_1911 = arith.index_cast %reduce_sum3A_591 : i32 to index
      %get3A_1912 = arith.constant 16 : index
      %get3A_1913 = tpu.vector_load %arg10[%get3A_1910, %get3A_1911, %get3A_1912] {strides = array<i32>} : memref<16x8x64xf32, #tpu.memory_space<vmem>>, vector<16xf32>,
      %mul3A_1914 = arith.mulf %get3A_1908, %get3A_1913 : vector<16xf32>
      %add3A_1915 = arith.addf %mul3A_1903, %mul3A_1914 : vector<16xf32>
      %get3A_1916 = arith.constant 9 : i32
      %get3A_1917 = arith.index_cast %get3A_1916 : i32 to index
      %get3A_1918 = arith.index_cast %reduce_sum3A_584 : i32 to index
      %get3A_1919 = arith.constant 32 : index
      %get3A_1920 = tpu.vector_load %arg9[%get3A_1917, %get3A_1918, %get3A_1919] {strides = array<i32>} : memref<16x8x64xf32, #tpu.memory_space<vmem>>, vector<16xf32>,
      %get3A_1921 = arith.constant 9 : i32
      %get3A_1922 = arith.index_cast %get3A_1921 : i32 to index
      %get3A_1923 = arith.index_cast %reduce_sum3A_591 : i32 to index
      %get3A_1924 = arith.constant 32 : index
      %get3A_1925 = tpu.vector_load %arg10[%get3A_1922, %get3A_1923, %get3A_1924] {strides = array<i32>} : memref<16x8x64xf32, #tpu.memory_space<vmem>>, vector<16xf32>,
      %mul3A_1926 = arith.mulf %get3A_1920, %get3A_1925 : vector<16xf32>
      %add3A_1927 = arith.addf %add3A_1915, %mul3A_1926 : vector<16xf32>
      %get3A_1928 = arith.constant 9 : i32
      %get3A_1929 = arith.index_cast %get3A_1928 : i32 to index
      %get3A_1930 = arith.index_cast %reduce_sum3A_584 : i32 to index
      %get3A_1931 = arith.constant 48 : index
      %get3A_1932 = tpu.vector_load %arg9[%get3A_1929, %get3A_1930, %get3A_1931] {strides = array<i32>} : memref<16x8x64xf32, #tpu.memory_space<vmem>>, vector<16xf32>,
      %get3A_1933 = arith.constant 9 : i32
      %get3A_1934 = arith.index_cast %get3A_1933 : i32 to index
      %get3A_1935 = arith.index_cast %reduce_sum3A_591 : i32 to index
      %get3A_1936 = arith.constant 48 : index
      %get3A_1937 = tpu.vector_load %arg10[%get3A_1934, %get3A_1935, %get3A_1936] {strides = array<i32>} : memref<16x8x64xf32, #tpu.memory_space<vmem>>, vector<16xf32>,
      %mul3A_1938 = arith.mulf %get3A_1932, %get3A_1937 : vector<16xf32>
      %add3A_1939 = arith.addf %add3A_1927, %mul3A_1938 : vector<16xf32>
      %eq3A_1940 = arith.constant 9 : i32
      %eq3A_1941 = vector.broadcast %eq3A_1940 : i32 to vector<16xi32>
      %eq3A_1942 = arith.cmpi eq, %iota3A, %eq3A_1941 : vector<16xi32>
      %reduce_sum3A_1943 = arith.constant true
      %reduce_sum3A_1944 = vector.broadcast %reduce_sum3A_1943 : i1 to vector<16xi1>
      %reduce_sum3A_1945 = tpu.scan <sum>, %add3A_1939 masked %reduce_sum3A_1944 : vector<16xf32>, vector<16xi1> -> vector<16xf32>
      %reduce_sum3A_1946 = vector.extract %reduce_sum3A_1945[15] : f32 from vector<16xf32>
      %broadcast_in_dim3A_1947 = vector.broadcast %reduce_sum3A_1946 : f32 to vector<16xf32>
      %select_n3A_1948 = arith.select %eq3A_1942, %broadcast_in_dim3A_1947, %select_n3A_1892 : vector<16xi1>, vector<16xf32>
      %get3A_1949 = arith.constant 10 : i32
      %get3A_1950 = arith.index_cast %get3A_1949 : i32 to index
      %get3A_1951 = arith.index_cast %reduce_sum3A_643 : i32 to index
      %get3A_1952 = arith.constant 0 : index
      %get3A_1953 = tpu.vector_load %arg9[%get3A_1950, %get3A_1951, %get3A_1952] {strides = array<i32>} : memref<16x8x64xf32, #tpu.memory_space<vmem>>, vector<16xf32>,
      %get3A_1954 = arith.constant 10 : i32
      %get3A_1955 = arith.index_cast %get3A_1954 : i32 to index
      %get3A_1956 = arith.index_cast %reduce_sum3A_650 : i32 to index
      %get3A_1957 = arith.constant 0 : index
      %get3A_1958 = tpu.vector_load %arg10[%get3A_1955, %get3A_1956, %get3A_1957] {strides = array<i32>} : memref<16x8x64xf32, #tpu.memory_space<vmem>>, vector<16xf32>,
      %mul3A_1959 = arith.mulf %get3A_1953, %get3A_1958 : vector<16xf32>
      %get3A_1960 = arith.constant 10 : i32
      %get3A_1961 = arith.index_cast %get3A_1960 : i32 to index
      %get3A_1962 = arith.index_cast %reduce_sum3A_643 : i32 to index
      %get3A_1963 = arith.constant 16 : index
      %get3A_1964 = tpu.vector_load %arg9[%get3A_1961, %get3A_1962, %get3A_1963] {strides = array<i32>} : memref<16x8x64xf32, #tpu.memory_space<vmem>>, vector<16xf32>,
      %get3A_1965 = arith.constant 10 : i32
      %get3A_1966 = arith.index_cast %get3A_1965 : i32 to index
      %get3A_1967 = arith.index_cast %reduce_sum3A_650 : i32 to index
      %get3A_1968 = arith.constant 16 : index
      %get3A_1969 = tpu.vector_load %arg10[%get3A_1966, %get3A_1967, %get3A_1968] {strides = array<i32>} : memref<16x8x64xf32, #tpu.memory_space<vmem>>, vector<16xf32>,
      %mul3A_1970 = arith.mulf %get3A_1964, %get3A_1969 : vector<16xf32>
      %add3A_1971 = arith.addf %mul3A_1959, %mul3A_1970 : vector<16xf32>
      %get3A_1972 = arith.constant 10 : i32
      %get3A_1973 = arith.index_cast %get3A_1972 : i32 to index
      %get3A_1974 = arith.index_cast %reduce_sum3A_643 : i32 to index
      %get3A_1975 = arith.constant 32 : index
      %get3A_1976 = tpu.vector_load %arg9[%get3A_1973, %get3A_1974, %get3A_1975] {strides = array<i32>} : memref<16x8x64xf32, #tpu.memory_space<vmem>>, vector<16xf32>,
      %get3A_1977 = arith.constant 10 : i32
      %get3A_1978 = arith.index_cast %get3A_1977 : i32 to index
      %get3A_1979 = arith.index_cast %reduce_sum3A_650 : i32 to index
      %get3A_1980 = arith.constant 32 : index
      %get3A_1981 = tpu.vector_load %arg10[%get3A_1978, %get3A_1979, %get3A_1980] {strides = array<i32>} : memref<16x8x64xf32, #tpu.memory_space<vmem>>, vector<16xf32>,
      %mul3A_1982 = arith.mulf %get3A_1976, %get3A_1981 : vector<16xf32>
      %add3A_1983 = arith.addf %add3A_1971, %mul3A_1982 : vector<16xf32>
      %get3A_1984 = arith.constant 10 : i32
      %get3A_1985 = arith.index_cast %get3A_1984 : i32 to index
      %get3A_1986 = arith.index_cast %reduce_sum3A_643 : i32 to index
      %get3A_1987 = arith.constant 48 : index
      %get3A_1988 = tpu.vector_load %arg9[%get3A_1985, %get3A_1986, %get3A_1987] {strides = array<i32>} : memref<16x8x64xf32, #tpu.memory_space<vmem>>, vector<16xf32>,
      %get3A_1989 = arith.constant 10 : i32
      %get3A_1990 = arith.index_cast %get3A_1989 : i32 to index
      %get3A_1991 = arith.index_cast %reduce_sum3A_650 : i32 to index
      %get3A_1992 = arith.constant 48 : index
      %get3A_1993 = tpu.vector_load %arg10[%get3A_1990, %get3A_1991, %get3A_1992] {strides = array<i32>} : memref<16x8x64xf32, #tpu.memory_space<vmem>>, vector<16xf32>,
      %mul3A_1994 = arith.mulf %get3A_1988, %get3A_1993 : vector<16xf32>
      %add3A_1995 = arith.addf %add3A_1983, %mul3A_1994 : vector<16xf32>
      %eq3A_1996 = arith.constant 10 : i32
      %eq3A_1997 = vector.broadcast %eq3A_1996 : i32 to vector<16xi32>
      %eq3A_1998 = arith.cmpi eq, %iota3A, %eq3A_1997 : vector<16xi32>
      %reduce_sum3A_1999 = arith.constant true
      %reduce_sum3A_2000 = vector.broadcast %reduce_sum3A_1999 : i1 to vector<16xi1>
      %reduce_sum3A_2001 = tpu.scan <sum>, %add3A_1995 masked %reduce_sum3A_2000 : vector<16xf32>, vector<16xi1> -> vector<16xf32>
      %reduce_sum3A_2002 = vector.extract %reduce_sum3A_2001[15] : f32 from vector<16xf32>
      %broadcast_in_dim3A_2003 = vector.broadcast %reduce_sum3A_2002 : f32 to vector<16xf32>
      %select_n3A_2004 = arith.select %eq3A_1998, %broadcast_in_dim3A_2003, %select_n3A_1948 : vector<16xi1>, vector<16xf32>
      %get3A_2005 = arith.constant 11 : i32
      %get3A_2006 = arith.index_cast %get3A_2005 : i32 to index
      %get3A_2007 = arith.index_cast %reduce_sum3A_702 : i32 to index
      %get3A_2008 = arith.constant 0 : index
      %get3A_2009 = tpu.vector_load %arg9[%get3A_2006, %get3A_2007, %get3A_2008] {strides = array<i32>} : memref<16x8x64xf32, #tpu.memory_space<vmem>>, vector<16xf32>,
      %get3A_2010 = arith.constant 11 : i32
      %get3A_2011 = arith.index_cast %get3A_2010 : i32 to index
      %get3A_2012 = arith.index_cast %reduce_sum3A_709 : i32 to index
      %get3A_2013 = arith.constant 0 : index
      %get3A_2014 = tpu.vector_load %arg10[%get3A_2011, %get3A_2012, %get3A_2013] {strides = array<i32>} : memref<16x8x64xf32, #tpu.memory_space<vmem>>, vector<16xf32>,
      %mul3A_2015 = arith.mulf %get3A_2009, %get3A_2014 : vector<16xf32>
      %get3A_2016 = arith.constant 11 : i32
      %get3A_2017 = arith.index_cast %get3A_2016 : i32 to index
      %get3A_2018 = arith.index_cast %reduce_sum3A_702 : i32 to index
      %get3A_2019 = arith.constant 16 : index
      %get3A_2020 = tpu.vector_load %arg9[%get3A_2017, %get3A_2018, %get3A_2019] {strides = array<i32>} : memref<16x8x64xf32, #tpu.memory_space<vmem>>, vector<16xf32>,
      %get3A_2021 = arith.constant 11 : i32
      %get3A_2022 = arith.index_cast %get3A_2021 : i32 to index
      %get3A_2023 = arith.index_cast %reduce_sum3A_709 : i32 to index
      %get3A_2024 = arith.constant 16 : index
      %get3A_2025 = tpu.vector_load %arg10[%get3A_2022, %get3A_2023, %get3A_2024] {strides = array<i32>} : memref<16x8x64xf32, #tpu.memory_space<vmem>>, vector<16xf32>,
      %mul3A_2026 = arith.mulf %get3A_2020, %get3A_2025 : vector<16xf32>
      %add3A_2027 = arith.addf %mul3A_2015, %mul3A_2026 : vector<16xf32>
      %get3A_2028 = arith.constant 11 : i32
      %get3A_2029 = arith.index_cast %get3A_2028 : i32 to index
      %get3A_2030 = arith.index_cast %reduce_sum3A_702 : i32 to index
      %get3A_2031 = arith.constant 32 : index
      %get3A_2032 = tpu.vector_load %arg9[%get3A_2029, %get3A_2030, %get3A_2031] {strides = array<i32>} : memref<16x8x64xf32, #tpu.memory_space<vmem>>, vector<16xf32>,
      %get3A_2033 = arith.constant 11 : i32
      %get3A_2034 = arith.index_cast %get3A_2033 : i32 to index
      %get3A_2035 = arith.index_cast %reduce_sum3A_709 : i32 to index
      %get3A_2036 = arith.constant 32 : index
      %get3A_2037 = tpu.vector_load %arg10[%get3A_2034, %get3A_2035, %get3A_2036] {strides = array<i32>} : memref<16x8x64xf32, #tpu.memory_space<vmem>>, vector<16xf32>,
      %mul3A_2038 = arith.mulf %get3A_2032, %get3A_2037 : vector<16xf32>
      %add3A_2039 = arith.addf %add3A_2027, %mul3A_2038 : vector<16xf32>
      %get3A_2040 = arith.constant 11 : i32
      %get3A_2041 = arith.index_cast %get3A_2040 : i32 to index
      %get3A_2042 = arith.index_cast %reduce_sum3A_702 : i32 to index
      %get3A_2043 = arith.constant 48 : index
      %get3A_2044 = tpu.vector_load %arg9[%get3A_2041, %get3A_2042, %get3A_2043] {strides = array<i32>} : memref<16x8x64xf32, #tpu.memory_space<vmem>>, vector<16xf32>,
      %get3A_2045 = arith.constant 11 : i32
      %get3A_2046 = arith.index_cast %get3A_2045 : i32 to index
      %get3A_2047 = arith.index_cast %reduce_sum3A_709 : i32 to index
      %get3A_2048 = arith.constant 48 : index
      %get3A_2049 = tpu.vector_load %arg10[%get3A_2046, %get3A_2047, %get3A_2048] {strides = array<i32>} : memref<16x8x64xf32, #tpu.memory_space<vmem>>, vector<16xf32>,
      %mul3A_2050 = arith.mulf %get3A_2044, %get3A_2049 : vector<16xf32>
      %add3A_2051 = arith.addf %add3A_2039, %mul3A_2050 : vector<16xf32>
      %eq3A_2052 = arith.constant 11 : i32
      %eq3A_2053 = vector.broadcast %eq3A_2052 : i32 to vector<16xi32>
      %eq3A_2054 = arith.cmpi eq, %iota3A, %eq3A_2053 : vector<16xi32>
      %reduce_sum3A_2055 = arith.constant true
      %reduce_sum3A_2056 = vector.broadcast %reduce_sum3A_2055 : i1 to vector<16xi1>
      %reduce_sum3A_2057 = tpu.scan <sum>, %add3A_2051 masked %reduce_sum3A_2056 : vector<16xf32>, vector<16xi1> -> vector<16xf32>
      %reduce_sum3A_2058 = vector.extract %reduce_sum3A_2057[15] : f32 from vector<16xf32>
      %broadcast_in_dim3A_2059 = vector.broadcast %reduce_sum3A_2058 : f32 to vector<16xf32>
      %select_n3A_2060 = arith.select %eq3A_2054, %broadcast_in_dim3A_2059, %select_n3A_2004 : vector<16xi1>, vector<16xf32>
      %get3A_2061 = arith.constant 12 : i32
      %get3A_2062 = arith.index_cast %get3A_2061 : i32 to index
      %get3A_2063 = arith.index_cast %reduce_sum3A_761 : i32 to index
      %get3A_2064 = arith.constant 0 : index
      %get3A_2065 = tpu.vector_load %arg9[%get3A_2062, %get3A_2063, %get3A_2064] {strides = array<i32>} : memref<16x8x64xf32, #tpu.memory_space<vmem>>, vector<16xf32>,
      %get3A_2066 = arith.constant 12 : i32
      %get3A_2067 = arith.index_cast %get3A_2066 : i32 to index
      %get3A_2068 = arith.index_cast %reduce_sum3A_768 : i32 to index
      %get3A_2069 = arith.constant 0 : index
      %get3A_2070 = tpu.vector_load %arg10[%get3A_2067, %get3A_2068, %get3A_2069] {strides = array<i32>} : memref<16x8x64xf32, #tpu.memory_space<vmem>>, vector<16xf32>,
      %mul3A_2071 = arith.mulf %get3A_2065, %get3A_2070 : vector<16xf32>
      %get3A_2072 = arith.constant 12 : i32
      %get3A_2073 = arith.index_cast %get3A_2072 : i32 to index
      %get3A_2074 = arith.index_cast %reduce_sum3A_761 : i32 to index
      %get3A_2075 = arith.constant 16 : index
      %get3A_2076 = tpu.vector_load %arg9[%get3A_2073, %get3A_2074, %get3A_2075] {strides = array<i32>} : memref<16x8x64xf32, #tpu.memory_space<vmem>>, vector<16xf32>,
      %get3A_2077 = arith.constant 12 : i32
      %get3A_2078 = arith.index_cast %get3A_2077 : i32 to index
      %get3A_2079 = arith.index_cast %reduce_sum3A_768 : i32 to index
      %get3A_2080 = arith.constant 16 : index
      %get3A_2081 = tpu.vector_load %arg10[%get3A_2078, %get3A_2079, %get3A_2080] {strides = array<i32>} : memref<16x8x64xf32, #tpu.memory_space<vmem>>, vector<16xf32>,
      %mul3A_2082 = arith.mulf %get3A_2076, %get3A_2081 : vector<16xf32>
      %add3A_2083 = arith.addf %mul3A_2071, %mul3A_2082 : vector<16xf32>
      %get3A_2084 = arith.constant 12 : i32
      %get3A_2085 = arith.index_cast %get3A_2084 : i32 to index
      %get3A_2086 = arith.index_cast %reduce_sum3A_761 : i32 to index
      %get3A_2087 = arith.constant 32 : index
      %get3A_2088 = tpu.vector_load %arg9[%get3A_2085, %get3A_2086, %get3A_2087] {strides = array<i32>} : memref<16x8x64xf32, #tpu.memory_space<vmem>>, vector<16xf32>,
      %get3A_2089 = arith.constant 12 : i32
      %get3A_2090 = arith.index_cast %get3A_2089 : i32 to index
      %get3A_2091 = arith.index_cast %reduce_sum3A_768 : i32 to index
      %get3A_2092 = arith.constant 32 : index
      %get3A_2093 = tpu.vector_load %arg10[%get3A_2090, %get3A_2091, %get3A_2092] {strides = array<i32>} : memref<16x8x64xf32, #tpu.memory_space<vmem>>, vector<16xf32>,
      %mul3A_2094 = arith.mulf %get3A_2088, %get3A_2093 : vector<16xf32>
      %add3A_2095 = arith.addf %add3A_2083, %mul3A_2094 : vector<16xf32>
      %get3A_2096 = arith.constant 12 : i32
      %get3A_2097 = arith.index_cast %get3A_2096 : i32 to index
      %get3A_2098 = arith.index_cast %reduce_sum3A_761 : i32 to index
      %get3A_2099 = arith.constant 48 : index
      %get3A_2100 = tpu.vector_load %arg9[%get3A_2097, %get3A_2098, %get3A_2099] {strides = array<i32>} : memref<16x8x64xf32, #tpu.memory_space<vmem>>, vector<16xf32>,
      %get3A_2101 = arith.constant 12 : i32
      %get3A_2102 = arith.index_cast %get3A_2101 : i32 to index
      %get3A_2103 = arith.index_cast %reduce_sum3A_768 : i32 to index
      %get3A_2104 = arith.constant 48 : index
      %get3A_2105 = tpu.vector_load %arg10[%get3A_2102, %get3A_2103, %get3A_2104] {strides = array<i32>} : memref<16x8x64xf32, #tpu.memory_space<vmem>>, vector<16xf32>,
      %mul3A_2106 = arith.mulf %get3A_2100, %get3A_2105 : vector<16xf32>
      %add3A_2107 = arith.addf %add3A_2095, %mul3A_2106 : vector<16xf32>
      %eq3A_2108 = arith.constant 12 : i32
      %eq3A_2109 = vector.broadcast %eq3A_2108 : i32 to vector<16xi32>
      %eq3A_2110 = arith.cmpi eq, %iota3A, %eq3A_2109 : vector<16xi32>
      %reduce_sum3A_2111 = arith.constant true
      %reduce_sum3A_2112 = vector.broadcast %reduce_sum3A_2111 : i1 to vector<16xi1>
      %reduce_sum3A_2113 = tpu.scan <sum>, %add3A_2107 masked %reduce_sum3A_2112 : vector<16xf32>, vector<16xi1> -> vector<16xf32>
      %reduce_sum3A_2114 = vector.extract %reduce_sum3A_2113[15] : f32 from vector<16xf32>
      %broadcast_in_dim3A_2115 = vector.broadcast %reduce_sum3A_2114 : f32 to vector<16xf32>
      %select_n3A_2116 = arith.select %eq3A_2110, %broadcast_in_dim3A_2115, %select_n3A_2060 : vector<16xi1>, vector<16xf32>
      %get3A_2117 = arith.constant 13 : i32
      %get3A_2118 = arith.index_cast %get3A_2117 : i32 to index
      %get3A_2119 = arith.index_cast %reduce_sum3A_820 : i32 to index
      %get3A_2120 = arith.constant 0 : index
      %get3A_2121 = tpu.vector_load %arg9[%get3A_2118, %get3A_2119, %get3A_2120] {strides = array<i32>} : memref<16x8x64xf32, #tpu.memory_space<vmem>>, vector<16xf32>,
      %get3A_2122 = arith.constant 13 : i32
      %get3A_2123 = arith.index_cast %get3A_2122 : i32 to index
      %get3A_2124 = arith.index_cast %reduce_sum3A_827 : i32 to index
      %get3A_2125 = arith.constant 0 : index
      %get3A_2126 = tpu.vector_load %arg10[%get3A_2123, %get3A_2124, %get3A_2125] {strides = array<i32>} : memref<16x8x64xf32, #tpu.memory_space<vmem>>, vector<16xf32>,
      %mul3A_2127 = arith.mulf %get3A_2121, %get3A_2126 : vector<16xf32>
      %get3A_2128 = arith.constant 13 : i32
      %get3A_2129 = arith.index_cast %get3A_2128 : i32 to index
      %get3A_2130 = arith.index_cast %reduce_sum3A_820 : i32 to index
      %get3A_2131 = arith.constant 16 : index
      %get3A_2132 = tpu.vector_load %arg9[%get3A_2129, %get3A_2130, %get3A_2131] {strides = array<i32>} : memref<16x8x64xf32, #tpu.memory_space<vmem>>, vector<16xf32>,
      %get3A_2133 = arith.constant 13 : i32
      %get3A_2134 = arith.index_cast %get3A_2133 : i32 to index
      %get3A_2135 = arith.index_cast %reduce_sum3A_827 : i32 to index
      %get3A_2136 = arith.constant 16 : index
      %get3A_2137 = tpu.vector_load %arg10[%get3A_2134, %get3A_2135, %get3A_2136] {strides = array<i32>} : memref<16x8x64xf32, #tpu.memory_space<vmem>>, vector<16xf32>,
      %mul3A_2138 = arith.mulf %get3A_2132, %get3A_2137 : vector<16xf32>
      %add3A_2139 = arith.addf %mul3A_2127, %mul3A_2138 : vector<16xf32>
      %get3A_2140 = arith.constant 13 : i32
      %get3A_2141 = arith.index_cast %get3A_2140 : i32 to index
      %get3A_2142 = arith.index_cast %reduce_sum3A_820 : i32 to index
      %get3A_2143 = arith.constant 32 : index
      %get3A_2144 = tpu.vector_load %arg9[%get3A_2141, %get3A_2142, %get3A_2143] {strides = array<i32>} : memref<16x8x64xf32, #tpu.memory_space<vmem>>, vector<16xf32>,
      %get3A_2145 = arith.constant 13 : i32
      %get3A_2146 = arith.index_cast %get3A_2145 : i32 to index
      %get3A_2147 = arith.index_cast %reduce_sum3A_827 : i32 to index
      %get3A_2148 = arith.constant 32 : index
      %get3A_2149 = tpu.vector_load %arg10[%get3A_2146, %get3A_2147, %get3A_2148] {strides = array<i32>} : memref<16x8x64xf32, #tpu.memory_space<vmem>>, vector<16xf32>,
      %mul3A_2150 = arith.mulf %get3A_2144, %get3A_2149 : vector<16xf32>
      %add3A_2151 = arith.addf %add3A_2139, %mul3A_2150 : vector<16xf32>
      %get3A_2152 = arith.constant 13 : i32
      %get3A_2153 = arith.index_cast %get3A_2152 : i32 to index
      %get3A_2154 = arith.index_cast %reduce_sum3A_820 : i32 to index
      %get3A_2155 = arith.constant 48 : index
      %get3A_2156 = tpu.vector_load %arg9[%get3A_2153, %get3A_2154, %get3A_2155] {strides = array<i32>} : memref<16x8x64xf32, #tpu.memory_space<vmem>>, vector<16xf32>,
      %get3A_2157 = arith.constant 13 : i32
      %get3A_2158 = arith.index_cast %get3A_2157 : i32 to index
      %get3A_2159 = arith.index_cast %reduce_sum3A_827 : i32 to index
      %get3A_2160 = arith.constant 48 : index
      %get3A_2161 = tpu.vector_load %arg10[%get3A_2158, %get3A_2159, %get3A_2160] {strides = array<i32>} : memref<16x8x64xf32, #tpu.memory_space<vmem>>, vector<16xf32>,
      %mul3A_2162 = arith.mulf %get3A_2156, %get3A_2161 : vector<16xf32>
      %add3A_2163 = arith.addf %add3A_2151, %mul3A_2162 : vector<16xf32>
      %eq3A_2164 = arith.constant 13 : i32
      %eq3A_2165 = vector.broadcast %eq3A_2164 : i32 to vector<16xi32>
      %eq3A_2166 = arith.cmpi eq, %iota3A, %eq3A_2165 : vector<16xi32>
      %reduce_sum3A_2167 = arith.constant true
      %reduce_sum3A_2168 = vector.broadcast %reduce_sum3A_2167 : i1 to vector<16xi1>
      %reduce_sum3A_2169 = tpu.scan <sum>, %add3A_2163 masked %reduce_sum3A_2168 : vector<16xf32>, vector<16xi1> -> vector<16xf32>
      %reduce_sum3A_2170 = vector.extract %reduce_sum3A_2169[15] : f32 from vector<16xf32>
      %broadcast_in_dim3A_2171 = vector.broadcast %reduce_sum3A_2170 : f32 to vector<16xf32>
      %select_n3A_2172 = arith.select %eq3A_2166, %broadcast_in_dim3A_2171, %select_n3A_2116 : vector<16xi1>, vector<16xf32>
      %get3A_2173 = arith.constant 14 : i32
      %get3A_2174 = arith.index_cast %get3A_2173 : i32 to index
      %get3A_2175 = arith.index_cast %reduce_sum3A_879 : i32 to index
      %get3A_2176 = arith.constant 0 : index
      %get3A_2177 = tpu.vector_load %arg9[%get3A_2174, %get3A_2175, %get3A_2176] {strides = array<i32>} : memref<16x8x64xf32, #tpu.memory_space<vmem>>, vector<16xf32>,
      %get3A_2178 = arith.constant 14 : i32
      %get3A_2179 = arith.index_cast %get3A_2178 : i32 to index
      %get3A_2180 = arith.index_cast %reduce_sum3A_886 : i32 to index
      %get3A_2181 = arith.constant 0 : index
      %get3A_2182 = tpu.vector_load %arg10[%get3A_2179, %get3A_2180, %get3A_2181] {strides = array<i32>} : memref<16x8x64xf32, #tpu.memory_space<vmem>>, vector<16xf32>,
      %mul3A_2183 = arith.mulf %get3A_2177, %get3A_2182 : vector<16xf32>
      %get3A_2184 = arith.constant 14 : i32
      %get3A_2185 = arith.index_cast %get3A_2184 : i32 to index
      %get3A_2186 = arith.index_cast %reduce_sum3A_879 : i32 to index
      %get3A_2187 = arith.constant 16 : index
      %get3A_2188 = tpu.vector_load %arg9[%get3A_2185, %get3A_2186, %get3A_2187] {strides = array<i32>} : memref<16x8x64xf32, #tpu.memory_space<vmem>>, vector<16xf32>,
      %get3A_2189 = arith.constant 14 : i32
      %get3A_2190 = arith.index_cast %get3A_2189 : i32 to index
      %get3A_2191 = arith.index_cast %reduce_sum3A_886 : i32 to index
      %get3A_2192 = arith.constant 16 : index
      %get3A_2193 = tpu.vector_load %arg10[%get3A_2190, %get3A_2191, %get3A_2192] {strides = array<i32>} : memref<16x8x64xf32, #tpu.memory_space<vmem>>, vector<16xf32>,
      %mul3A_2194 = arith.mulf %get3A_2188, %get3A_2193 : vector<16xf32>
      %add3A_2195 = arith.addf %mul3A_2183, %mul3A_2194 : vector<16xf32>
      %get3A_2196 = arith.constant 14 : i32
      %get3A_2197 = arith.index_cast %get3A_2196 : i32 to index
      %get3A_2198 = arith.index_cast %reduce_sum3A_879 : i32 to index
      %get3A_2199 = arith.constant 32 : index
      %get3A_2200 = tpu.vector_load %arg9[%get3A_2197, %get3A_2198, %get3A_2199] {strides = array<i32>} : memref<16x8x64xf32, #tpu.memory_space<vmem>>, vector<16xf32>,
      %get3A_2201 = arith.constant 14 : i32
      %get3A_2202 = arith.index_cast %get3A_2201 : i32 to index
      %get3A_2203 = arith.index_cast %reduce_sum3A_886 : i32 to index
      %get3A_2204 = arith.constant 32 : index
      %get3A_2205 = tpu.vector_load %arg10[%get3A_2202, %get3A_2203, %get3A_2204] {strides = array<i32>} : memref<16x8x64xf32, #tpu.memory_space<vmem>>, vector<16xf32>,
      %mul3A_2206 = arith.mulf %get3A_2200, %get3A_2205 : vector<16xf32>
      %add3A_2207 = arith.addf %add3A_2195, %mul3A_2206 : vector<16xf32>
      %get3A_2208 = arith.constant 14 : i32
      %get3A_2209 = arith.index_cast %get3A_2208 : i32 to index
      %get3A_2210 = arith.index_cast %reduce_sum3A_879 : i32 to index
      %get3A_2211 = arith.constant 48 : index
      %get3A_2212 = tpu.vector_load %arg9[%get3A_2209, %get3A_2210, %get3A_2211] {strides = array<i32>} : memref<16x8x64xf32, #tpu.memory_space<vmem>>, vector<16xf32>,
      %get3A_2213 = arith.constant 14 : i32
      %get3A_2214 = arith.index_cast %get3A_2213 : i32 to index
      %get3A_2215 = arith.index_cast %reduce_sum3A_886 : i32 to index
      %get3A_2216 = arith.constant 48 : index
      %get3A_2217 = tpu.vector_load %arg10[%get3A_2214, %get3A_2215, %get3A_2216] {strides = array<i32>} : memref<16x8x64xf32, #tpu.memory_space<vmem>>, vector<16xf32>,
      %mul3A_2218 = arith.mulf %get3A_2212, %get3A_2217 : vector<16xf32>
      %add3A_2219 = arith.addf %add3A_2207, %mul3A_2218 : vector<16xf32>
      %eq3A_2220 = arith.constant 14 : i32
      %eq3A_2221 = vector.broadcast %eq3A_2220 : i32 to vector<16xi32>
      %eq3A_2222 = arith.cmpi eq, %iota3A, %eq3A_2221 : vector<16xi32>
      %reduce_sum3A_2223 = arith.constant true
      %reduce_sum3A_2224 = vector.broadcast %reduce_sum3A_2223 : i1 to vector<16xi1>
      %reduce_sum3A_2225 = tpu.scan <sum>, %add3A_2219 masked %reduce_sum3A_2224 : vector<16xf32>, vector<16xi1> -> vector<16xf32>
      %reduce_sum3A_2226 = vector.extract %reduce_sum3A_2225[15] : f32 from vector<16xf32>
      %broadcast_in_dim3A_2227 = vector.broadcast %reduce_sum3A_2226 : f32 to vector<16xf32>
      %select_n3A_2228 = arith.select %eq3A_2222, %broadcast_in_dim3A_2227, %select_n3A_2172 : vector<16xi1>, vector<16xf32>
      %get3A_2229 = arith.constant 15 : i32
      %get3A_2230 = arith.index_cast %get3A_2229 : i32 to index
      %get3A_2231 = arith.index_cast %reduce_sum3A_938 : i32 to index
      %get3A_2232 = arith.constant 0 : index
      %get3A_2233 = tpu.vector_load %arg9[%get3A_2230, %get3A_2231, %get3A_2232] {strides = array<i32>} : memref<16x8x64xf32, #tpu.memory_space<vmem>>, vector<16xf32>,
      %get3A_2234 = arith.constant 15 : i32
      %get3A_2235 = arith.index_cast %get3A_2234 : i32 to index
      %get3A_2236 = arith.index_cast %reduce_sum3A_945 : i32 to index
      %get3A_2237 = arith.constant 0 : index
      %get3A_2238 = tpu.vector_load %arg10[%get3A_2235, %get3A_2236, %get3A_2237] {strides = array<i32>} : memref<16x8x64xf32, #tpu.memory_space<vmem>>, vector<16xf32>,
      %mul3A_2239 = arith.mulf %get3A_2233, %get3A_2238 : vector<16xf32>
      %get3A_2240 = arith.constant 15 : i32
      %get3A_2241 = arith.index_cast %get3A_2240 : i32 to index
      %get3A_2242 = arith.index_cast %reduce_sum3A_938 : i32 to index
      %get3A_2243 = arith.constant 16 : index
      %get3A_2244 = tpu.vector_load %arg9[%get3A_2241, %get3A_2242, %get3A_2243] {strides = array<i32>} : memref<16x8x64xf32, #tpu.memory_space<vmem>>, vector<16xf32>,
      %get3A_2245 = arith.constant 15 : i32
      %get3A_2246 = arith.index_cast %get3A_2245 : i32 to index
      %get3A_2247 = arith.index_cast %reduce_sum3A_945 : i32 to index
      %get3A_2248 = arith.constant 16 : index
      %get3A_2249 = tpu.vector_load %arg10[%get3A_2246, %get3A_2247, %get3A_2248] {strides = array<i32>} : memref<16x8x64xf32, #tpu.memory_space<vmem>>, vector<16xf32>,
      %mul3A_2250 = arith.mulf %get3A_2244, %get3A_2249 : vector<16xf32>
      %add3A_2251 = arith.addf %mul3A_2239, %mul3A_2250 : vector<16xf32>
      %get3A_2252 = arith.constant 15 : i32
      %get3A_2253 = arith.index_cast %get3A_2252 : i32 to index
      %get3A_2254 = arith.index_cast %reduce_sum3A_938 : i32 to index
      %get3A_2255 = arith.constant 32 : index
      %get3A_2256 = tpu.vector_load %arg9[%get3A_2253, %get3A_2254, %get3A_2255] {strides = array<i32>} : memref<16x8x64xf32, #tpu.memory_space<vmem>>, vector<16xf32>,
      %get3A_2257 = arith.constant 15 : i32
      %get3A_2258 = arith.index_cast %get3A_2257 : i32 to index
      %get3A_2259 = arith.index_cast %reduce_sum3A_945 : i32 to index
      %get3A_2260 = arith.constant 32 : index
      %get3A_2261 = tpu.vector_load %arg10[%get3A_2258, %get3A_2259, %get3A_2260] {strides = array<i32>} : memref<16x8x64xf32, #tpu.memory_space<vmem>>, vector<16xf32>,
      %mul3A_2262 = arith.mulf %get3A_2256, %get3A_2261 : vector<16xf32>
      %add3A_2263 = arith.addf %add3A_2251, %mul3A_2262 : vector<16xf32>
      %get3A_2264 = arith.constant 15 : i32
      %get3A_2265 = arith.index_cast %get3A_2264 : i32 to index
      %get3A_2266 = arith.index_cast %reduce_sum3A_938 : i32 to index
      %get3A_2267 = arith.constant 48 : index
      %get3A_2268 = tpu.vector_load %arg9[%get3A_2265, %get3A_2266, %get3A_2267] {strides = array<i32>} : memref<16x8x64xf32, #tpu.memory_space<vmem>>, vector<16xf32>,
      %get3A_2269 = arith.constant 15 : i32
      %get3A_2270 = arith.index_cast %get3A_2269 : i32 to index
      %get3A_2271 = arith.index_cast %reduce_sum3A_945 : i32 to index
      %get3A_2272 = arith.constant 48 : index
      %get3A_2273 = tpu.vector_load %arg10[%get3A_2270, %get3A_2271, %get3A_2272] {strides = array<i32>} : memref<16x8x64xf32, #tpu.memory_space<vmem>>, vector<16xf32>,
      %mul3A_2274 = arith.mulf %get3A_2268, %get3A_2273 : vector<16xf32>
      %add3A_2275 = arith.addf %add3A_2263, %mul3A_2274 : vector<16xf32>
      %eq3A_2276 = arith.constant 15 : i32
      %eq3A_2277 = vector.broadcast %eq3A_2276 : i32 to vector<16xi32>
      %eq3A_2278 = arith.cmpi eq, %iota3A, %eq3A_2277 : vector<16xi32>
      %reduce_sum3A_2279 = arith.constant true
      %reduce_sum3A_2280 = vector.broadcast %reduce_sum3A_2279 : i1 to vector<16xi1>
      %reduce_sum3A_2281 = tpu.scan <sum>, %add3A_2275 masked %reduce_sum3A_2280 : vector<16xf32>, vector<16xi1> -> vector<16xf32>
      %reduce_sum3A_2282 = vector.extract %reduce_sum3A_2281[15] : f32 from vector<16xf32>
      %broadcast_in_dim3A_2283 = vector.broadcast %reduce_sum3A_2282 : f32 to vector<16xf32>
      %select_n3A_2284 = arith.select %eq3A_2278, %broadcast_in_dim3A_2283, %select_n3A_2228 : vector<16xi1>, vector<16xf32>
      %mul3A_2285 = arith.constant 16 : i32
      %mul3A_2286 = arith.muli %scan3A_12, %mul3A_2285 : i32
      %swap3A = arith.index_cast %mul3A_2286 : i32 to index
      %swap3A_2287 = tpu.vector_load %arg11[%swap3A] {strides = array<i32>} : memref<512xf32, #tpu.memory_space<vmem>>, vector<16xf32>,
      tpu.vector_store %arg11[%swap3A], %select_n3A_2284 {strides = array<i32>} : memref<512xf32, #tpu.memory_space<vmem>>, vector<16xf32>,
    }
    %scan3A_9 = arith.constant 32 : i32
    %mul3A_10 = arith.constant 512 : i32
    %mul3A_11 = arith.muli %add3A, %mul3A_10 : i32
    "tpu.region"() ({
      %run_scoped3A = tpu.sem_alloc : memref<!tpu.dma_semaphore, #tpu.memory_space<semaphore_mem>>
      %dma_start3A = tpu.memref_slice %arg6[%mul3A_11] : memref<16384xf32, #tpu.memory_space<hbm>> -> memref<512xf32, #tpu.memory_space<hbm>>
      %dma_start3A_12 = tpu.memref_slice %arg6[%mul3A_11] : memref<16384xf32, #tpu.memory_space<hbm>> -> memref<512xf32, #tpu.memory_space<hbm>>
      tpu.enqueue_dma source(%arg11 : memref<512xf32, #tpu.memory_space<vmem>>) target(%dma_start3A_12 : memref<512xf32, #tpu.memory_space<hbm>>) target_semaphore(%run_scoped3A : memref<!tpu.dma_semaphore, #tpu.memory_space<semaphore_mem>>)
      %dma_wait3A = tpu.memref_slice %arg6[%mul3A_11] : memref<16384xf32, #tpu.memory_space<hbm>> -> memref<512xf32, #tpu.memory_space<hbm>>
      %dma_wait3A_13 = tpu.memref_slice %arg6[%mul3A_11] : memref<16384xf32, #tpu.memory_space<hbm>> -> memref<512xf32, #tpu.memory_space<hbm>>
      tpu.wait_dma2 semaphore(%run_scoped3A : memref<!tpu.dma_semaphore, #tpu.memory_space<semaphore_mem>>) src(%arg11 : memref<512xf32, #tpu.memory_space<vmem>>) dst(%dma_wait3A_13 : memref<512xf32, #tpu.memory_space<hbm>>)
      tpu.yield
    }) : () -> ()
    return
  }
}

</mosaic_0001>

<sc_bundles>
// kernel: kernel.3.cloned.1.call-start
scs
__scs_entry_jumppad:
0x0: {  	(pc) =	sbr.rel $0x88, $3  }
0x1: {  	(tag) =	ssettag $0x0;
	lr =	simm.s32 $0x1  }
0x2: {  	[smem:$0x3F9D] =	sst lr;
	_ =	strace $0xD0000000  }
0x3: {  	_ = 	snop  }
0x4: {  	_ = 	snop  }
0x5: {  	_ = 	snop  }
0x6: {  	_ = 	snop  }
0x7: {  	_ = 	snop  }
__scs_overlays_trampoline_lowered:
0x8: {  	[smem:$0x3FAC] =	sst s0  }
0x9: {  	[smem:$0x3FAD] =	sst s1  }
0xa: {  	[smem:$0x3FAE] =	sst s2  }
0xb: {  	[smem:$0x3FAF] =	sst s3  }
0xc: {  	[smem:$0x3FB0] =	sst s4  }
0xd: {  	[smem:$0x3FB1] =	sst s5  }
0xe: {  	[smem:$0x3FB2] =	sst s6  }
0xf: {  	[smem:$0x3FB3] =	sst s7  }
0x10: {  	[smem:$0x3FB4] =	sst s8  }
0x11: {  	[smem:$0x3FB5] =	sst s9;
	s0 =	simm.s32 @!p0 $0x0  }
0x12: {  	s1 =	sld [smem:$0x3F9B];
	s0 =	simm.s32 @p0 $0x1  }
0x13: {  	[smem:$0x3FB6] =	sst s0;
	s0 =	simm.s32 @!p1 $0x0  }
0x14: {  	s2 =	sld [smem:$0x3F9A];
	s0 =	simm.s32 @p1 $0x1  }
0x15: {  	[smem:$0x3FB7] =	sst s0;
	s0 =	simm.s32 @!p2 $0x0  }
0x16: {  	s3 =	sld [smem:$0x3FDB];
	s0 =	simm.s32 @p2 $0x1  }
0x17: {  	s4 =	simm.s32 $0x1BF5;
	[smem:$0x3FB9] =	sst s0  }
0x18: {  	s0 =	sld [smem:$0x3F9C];
	_ =	swait.ge [sflag:s4], $0x0  }
0x19: {  	s7 =	sld [smem:$0x3F9D]  }
0x1a: {  	s8 =	sadd.s32 $0xFFFFE003, lr  }
0x1b: {  	s9 =	sadd.s32 $0xFFFFFEF7, lr;
	s5 =	simm.s32 $0xFFFFFFFF;
	p2 =	slt.u32 s8, $0xFFFFF086  }
0x1c: {  	p1 =	slt.u32 s9, $0xF7A;
	s5 =	simm.s32 @!p2 $0x0  }
0x1d: {  	s5 =	simm.s32 @p1 $0x1;
	p0 =	seq.s32 s7, s2  }
0x1e: {  	s7 =	smul.u32 @!p0 $0xF7A, s2;
	p2 =	seq.s32 @!p0 s5, $0x0  }
0x1f: {  	s9 =	smul.u32 $0xF7A, s1;
	s8 =	simm.s32 @!p0 $0x1BF5;
	p2 =	por !p2, p0  }
0x20: {  	[sflag:s8] =	ssyncset.s32 @!p0 $0xFFFFF086;
	s6 =	sadd.s32 @!p0 s3, s7;
	s7 =	simm.s32 @!p0 $0x108  }
0x21: {  	s3 =	sadd.s32 s3, s9;
	s6 =	sadd.s32 @!p0 $0x88, s6;
	s7 =	simm.s32 @p2 $0x1082  }
0x22: {  	[simem:s7], [sflag:s8] =	dma.local @!p0 [hbm:s6], $0xF7A  }
0x23: {  	s9 =	sor.u32 $0xD0000000, s2;
	s6 =	simm.s32 $0x108;
	_ =	swait.ge @!p0 [sflag:s8], $0x0  }
0x24: {  	s3 =	sadd.s32 $0x88, s3;
	s6 =	simm.s32 @!p1 $0x1082;
	[sflag:s4] =	ssyncset.s32 $0xFFFFF086  }
0x25: {  	[simem:s6], [sflag:s4] =	dma.local [hbm:s3], $0xF7A  }
0x26: {  	[smem:$0x3F9D] =	sst s1;
	(tag) =	ssettag s2;
	_ =	strace s9  }
0x27: {  	s1 =	sld [smem:$0x3FAD]  }
0x28: {  	s2 =	sld [smem:$0x3FAE]  }
0x29: {  	s4 =	sld [smem:$0x3FB0]  }
0x2a: {  	p0 =	seq.s32 s5, $0x0;
	s5 =	sld [smem:$0x3FB1]  }
0x2b: {  	s6 =	sld [smem:$0x3FB2]  }
0x2c: {  	s7 =	sld [smem:$0x3FB3]  }
0x2d: {  	s3 =	simm.s32 $0x108;
	s8 =	sld [smem:$0x3FB4]  }
0x2e: {  	s3 =	simm.s32 @!p0 $0x1082;
	s9 =	sld [smem:$0x3FB5]  }
0x2f: {  	lr =	sadd.s32 s0, s3;
	s0 =	sld [smem:$0x3FAC]  }
0x30: {  	s3 =	sld [smem:$0x3FAF]  }
0x31: {  	[smem:$0x3FB8] =	sst s10  }
0x32: {  	s10 =	sld [smem:$0x3FB6];
	_ =	sdelay $0x3  }
0x33: {  	p0 =	seq.s32 s10, $0x1;
	s10 =	sld [smem:$0x3FB8];
	_ =	sdelay $0x3  }
0x34: {  	[smem:$0x3FB8] =	sst s10  }
0x35: {  	s10 =	sld [smem:$0x3FB7];
	_ =	sdelay $0x3  }
0x36: {  	p1 =	seq.s32 s10, $0x1;
	s10 =	sld [smem:$0x3FB8];
	_ =	sdelay $0x3  }
0x37: {  	[smem:$0x3FB8] =	sst s10  }
0x38: {  	s10 =	sld [smem:$0x3FB9]  }
0x39: {  	_ = 	snop;
	(pc) =	sbr.ind lr, $3  }
0x3a: {  	_ = 	snop  }
0x3b: {  	_ = 	snop  }
0x3c: {  	p2 =	seq.s32 s10, $0x1;
	s10 =	sld [smem:$0x3FB8]  }
0x3d: {  	_ =	shalt  }
0x3e: {  	_ =	shalt  }
0x3f: {  	_ =	shalt  }
0x40: {  	_ =	shalt  }
0x41: {  	_ =	shalt  }
0x42: {  	_ =	shalt  }
0x43: {  	_ =	shalt  }
0x44: {  	_ =	shalt  }
0x45: {  	_ =	shalt  }
0x46: {  	_ =	shalt  }
0x47: {  	_ =	shalt  }
0x48: {  	_ =	shalt  }
0x49: {  	_ =	shalt  }
0x4a: {  	_ =	shalt  }
0x4b: {  	_ =	shalt  }
0x4c: {  	_ =	shalt  }
0x4d: {  	_ =	shalt  }
0x4e: {  	_ =	shalt  }
0x4f: {  	_ =	shalt  }
0x50: {  	_ =	shalt  }
0x51: {  	_ =	shalt  }
0x52: {  	_ =	shalt  }
0x53: {  	_ =	shalt  }
0x54: {  	_ =	shalt  }
0x55: {  	_ =	shalt  }
0x56: {  	_ =	shalt  }
0x57: {  	_ =	shalt  }
0x58: {  	_ =	shalt  }
0x59: {  	_ =	shalt  }
0x5a: {  	_ =	shalt  }
0x5b: {  	_ =	shalt  }
0x5c: {  	_ =	shalt  }
0x5d: {  	_ =	shalt  }
0x5e: {  	_ =	shalt  }
0x5f: {  	_ =	shalt  }
0x60: {  	_ =	shalt  }
0x61: {  	_ =	shalt  }
0x62: {  	_ =	shalt  }
0x63: {  	_ =	shalt  }
0x64: {  	_ =	shalt  }
0x65: {  	_ =	shalt  }
0x66: {  	_ =	shalt  }
0x67: {  	_ =	shalt  }
0x68: {  	_ =	shalt  }
0x69: {  	_ =	shalt  }
0x6a: {  	_ =	shalt  }
0x6b: {  	_ =	shalt  }
0x6c: {  	_ =	shalt  }
0x6d: {  	_ =	shalt  }
0x6e: {  	_ =	shalt  }
0x6f: {  	_ =	shalt  }
0x70: {  	_ =	shalt  }
0x71: {  	_ =	shalt  }
0x72: {  	_ =	shalt  }
0x73: {  	_ =	shalt  }
0x74: {  	_ =	shalt  }
0x75: {  	_ =	shalt  }
0x76: {  	_ =	shalt  }
0x77: {  	_ =	shalt  }
0x78: {  	_ =	shalt  }
0x79: {  	_ =	shalt  }
0x7a: {  	_ =	shalt  }
0x7b: {  	_ =	shalt  }
0x7c: {  	_ =	shalt  }
0x7d: {  	_ =	shalt  }
0x7e: {  	_ =	shalt  }
0x7f: {  	_ =	shalt  }
0x80: {  	_ =	shalt  }
0x81: {  	_ =	shalt  }
0x82: {  	_ =	shalt  }
0x83: {  	_ =	shalt  }
0x84: {  	_ =	shalt  }
0x85: {  	_ =	shalt  }
0x86: {  	_ =	shalt  }
0x87: {  	_ =	shalt  }
.Lfunc_end0:
.L_simem_size_0:
called_computation_lowered:
.L_overlay_start_0:
0x88: {  	s2 =	sld [smem:$0x3FD9]  }
0x89: {  	s3 =	sld [smem:$0x3FFE];
	_ =	sdelay $0x1  }
0x8a: {  	s1 =	srdreg.scid  }
0x8b: {  	s0 =	sand.u32 $0x1, s1  }
0x8c: {  	s17 =	sshll.u32 s0, $0xA;
	s2 =	sadd.s32 s3, s2  }
0x8d: {  	s2 =	sadd.s32 s2, s17  }
0x8e: {  	[smem:$0x3FC4] =	sst s2  }
0x8f: {  	_ = 	snop  }
0x90: {  	s2 =	sld [smem:$0x3FC9]  }
0x91: {  	s18 =	sld [smem:$0x3FC8]  }
0x92: {  	s4 =	sld [smem:$0x3FD0];
	(tm) =	ssettm $0x1  }
0x93: {  	s5 =	sld [smem:$0x3FFB];
	_ =	sdelay $0x3  }
0x94: {  	_ =	strace s5  }
0x95: {  	s5 =	sld [smem:$0x3FFC];
	_ =	sdelay $0x3  }
0x96: {  	_ =	strace s5  }
0x97: {  	s5 =	sld [smem:$0x3FFD];
	_ =	sdelay $0x3  }
0x98: {  	_ =	strace s5  }
0x99: {  	_ =	strace $0x8FFFFFFF  }
0x9a: {  	s19 =	sld [smem:$0x3FDB];
	_ =	sdelay $0x1  }
0x9b: {  	s6 =	simm.s32 $_scs_section_size  }
0x9c: {  	s7 =	simm.s32 $_size__tile_overlayer_lowered;
	s8 =	simm.s32 $_tile_overlayer_lowered  }
0x9d: {  	s22 =	simm.s32 $0x1BFF;
	s21 =	sshll.u32 s8, $0x1;
	s5 =	sadd.s32 s6, s19  }
0x9e: {  	s9 =	simm.s32 $0x0;
	s20 =	sshll.u32 s7, $0x1;
	s7 =	sadd.s32 s21, s5  }
0x9f: {  	[timem:s9], [sflag:s22] =	dma.local [hbm:s7], s20  }
0xa0: {  	_ =	swait.ge [sflag:s22], s20  }
0xa1: {  	s6 =	ssub.s32 $0x0, s20;
	[sflag:s22] =	ssyncset.done $0x0  }
0xa2: {  	[sflag:s22] =	ssyncadd.s32 s6;
	_ =	sdelay $0x1  }
0xa3: {  	s23 =	simm.s32 $0x1B8B  }
0xa4: {  	_ =	swait.ge [sflag:s23], $0x1  }
0xa5: {  	[sflag:s23] =	ssyncset.done $0x0  }
0xa6: {  	s25 =	simm.s32 $0x1B8E;
	s24 =	sld [smem:$0x3FFE];
	[sflag:s23] =	ssyncadd.s32 $0xFFFFFFFF  }
0xa7: {  	s26 =	simm.s32 $execute0_lowered;
	[smem:$0x3FD2] =	sst s25  }
0xa8: {  	s7 =	sshll.u32 s26, $0x1;
	_ =	strace $0x80000046;
	[dreg:$0x1] =	wrdreg $0xFFFFFFFF  }
0xa9: {  	s28 =	simm.s32 $_size_execute0_lowered;
	s5 =	sadd.s32 s5, s7;
	[dreg:$0x0] =	wrdreg $0x0  }
0xaa: {  	s7 =	sshll.u32 s28, $0x1;
	[dreg:$0x2] =	wrdreg s5  }
0xab: {  	[dreg:$0x3] =	wrdreg s7  }
0xac: {  	[dreg:$0x4] =	wrdreg $0xC0  }
0xad: {  	_ =	task [dreg:s9], $0x5FFFF  }
0xae: {  	[dreg:$0x1] =	wrdreg $0xFFFFFFFF  }
0xaf: {  	[dreg:$0x0] =	wrdreg $0x60  }
0xb0: {  	[dreg:$0x2] =	wrdreg s2  }
0xb1: {  	[dreg:$0x3] =	wrdreg s18  }
0xb2: {  	[dreg:$0x4] =	wrdreg s24  }
0xb3: {  	[dreg:$0x5] =	wrdreg s4  }
0xb4: {  	[dreg:$0x6] =	wrdreg $0x9  }
0xb5: {  	_ =	task.clear_ibuf [dreg:s9], $0x7FFFF;
	_ =	strace $0x90000046  }
0xb6: {  	s29 =	simm.s32 $0x9;
	_ =	strace $0x80000048  }
0xb7: {  	_ =	swait.ge [sflag:s29], $0x1  }
0xb8: {  	[sflag:s29] =	ssyncadd.s32 $0xFFFFFFFF  }
0xb9: {  	_ =	strace $0x90000048  }
0xba: {  	_ =	sfence  }
0xbb: {  	s30 =	sld [smem:$0x0];
	_ =	sdelay $0x2  }
0xbc: {  	s31 =	sshll.u32 s1, $0xD;
	s1 =	sshrl.u32 s1, $0x2  }
0xbd: {  	s3 =	sand.u32 $0x4000, s31;
	s1 =	sadd.s32 s1, s30  }
0xbe: {  	s0 =	sor.u32 s3, s0;
	s1 =	sshll.u32 s1, $0x11  }
0xbf: {  	s0 =	sor.u32 s1, s0  }
0xc0: {  	s0 =	sadd.s32 $0x8F2B, s0  }
0xc1: {  	[sflag:s0] =	ssyncadd.remote.s32 $0x1  }
0xc2: {  	_ =	sfence.sel $0xFFFF  }
0xc3: {  	[dreg:$0x0] =	wrdreg $0xFFFFFFFF;
	(pc) =	sbr.abs _section_cstart, $3  }
0xc4: {  	[dreg:$0x1] =	wrdreg $0xFFFFFFFF  }
0xc5: {  	_ =	task.clear_ibuf [dreg:s9], $0x2FFFF;
	_ =	strace $0x9FFFFFFF  }
0xc6: {  	(tm) =	ssettm $0x7FFFFFFF  }
0xc7: {  	_ =	shalt  }
tec
execute0_lowered:
.L_overlay_start_1:
0x0: {  	(tag) =	ssettag $0x1  }
0x1: {  	s5 =	rddreg [dreg:$0x0]  }
0x2: {  	s4 =	rddreg [dreg:$0x1]  }
0x3: {  	s3 =	rddreg [dreg:$0x2]  }
0x4: {  	s0 =	rddreg [dreg:$0x3];
	s1 =	simm.s32 $0x0  }
0x5: {  	s2 =	simm.s32 $0x400;
	[smem:$0x7FF] =	sst s1  }
0x6: {  	s24 =	simm.s32 $0x4400;
	_ =	strace $0x80000047;
	[dreg:$0x5] =	wrdreg s2  }
0x7: {  	s25 =	simm.s32 $0x800;
	[dreg:$0x6] =	wrdreg s24  }
0x8: {  	s26 =	simm.s32 $0x4800;
	[dreg:$0x7] =	wrdreg s25  }
0x9: {  	s28 =	simm.s32 $0xC00;
	[dreg:$0x8] =	wrdreg s26  }
0xa: {  	s29 =	simm.s32 $0x4C00;
	[dreg:$0x9] =	wrdreg s28  }
0xb: {  	s30 =	simm.s32 $0x1000;
	[dreg:$0xa] =	wrdreg s29  }
0xc: {  	s31 =	simm.s32 $0x5000;
	[dreg:$0xb] =	wrdreg s30  }
0xd: {  	s6 =	simm.s32 $0x1400;
	[dreg:$0xc] =	wrdreg s31  }
0xe: {  	s7 =	simm.s32 $0x5400;
	[dreg:$0xd] =	wrdreg s6  }
0xf: {  	s8 =	simm.s32 $0x1800;
	[dreg:$0xe] =	wrdreg s7  }
0x10: {  	s9 =	simm.s32 $0x5800;
	[dreg:$0xf] =	wrdreg s8  }
0x11: {  	s10 =	simm.s32 $0x1C00;
	[dreg:$0x10] =	wrdreg s9  }
0x12: {  	s11 =	simm.s32 $0x5C00;
	[dreg:$0x11] =	wrdreg s10  }
0x13: {  	s12 =	simm.s32 $0x2000;
	[dreg:$0x12] =	wrdreg s11  }
0x14: {  	s13 =	simm.s32 $0x2400;
	vm3 =	vcmask $0x70C;
	vm4 =	vcmask $0xB10;
	vm5 =	vcmask $0xF14;
	[dreg:$0x13] =	wrdreg s12  }
0x15: {  	s14 =	simm.s32 $0x6400;
	vm6 =	vcmask $0x1318;
	vm7 =	vcmask $0x171C;
	vm8 =	vcmask $0x1B20;
	[dreg:$0x15] =	wrdreg s13  }
0x16: {  	s15 =	simm.s32 $0x2800;
	vm9 =	vcmask $0x1F24;
	vm10 =	vcmask $0x2328;
	vm11 =	vcmask $0x272C;
	[dreg:$0x16] =	wrdreg s14  }
0x17: {  	s16 =	simm.s32 $0x6800;
	vm12 =	vcmask $0x2B30;
	vm13 =	vcmask $0x2F34;
	vm1 =	vmmov $0x3;
	[dreg:$0x17] =	wrdreg s15  }
0x18: {  	s17 =	simm.s32 $0x2C00;
	v0 =	vimm.s32 $0x0;
	vm2 =	vmmov $0x7;
	v52 =	vimm.s32 $0x0;
	[dreg:$0x18] =	wrdreg s16  }
0x19: {  	s18 =	simm.s32 $0x6C00;
	v53 =	vimm.s32 $0x0;
	v54 =	vimm.s32 $0x0;
	v55 =	vimm.s32 $0x0;
	[dreg:$0x19] =	wrdreg s17  }
0x1a: {  	s19 =	simm.s32 $0x3000;
	v56 =	vimm.s32 $0x0;
	v57 =	vimm.s32 $0x0;
	v58 =	vimm.s32 $0x0;
	[dreg:$0x1a] =	wrdreg s18  }
0x1b: {  	s20 =	simm.s32 $0x7000;
	v59 =	vimm.s32 $0x0;
	v60 =	vimm.s32 $0x0;
	v61 =	vimm.s32 $0x0;
	[dreg:$0x1b] =	wrdreg s19  }
0x1c: {  	s22 =	simm.s32 $0x3400;
	s23 =	simm.s32 $0x7400;
	v62 =	vimm.s32 $0x0;
	v63 =	vimm.s32 $0x0;
	v0 =	vsel vm1, $0xFFFFFFFF, v0;
	[dreg:$0x1c] =	wrdreg s20  }
0x1d: {  	s6 =	simm.s32 $0x6000;
	s2 =	sadd.s32 $0x400, s3;
	[dreg:$0x1d] =	wrdreg s22;
	[tilespmem:$0x1FF30] =	vst v0;
	v0 =	vsel vm2, $0xFFFFFFFF, v52;
	vm2 =	vmmov vm3;
	vm3 =	vmmov $0xf  }
0x1e: {  	s3 =	sadd.s32 $0xF42800, s3;
	s7 =	srdreg.scid;
	[dreg:$0x1e] =	wrdreg s23;
	[tilespmem:$0x1FF40] =	vst v0;
	v0 =	vsel vm3, $0xFFFFFFFF, v53;
	vm3 =	vmmov vm4;
	vm4 =	vmmov $0x1f  }
0x1f: {  	s10 =	stileid.u32;
	s24 =	simm.s32 $0x3800;
	[dreg:$0x14] =	wrdreg s6;
	[tilespmem:$0x1FF50] =	vst v0;
	v0 =	vsel vm4, $0xFFFFFFFF, v54;
	vm4 =	vmmov vm5;
	vm5 =	vmmov $0x3f  }
0x20: {  	s25 =	simm.s32 $0x7800;
	s26 =	simm.s32 $0x3C00;
	[dreg:$0x1f] =	wrdreg s24;
	[tilespmem:$0x1FF60] =	vst v0;
	v0 =	vsel vm5, $0xFFFFFFFF, v55;
	vm5 =	vmmov vm6;
	vm6 =	vmmov $0x7f  }
0x21: {  	s28 =	simm.s32 $0x7C00;
	s30 =	simm.s32 $0x4000;
	[smem:$0x7F7] =	sst s25;
	[tilespmem:$0x1FF70] =	vst v0;
	v0 =	vsel vm6, $0xFFFFFFFF, v56;
	vm6 =	vmmov vm7;
	vm7 =	vmmov $0xff  }
0x22: {  	s7 =	sand.u32 $0x1, s7;
	s21 =	sshll.u32 s10, $0x7;
	[smem:$0x7F9] =	sst s26;
	[tilespmem:$0x1FF80] =	vst v0;
	v0 =	vsel vm7, $0xFFFFFFFF, v57;
	vm7 =	vmmov vm8;
	vm8 =	vmmov $0x1ff  }
0x23: {  	[smem:$0x7FB] =	sst s28;
	s8 =	ssub.s32 $0x2, s7;
	s7 =	sshll.u32 s7, $0x6;
	[tilespmem:$0x1FF90] =	vst v0;
	v0 =	vsel vm8, $0xFFFFFFFF, v58;
	vm8 =	vmmov vm9;
	vm9 =	vmmov $0x3ff  }
0x24: {  	s31 =	simm.s32 $0x8000;
	[smem:$0x7FC] =	sst s30;
	s7 =	sor.u32 s7, s21;
	[tilespmem:$0x1FFA0] =	vst v0;
	v0 =	vsel vm9, $0xFFFFFFFF, v59;
	vm9 =	vmmov vm10;
	vm10 =	vmmov $0x7ff  }
0x25: {  	s11 =	simm.s32 $0x1;
	[smem:$0x7FD] =	sst s31;
	s5 =	sadd.s32 s5, s7;
	[tilespmem:$0x1FFB0] =	vst v0;
	v0 =	vsel vm10, $0xFFFFFFFF, v60;
	vm10 =	vmmov vm11;
	vm11 =	vmmov $0xfff  }
0x26: {  	s9 =	sshrl.u32 s8, $0x1;
	s4 =	sadd.s32 s4, s7;
	[smem:$0x7F5] =	sst s5;
	[tilespmem:$0x1FFC0] =	vst v0;
	v0 =	vsel vm11, $0xFFFFFFFF, v61;
	vm11 =	vmmov vm12;
	vm12 =	vmmov $0x1fff  }
0x27: {  	s8 =	ssub.s32 s8, s9;
	s0 =	sadd.s32 s0, s7;
	[smem:$0x7F6] =	sst s4;
	[tilespmem:$0x1FFD0] =	vst v0;
	v0 =	vsel vm12, $0xFFFFFFFF, v62;
	vm12 =	vmmov vm13;
	vm13 =	vmmov $0x3fff  }
0x28: {  	vm0 =	vmmov $0x1;
	vm14 =	vcmask $0x3338;
	s12 =	simm.s32 $0x2;
	[smem:$0x7F8] =	sst s0;
	s29 =	smax.u32 s8, $0x1;
	[tilespmem:$0x1FFE0] =	vst v0;
	v0 =	vsel vm13, $0xFFFFFFFF, v63  }
0x29: {  	vm15 =	vmmov $0x7fff;
	vm1 =	vcmask $0x373C;
	s4 =	simm.s32 $0x3;
	s5 =	simm.s32 $0x0;
	[smem:$0x7FA] =	sst s29;
	vm13 =	vmmov vm14;
	[tilespmem:$0x1FFF0] =	vst v0  }
.LBB2_1:
0x2a: {  	s0 =	sld [smem:$0x7F5];
	_ =	sdelay $0x1  }
0x2b: {  	[smem:$0x7F4] =	sst s5  }
0x2c: {  	[tilespmem:s1], [sflag:$0x3] =	stream.linear.gather [hbm4b:s0+s1], $0x200, $0x38;
	[tilespmem:$0x8600] =	vst v63  }
0x2d: {  	_ =	swait.ge [sflag:s4], $0x200  }
0x2e: {  	s30 =	sld [smem:$0x7F6]  }
0x2f: {  	[sflag:s4] =	ssyncset.done $0x0  }
0x30: {  	s31 =	simm.s32 $0x200;
	[sflag:s4] =	ssyncadd.s32 $0xFFFFFE00  }
0x31: {  	[tilespmem:s31], [sflag:$0x3] =	stream.linear.gather [hbm4b:s30+s1], $0x200, $0x38;
	[tilespmem:$0x8600] =	vst v63  }
0x32: {  	_ =	swait.ge [sflag:s4], $0x200  }
0x33: {  	[sflag:s4] =	ssyncset.done $0x0  }
0x34: {  	s25 =	simm.s32 $0x0;
	[sflag:s4] =	ssyncadd.s32 $0xFFFFFE00  }
.LBB2_2:
0x35: {  	s0 =	sshra.s32 s25, $0x2  }
0x36: {  	v0 =	vld [tilespmem:s0+$0x200];
	_ =	sdelay $0x1  }
0x37: {  	v4 =	vld [tilespmem:s0+$0x0];
	_ =	sdelay $0x2  }
0x38: {  	v3 =	vand.u32 $0xFFFFFFF8, v0  }
0x39: {  	v5 =	vnsel vm0, $0x0, v3  }
0x3a: {  	v2 =	vand.u32 $0x7, v4;
	(xrf0) =	vadd.scan.msk.s32 $0xffff, v5  }
0x3b: {  	v1 =	vand.u32 $0x7, v0;
	v49 =	vnsel vm0, $0x0, v2  }
0x3c: {  	v0 =	vand.u32 $0xFFFFFFF8, v4;
	v50 =	vnsel vm0, $0x0, v1;
	(xrf0) =	vadd.scan.msk.s32 $0xffff, v49  }
0x3d: {  	v51 =	vnsel vm0, $0x0, v0;
	(xrf0) =	vadd.scan.msk.s32 $0xffff, v50  }
0x3e: {  	(xrf0) =	vadd.scan.msk.s32 $0xffff, v51  }
0x3f: {  	vm14 =	vcmask $0x308  }
0x40: {  	v56 =	vsel vm14, $0x0, v3;
	v52, _, _ =	vpop (xrf0)  }
0x41: {  	v57 =	vsel vm14, $0x0, v2;
	(xrf0) =	vadd.scan.msk.s32 $0xffff, v56;
	(v2sf) =	vpush v52, $0xF  }
0x42: {  	v58 =	vsel vm14, $0x0, v1;
	v53, _, _ =	vpop (xrf0);
	(xrf0) =	vadd.scan.msk.s32 $0xffff, v57  }
0x43: {  	v59 =	vsel vm14, $0x0, v0;
	v54, _, _ =	vpop (xrf0);
	(xrf0) =	vadd.scan.msk.s32 $0xffff, v58  }
0x44: {  	v55, _, _ =	vpop (xrf0);
	(xrf0) =	vadd.scan.msk.s32 $0xffff, v59;
	_ =	sdelay $0x1  }
0x45: {  	(v2sf) =	vpush v53, $0xF  }
0x46: {  	(v2sf) =	vpush v54, $0xF;
	v60, _, _ =	vpop (xrf0)  }
0x47: {  	v61, _, _ =	vpop (xrf0)  }
0x48: {  	v8 =	vsel vm2, $0x0, v3;
	(v2sf) =	vpush v55, $0xF;
	v62, _, _ =	vpop (xrf0)  }
0x49: {  	v63, _, _ =	vpop (xrf0);
	(xrf0) =	vadd.scan.msk.s32 $0xffff, v8;
	_ =	sdelay $0x2  }
0x4a: {  	v9 =	vsel vm2, $0x0, v2;
	(v2sf) =	vpush v60, $0xF  }
0x4b: {  	v10 =	vsel vm2, $0x0, v1;
	(v2sf) =	vpush v61, $0xF;
	(xrf0) =	vadd.scan.msk.s32 $0xffff, v9  }
0x4c: {  	(v2sf) =	vpush v62, $0xF;
	(xrf0) =	vadd.scan.msk.s32 $0xffff, v10  }
0x4d: {  	v11 =	vsel vm2, $0x0, v0;
	v4, _, _ =	vpop (xrf0);
	s31 =	spop (v2sf);
	(v2sf) =	vpush v63, $0xF  }
0x4e: {  	(xrf0) =	vadd.scan.msk.s32 $0xffff, v11;
	(v2sf) =	vpush v4, $0xF;
	_ =	sdelay $0x2  }
0x4f: {  	v14 =	vsel vm3, $0x0, v3;
	v4, _, _ =	vpop (xrf0)  }
0x50: {  	v15 =	vsel vm3, $0x0, v2;
	(xrf0) =	vadd.scan.msk.s32 $0xffff, v14;
	s4 =	spop (v2sf);
	(v2sf) =	vpush v4, $0xF;
	v12, _, _ =	vpop (xrf0)  }
0x51: {  	v16 =	vsel vm3, $0x0, v1;
	(xrf0) =	vadd.scan.msk.s32 $0xffff, v15;
	s5 =	spop (v2sf);
	(v2sf) =	vpush v12, $0xF  }
0x52: {  	(xrf0) =	vadd.scan.msk.s32 $0xffff, v16;
	v13, _, _ =	vpop (xrf0)  }
0x53: {  	v17 =	vsel vm3, $0x0, v0;
	s6 =	spop (v2sf);
	(v2sf) =	vpush v13, $0xF  }
0x54: {  	(xrf0) =	vadd.scan.msk.s32 $0xffff, v17;
	_ =	sdelay $0x1  }
0x55: {  	v22 =	vsel vm4, $0x0, v3;
	v18, _, _ =	vpop (xrf0)  }
0x56: {  	[smem:$0x7F3] =	sst s0;
	v23 =	vsel vm4, $0x0, v2;
	s8 =	spop (v2sf);
	(xrf0) =	vadd.scan.msk.s32 $0xffff, v22;
	(v2sf) =	vpush v18, $0xF;
	v19, _, _ =	vpop (xrf0)  }
0x57: {  	v24 =	vsel vm4, $0x0, v1;
	s0 =	sshll.u32 s31, $0x4;
	[smem:$0x7E9] =	sst s4;
	s9 =	spop (v2sf);
	(xrf0) =	vadd.scan.msk.s32 $0xffff, v23;
	(v2sf) =	vpush v19, $0xF;
	v20, _, _ =	vpop (xrf0)  }
0x58: {  	s0 =	sand.u32 $0xFFFFF80, s0;
	s4 =	sshll.u32 s6, $0x4;
	s10 =	spop (v2sf);
	(xrf0) =	vadd.scan.msk.s32 $0xffff, v24;
	(v2sf) =	vpush v20, $0xF  }
0x59: {  	v25 =	vsel vm4, $0x0, v0;
	[smem:$0x7EA] =	sst s5;
	s4 =	sand.u32 $0xFFFFF80, s4;
	v21, _, _ =	vpop (xrf0);
	s13 =	spop (v2sf)  }
0x5a: {  	s5 =	rddreg [dreg:$0x5];
	s4 =	sadd.s32 s2, s4;
	(xrf0) =	vadd.scan.msk.s32 $0xffff, v25;
	s16 =	spop (v2sf);
	(v2sf) =	vpush v21, $0xF  }
0x5b: {  	[tilespmem:s5], [sflag:$0x1] =	stream.linear.gather [hbm4b:s4+s1], $0x400, $0x38;
	[tilespmem:$0x8600] =	vst v63  }
0x5c: {  	s7 =	rddreg [dreg:$0x6];
	s0 =	sadd.s32 s3, s0;
	v26, _, _ =	vpop (xrf0)  }
0x5d: {  	[tilespmem:s7], [sflag:$0x2] =	stream.linear.gather [hbm4b:s0+s1], $0x400, $0x38;
	v27, _, _ =	vpop (xrf0);
	(v2sf) =	vpush v26, $0xF;
	[tilespmem:$0x8600] =	vst v63  }
0x5e: {  	v28, _, _ =	vpop (xrf0);
	s17 =	spop (v2sf);
	(v2sf) =	vpush v27, $0xF  }
0x5f: {  	v30 =	vsel vm5, $0x0, v3;
	s4 =	sshll.u32 s13, $0x4;
	s18 =	spop (v2sf);
	(v2sf) =	vpush v28, $0xF  }
0x60: {  	s14 =	rddreg [dreg:$0x7];
	v31 =	vsel vm5, $0x0, v2;
	s0 =	sshll.u32 s8, $0x4;
	(xrf0) =	vadd.scan.msk.s32 $0xffff, v30;
	s4 =	sand.u32 $0xFFFFF80, s4;
	v29, _, _ =	vpop (xrf0)  }
0x61: {  	s0 =	sand.u32 $0xFFFFF80, s0;
	(xrf0) =	vadd.scan.msk.s32 $0xffff, v31;
	s4 =	sadd.s32 s2, s4;
	s19 =	spop (v2sf);
	(v2sf) =	vpush v29, $0xF  }
0x62: {  	v32 =	vsel vm5, $0x0, v1;
	[tilespmem:s14], [sflag:$0x1] =	stream.linear.gather [hbm4b:s4+s1], $0x400, $0x38;
	[tilespmem:$0x8600] =	vst v63  }
0x63: {  	s15 =	rddreg [dreg:$0x8];
	s0 =	sadd.s32 s3, s0;
	(xrf0) =	vadd.scan.msk.s32 $0xffff, v32  }
0x64: {  	v33 =	vsel vm5, $0x0, v0;
	[tilespmem:s15], [sflag:$0x2] =	stream.linear.gather [hbm4b:s0+s1], $0x400, $0x38;
	[tilespmem:$0x8600] =	vst v63  }
0x65: {  	s20 =	rddreg [dreg:$0x9];
	(xrf0) =	vadd.scan.msk.s32 $0xffff, v33;
	s4 =	sshll.u32 s19, $0x4;
	s22 =	spop (v2sf)  }
0x66: {  	s21 =	rddreg [dreg:$0xa];
	s4 =	sand.u32 $0xFFFFF80, s4;
	s23 =	spop (v2sf)  }
0x67: {  	s0 =	sshll.u32 s16, $0x4;
	s4 =	sadd.s32 s2, s4;
	s24 =	spop (v2sf)  }
0x68: {  	v34, _, _ =	vpop (xrf0);
	[tilespmem:s20], [sflag:$0x1] =	stream.linear.gather [hbm4b:s4+s1], $0x400, $0x38;
	[tilespmem:$0x8600] =	vst v63  }
0x69: {  	s28 =	rddreg [dreg:$0xb];
	v35, _, _ =	vpop (xrf0);
	s0 =	sand.u32 $0xFFFFF80, s0;
	s26 =	spop (v2sf);
	(v2sf) =	vpush v34, $0xF  }
0x6a: {  	s29 =	rddreg [dreg:$0xc];
	v36, _, _ =	vpop (xrf0);
	s0 =	sadd.s32 s3, s0;
	(v2sf) =	vpush v35, $0xF  }
0x6b: {  	v37, _, _ =	vpop (xrf0);
	[tilespmem:s21], [sflag:$0x2] =	stream.linear.gather [hbm4b:s0+s1], $0x400, $0x38;
	(v2sf) =	vpush v36, $0xF;
	[tilespmem:$0x8600] =	vst v63  }
0x6c: {  	[smem:$0x7EB] =	sst s9;
	s4 =	sshll.u32 s26, $0x4;
	s30 =	spop (v2sf);
	(v2sf) =	vpush v37, $0xF  }
0x6d: {  	v38 =	vsel vm6, $0x0, v3;
	s0 =	sshll.u32 s22, $0x4;
	s4 =	sand.u32 $0xFFFFF80, s4;
	s31 =	spop (v2sf)  }
0x6e: {  	(xrf0) =	vadd.scan.msk.s32 $0xffff, v38;
	s0 =	sand.u32 $0xFFFFF80, s0;
	s4 =	sadd.s32 s2, s4;
	s5 =	spop (v2sf)  }
0x6f: {  	[tilespmem:s28], [sflag:$0x1] =	stream.linear.gather [hbm4b:s4+s1], $0x400, $0x38;
	[tilespmem:$0x8600] =	vst v63  }
0x70: {  	[smem:$0x7EC] =	sst s10;
	s0 =	sadd.s32 s3, s0;
	s6 =	spop (v2sf)  }
0x71: {  	v39 =	vsel vm6, $0x0, v2;
	[tilespmem:s29], [sflag:$0x2] =	stream.linear.gather [hbm4b:s0+s1], $0x400, $0x38;
	[tilespmem:$0x8600] =	vst v63  }
0x72: {  	v40 =	vsel vm6, $0x0, v1;
	s7 =	rddreg [dreg:$0xd];
	(xrf0) =	vadd.scan.msk.s32 $0xffff, v39;
	s4 =	sshll.u32 s6, $0x4  }
0x73: {  	v41 =	vsel vm6, $0x0, v0;
	s8 =	rddreg [dreg:$0xe];
	(xrf0) =	vadd.scan.msk.s32 $0xffff, v40;
	s0 =	sshll.u32 s30, $0x4;
	s4 =	sand.u32 $0xFFFFF80, s4  }
0x74: {  	[smem:$0x7ED] =	sst s17;
	(xrf0) =	vadd.scan.msk.s32 $0xffff, v41;
	s0 =	sand.u32 $0xFFFFF80, s0;
	s4 =	sadd.s32 s2, s4  }
0x75: {  	v42, _, _ =	vpop (xrf0);
	[tilespmem:s7], [sflag:$0x1] =	stream.linear.gather [hbm4b:s4+s1], $0x400, $0x38;
	[tilespmem:$0x8600] =	vst v63  }
0x76: {  	[smem:$0x7EE] =	sst s18;
	(v2sf) =	vpush v42, $0xF;
	s0 =	sadd.s32 s3, s0  }
0x77: {  	[tilespmem:s8], [sflag:$0x2] =	stream.linear.gather [hbm4b:s0+s1], $0x400, $0x38;
	[tilespmem:$0x8600] =	vst v63  }
0x78: {  	[smem:$0x7EF] =	sst s23;
	v43, _, _ =	vpop (xrf0);
	s9 =	spop (v2sf)  }
0x79: {  	v46 =	vsel vm7, $0x0, v3;
	[smem:$0x7F0] =	sst s24;
	v44, _, _ =	vpop (xrf0);
	(v2sf) =	vpush v43, $0xF;
	s29 =	spop (v2sf)  }
0x7a: {  	(xrf0) =	vadd.scan.msk.s32 $0xffff, v46;
	v45, _, _ =	vpop (xrf0);
	[smem:$0x7F1] =	sst s31;
	(v2sf) =	vpush v44, $0xF;
	s28 =	spop (v2sf)  }
0x7b: {  	v47 =	vsel vm7, $0x0, v2;
	[smem:$0x7F2] =	sst s5;
	(v2sf) =	vpush v45, $0xF;
	s10 =	spop (v2sf)  }
0x7c: {  	v48 =	vsel vm7, $0x0, v1;
	(xrf0) =	vadd.scan.msk.s32 $0xffff, v47  }
0x7d: {  	v49 =	vsel vm7, $0x0, v0;
	(xrf0) =	vadd.scan.msk.s32 $0xffff, v48  }
0x7e: {  	(xrf0) =	vadd.scan.msk.s32 $0xffff, v49;
	_ =	sdelay $0x1  }
0x7f: {  	v50, _, _ =	vpop (xrf0)  }
0x80: {  	(v2sf) =	vpush v50, $0xF  }
0x81: {  	v51, _, _ =	vpop (xrf0)  }
0x82: {  	v54 =	vsel vm8, $0x0, v3;
	(v2sf) =	vpush v51, $0xF;
	v52, _, _ =	vpop (xrf0)  }
0x83: {  	(xrf0) =	vadd.scan.msk.s32 $0xffff, v54;
	(v2sf) =	vpush v52, $0xF;
	v53, _, _ =	vpop (xrf0)  }
0x84: {  	v55 =	vsel vm8, $0x0, v2;
	s15 =	spop (v2sf);
	(v2sf) =	vpush v53, $0xF  }
0x85: {  	(xrf0) =	vadd.scan.msk.s32 $0xffff, v55  }
0x86: {  	v56 =	vsel vm8, $0x0, v1  }
0x87: {  	v57 =	vsel vm8, $0x0, v0;
	(xrf0) =	vadd.scan.msk.s32 $0xffff, v56  }
0x88: {  	s4 =	sshll.u32 s10, $0x4;
	s31 =	spop (v2sf);
	(xrf0) =	vadd.scan.msk.s32 $0xffff, v57  }
0x89: {  	s0 =	sshll.u32 s9, $0x4;
	s4 =	sand.u32 $0xFFFFF80, s4;
	s30 =	spop (v2sf);
	v58, _, _ =	vpop (xrf0)  }
0x8a: {  	s13 =	rddreg [dreg:$0xf];
	s4 =	sadd.s32 s2, s4;
	s16 =	spop (v2sf);
	(v2sf) =	vpush v58, $0xF  }
0x8b: {  	v62 =	vsel vm9, $0x0, v3;
	[tilespmem:s13], [sflag:$0x1] =	stream.linear.gather [hbm4b:s4+s1], $0x400, $0x38;
	v59, _, _ =	vpop (xrf0);
	[tilespmem:$0x8600] =	vst v63  }
0x8c: {  	s0 =	sand.u32 $0xFFFFF80, s0;
	(xrf0) =	vadd.scan.msk.s32 $0xffff, v62;
	(v2sf) =	vpush v59, $0xF  }
0x8d: {  	s0 =	sadd.s32 s3, s0;
	s14 =	rddreg [dreg:$0x10];
	v60, _, _ =	vpop (xrf0)  }
0x8e: {  	[tilespmem:s14], [sflag:$0x2] =	stream.linear.gather [hbm4b:s0+s1], $0x400, $0x38;
	(v2sf) =	vpush v60, $0xF;
	v61, _, _ =	vpop (xrf0);
	[tilespmem:$0x8600] =	vst v63  }
0x8f: {  	v63 =	vsel vm9, $0x0, v2;
	s19 =	spop (v2sf);
	(v2sf) =	vpush v61, $0xF  }
0x90: {  	v8 =	vsel vm9, $0x0, v1;
	(xrf0) =	vadd.scan.msk.s32 $0xffff, v63  }
0x91: {  	v9 =	vsel vm9, $0x0, v0;
	s17 =	rddreg [dreg:$0x11];
	s4 =	sshll.u32 s16, $0x4;
	(xrf0) =	vadd.scan.msk.s32 $0xffff, v8;
	s23 =	spop (v2sf)  }
0x92: {  	s0 =	sshll.u32 s15, $0x4;
	s4 =	sand.u32 $0xFFFFF80, s4;
	(xrf0) =	vadd.scan.msk.s32 $0xffff, v9;
	v10, _, _ =	vpop (xrf0);
	s24 =	spop (v2sf)  }
0x93: {  	s0 =	sand.u32 $0xFFFFF80, s0;
	s4 =	sadd.s32 s2, s4;
	s20 =	spop (v2sf);
	(v2sf) =	vpush v10, $0xF  }
0x94: {  	[tilespmem:s17], [sflag:$0x1] =	stream.linear.gather [hbm4b:s4+s1], $0x400, $0x38;
	[tilespmem:$0x8600] =	vst v63  }
0x95: {  	s18 =	rddreg [dreg:$0x12];
	s0 =	sadd.s32 s3, s0  }
0x96: {  	v14 =	vsel vm10, $0x0, v3;
	[tilespmem:s18], [sflag:$0x2] =	stream.linear.gather [hbm4b:s0+s1], $0x400, $0x38;
	v11, _, _ =	vpop (xrf0);
	[tilespmem:$0x8600] =	vst v63  }
0x97: {  	v15 =	vsel vm10, $0x0, v2;
	(xrf0) =	vadd.scan.msk.s32 $0xffff, v14;
	v12, _, _ =	vpop (xrf0);
	s4 =	sshll.u32 s20, $0x4;
	(v2sf) =	vpush v11, $0xF  }
0x98: {  	v16 =	vsel vm10, $0x0, v1;
	s21 =	rddreg [dreg:$0x13];
	s0 =	sshll.u32 s19, $0x4;
	(xrf0) =	vadd.scan.msk.s32 $0xffff, v15;
	v13, _, _ =	vpop (xrf0);
	s4 =	sand.u32 $0xFFFFF80, s4;
	(v2sf) =	vpush v12, $0xF  }
0x99: {  	s0 =	sand.u32 $0xFFFFF80, s0;
	(xrf0) =	vadd.scan.msk.s32 $0xffff, v16;
	s26 =	spop (v2sf);
	s4 =	sadd.s32 s2, s4;
	(v2sf) =	vpush v13, $0xF  }
0x9a: {  	v17 =	vsel vm10, $0x0, v0;
	[tilespmem:s21], [sflag:$0x1] =	stream.linear.gather [hbm4b:s4+s1], $0x400, $0x38;
	[tilespmem:$0x8600] =	vst v63  }
0x9b: {  	s22 =	rddreg [dreg:$0x14];
	s0 =	sadd.s32 s3, s0;
	(xrf0) =	vadd.scan.msk.s32 $0xffff, v17;
	s21 =	spop (v2sf)  }
0x9c: {  	[tilespmem:s22], [sflag:$0x2] =	stream.linear.gather [hbm4b:s0+s1], $0x400, $0x38;
	[tilespmem:$0x8600] =	vst v63  }
0x9d: {  	v18, _, _ =	vpop (xrf0);
	s22 =	spop (v2sf)  }
0x9e: {  	s6 =	spop (v2sf);
	(v2sf) =	vpush v18, $0xF  }
0x9f: {  	v19, _, _ =	vpop (xrf0)  }
0xa0: {  	v22 =	vsel vm11, $0x0, v3;
	v20, _, _ =	vpop (xrf0);
	(v2sf) =	vpush v19, $0xF  }
0xa1: {  	(xrf0) =	vadd.scan.msk.s32 $0xffff, v22;
	v21, _, _ =	vpop (xrf0);
	(v2sf) =	vpush v20, $0xF  }
0xa2: {  	s9 =	spop (v2sf);
	(v2sf) =	vpush v21, $0xF  }
0xa3: {  	v23 =	vsel vm11, $0x0, v2  }
0xa4: {  	v24 =	vsel vm11, $0x0, v1;
	(xrf0) =	vadd.scan.msk.s32 $0xffff, v23  }
0xa5: {  	v25 =	vsel vm11, $0x0, v0;
	(xrf0) =	vadd.scan.msk.s32 $0xffff, v24  }
0xa6: {  	(xrf0) =	vadd.scan.msk.s32 $0xffff, v25;
	s19 =	spop (v2sf)  }
0xa7: {  	v26, _, _ =	vpop (xrf0);
	s20 =	spop (v2sf)  }
0xa8: {  	s10 =	spop (v2sf);
	(v2sf) =	vpush v26, $0xF  }
0xa9: {  	v30 =	vsel vm12, $0x0, v3;
	s4 =	sshll.u32 s6, $0x4  }
0xaa: {  	(xrf0) =	vadd.scan.msk.s32 $0xffff, v30;
	s0 =	sshll.u32 s26, $0x4;
	v27, _, _ =	vpop (xrf0);
	s4 =	sand.u32 $0xFFFFF80, s4  }
0xab: {  	s7 =	rddreg [dreg:$0x15];
	s0 =	sand.u32 $0xFFFFF80, s0;
	v28, _, _ =	vpop (xrf0);
	s4 =	sadd.s32 s2, s4;
	(v2sf) =	vpush v27, $0xF  }
0xac: {  	v31 =	vsel vm12, $0x0, v2;
	v29, _, _ =	vpop (xrf0);
	[tilespmem:s7], [sflag:$0x1] =	stream.linear.gather [hbm4b:s4+s1], $0x400, $0x38;
	(v2sf) =	vpush v28, $0xF;
	[tilespmem:$0x8600] =	vst v63  }
0xad: {  	s8 =	rddreg [dreg:$0x16];
	(xrf0) =	vadd.scan.msk.s32 $0xffff, v31;
	s0 =	sadd.s32 s3, s0;
	s15 =	spop (v2sf);
	(v2sf) =	vpush v29, $0xF  }
0xae: {  	v32 =	vsel vm12, $0x0, v1;
	[tilespmem:s8], [sflag:$0x2] =	stream.linear.gather [hbm4b:s0+s1], $0x400, $0x38;
	[tilespmem:$0x8600] =	vst v63  }
0xaf: {  	v33 =	vsel vm12, $0x0, v0;
	(xrf0) =	vadd.scan.msk.s32 $0xffff, v32;
	s16 =	spop (v2sf)  }
0xb0: {  	(xrf0) =	vadd.scan.msk.s32 $0xffff, v33;
	v34, _, _ =	vpop (xrf0);
	s4 =	sshll.u32 s10, $0x4;
	s18 =	spop (v2sf)  }
0xb1: {  	s0 =	sshll.u32 s9, $0x4;
	s4 =	sand.u32 $0xFFFFF80, s4;
	s17 =	spop (v2sf);
	(v2sf) =	vpush v34, $0xF  }
0xb2: {  	s13 =	rddreg [dreg:$0x17];
	s0 =	sand.u32 $0xFFFFF80, s0;
	s4 =	sadd.s32 s2, s4  }
0xb3: {  	v38 =	vsel vm13, $0x0, v3;
	[tilespmem:s13], [sflag:$0x1] =	stream.linear.gather [hbm4b:s4+s1], $0x400, $0x38;
	[tilespmem:$0x8600] =	vst v63  }
0xb4: {  	s14 =	rddreg [dreg:$0x18];
	(xrf0) =	vadd.scan.msk.s32 $0xffff, v38;
	v35, _, _ =	vpop (xrf0);
	s0 =	sadd.s32 s3, s0  }
0xb5: {  	v39 =	vsel vm13, $0x0, v2;
	v36, _, _ =	vpop (xrf0);
	[tilespmem:s14], [sflag:$0x2] =	stream.linear.gather [hbm4b:s0+s1], $0x400, $0x38;
	(v2sf) =	vpush v35, $0xF;
	[tilespmem:$0x8600] =	vst v63  }
0xb6: {  	v40 =	vsel vm13, $0x0, v1;
	(xrf0) =	vadd.scan.msk.s32 $0xffff, v39;
	v37, _, _ =	vpop (xrf0);
	s4 =	sshll.u32 s17, $0x4;
	(v2sf) =	vpush v36, $0xF  }
0xb7: {  	v41 =	vsel vm13, $0x0, v0;
	(xrf0) =	vadd.scan.msk.s32 $0xffff, v40;
	s4 =	sand.u32 $0xFFFFF80, s4;
	s7 =	spop (v2sf);
	(v2sf) =	vpush v37, $0xF  }
0xb8: {  	s26 =	rddreg [dreg:$0x19];
	(xrf0) =	vadd.scan.msk.s32 $0xffff, v41;
	s4 =	sadd.s32 s2, s4  }
0xb9: {  	[tilespmem:s26], [sflag:$0x1] =	stream.linear.gather [hbm4b:s4+s1], $0x400, $0x38;
	[tilespmem:$0x8600] =	vst v63  }
0xba: {  	s0 =	sshll.u32 s15, $0x4;
	s9 =	spop (v2sf)  }
0xbb: {  	v42, _, _ =	vpop (xrf0);
	s0 =	sand.u32 $0xFFFFF80, s0;
	s13 =	spop (v2sf)  }
0xbc: {  	s6 =	rddreg [dreg:$0x1a];
	s0 =	sadd.s32 s3, s0;
	s8 =	spop (v2sf);
	(v2sf) =	vpush v42, $0xF  }
0xbd: {  	v43, _, _ =	vpop (xrf0);
	[tilespmem:s6], [sflag:$0x2] =	stream.linear.gather [hbm4b:s0+s1], $0x400, $0x38;
	[tilespmem:$0x8600] =	vst v63  }
0xbe: {  	v46 =	vsel vm1, $0x0, v3;
	v44, _, _ =	vpop (xrf0);
	s4 =	sshll.u32 s8, $0x4;
	(v2sf) =	vpush v43, $0xF  }
0xbf: {  	v47 =	vsel vm1, $0x0, v2;
	(xrf0) =	vadd.scan.msk.s32 $0xffff, v46;
	s10 =	rddreg [dreg:$0x1b];
	v45, _, _ =	vpop (xrf0);
	s0 =	sshll.u32 s7, $0x4;
	s4 =	sand.u32 $0xFFFFF80, s4;
	(v2sf) =	vpush v44, $0xF  }
0xc0: {  	(xrf0) =	vadd.scan.msk.s32 $0xffff, v47;
	s0 =	sand.u32 $0xFFFFF80, s0;
	s4 =	sadd.s32 s2, s4;
	s15 =	spop (v2sf);
	(v2sf) =	vpush v45, $0xF  }
0xc1: {  	v48 =	vsel vm1, $0x0, v1;
	[tilespmem:s10], [sflag:$0x1] =	stream.linear.gather [hbm4b:s4+s1], $0x400, $0x38;
	[tilespmem:$0x8600] =	vst v63  }
0xc2: {  	(xrf0) =	vadd.scan.msk.s32 $0xffff, v48;
	s14 =	rddreg [dreg:$0x1c];
	s0 =	sadd.s32 s3, s0  }
0xc3: {  	v49 =	vsel vm1, $0x0, v0;
	[tilespmem:s14], [sflag:$0x2] =	stream.linear.gather [hbm4b:s0+s1], $0x400, $0x38;
	[tilespmem:$0x8600] =	vst v63  }
0xc4: {  	(xrf0) =	vadd.scan.msk.s32 $0xffff, v49;
	s6 =	spop (v2sf)  }
0xc5: {  	s7 =	spop (v2sf)  }
0xc6: {  	v50, _, _ =	vpop (xrf0);
	s17 =	spop (v2sf)  }
0xc7: {  	(v2sf) =	vpush v50, $0xF;
	s5 =	sshll.u32 s17, $0x4  }
0xc8: {  	v51, _, _ =	vpop (xrf0);
	s4 =	sshll.u32 s15, $0x4;
	s5 =	sand.u32 $0xFFFFF80, s5  }
0xc9: {  	v52, _, _ =	vpop (xrf0);
	s8 =	rddreg [dreg:$0x1d];
	s4 =	sand.u32 $0xFFFFF80, s4;
	(v2sf) =	vpush v51, $0xF;
	s5 =	sadd.s32 s2, s5  }
0xca: {  	v53, _, _ =	vpop (xrf0);
	(v2sf) =	vpush v52, $0xF;
	[tilespmem:s8], [sflag:$0x1] =	stream.linear.gather [hbm4b:s5+s1], $0x400, $0x38;
	[tilespmem:$0x8600] =	vst v63  }
0xcb: {  	s26 =	rddreg [dreg:$0x1e];
	s4 =	sadd.s32 s3, s4;
	(v2sf) =	vpush v53, $0xF;
	s0 =	spop (v2sf)  }
0xcc: {  	v3 =	vsel vm15, $0x0, v3;
	[tilespmem:s26], [sflag:$0x2] =	stream.linear.gather [hbm4b:s4+s1], $0x400, $0x38;
	[tilespmem:$0x8600] =	vst v63  }
0xcd: {  	v2 =	vsel vm15, $0x0, v2;
	(xrf0) =	vadd.scan.msk.s32 $0xffff, v3;
	s4 =	spop (v2sf)  }
0xce: {  	v1 =	vsel vm15, $0x0, v1;
	(xrf0) =	vadd.scan.msk.s32 $0xffff, v2;
	s8 =	spop (v2sf)  }
0xcf: {  	v0 =	vsel vm15, $0x0, v0;
	(xrf0) =	vadd.scan.msk.s32 $0xffff, v1;
	s10 =	spop (v2sf)  }
0xd0: {  	(xrf0) =	vadd.scan.msk.s32 $0xffff, v0;
	s10 =	sshll.u32 s10, $0x4  }
0xd1: {  	s10 =	sand.u32 $0xFFFFF80, s10  }
0xd2: {  	s14 =	rddreg [dreg:$0x1f];
	s10 =	sadd.s32 s2, s10  }
0xd3: {  	v54, _, _ =	vpop (xrf0);
	[tilespmem:s14], [sflag:$0x1] =	stream.linear.gather [hbm4b:s10+s1], $0x400, $0x38;
	[tilespmem:$0x8600] =	vst v63  }
0xd4: {  	v55, _, _ =	vpop (xrf0);
	(v2sf) =	vpush v54, $0xF;
	s5 =	sshll.u32 s0, $0x4;
	s14 =	sld [smem:$0x7F7]  }
0xd5: {  	v56, _, _ =	vpop (xrf0);
	s5 =	sand.u32 $0xFFFFF80, s5;
	(v2sf) =	vpush v55, $0xF  }
0xd6: {  	v57, _, _ =	vpop (xrf0);
	s5 =	sadd.s32 s3, s5;
	(v2sf) =	vpush v56, $0xF;
	s15 =	spop (v2sf)  }
0xd7: {  	(v2sf) =	vpush v57, $0xF;
	[tilespmem:s14], [sflag:$0x2] =	stream.linear.gather [hbm4b:s5+s1], $0x400, $0x38;
	[tilespmem:$0x8600] =	vst v63  }
0xd8: {  	s5 =	spop (v2sf)  }
0xd9: {  	s10 =	spop (v2sf)  }
0xda: {  	s17 =	spop (v2sf)  }
0xdb: {  	s26 =	sld [smem:$0x7F9];
	s17 =	sshll.u32 s17, $0x4  }
0xdc: {  	s17 =	sand.u32 $0xFFFFF80, s17  }
0xdd: {  	s17 =	sadd.s32 s2, s17  }
0xde: {  	[tilespmem:s26], [sflag:$0x1] =	stream.linear.gather [hbm4b:s17+s1], $0x400, $0x38;
	[tilespmem:$0x8600] =	vst v63  }
0xdf: {  	s15 =	sshll.u32 s15, $0x4;
	s17 =	sld [smem:$0x7FB]  }
0xe0: {  	s0 =	sand.u32 $0xFFFFF80, s15  }
0xe1: {  	s0 =	sadd.s32 s3, s0  }
0xe2: {  	[tilespmem:s17], [sflag:$0x2] =	stream.linear.gather [hbm4b:s0+s1], $0x400, $0x38;
	[tilespmem:$0x8600] =	vst v63  }
0xe3: {  	s0 =	spop (v2sf)  }
0xe4: {  	s14 =	spop (v2sf)  }
0xe5: {  	s17 =	spop (v2sf)  }
0xe6: {  	s26 =	spop (v2sf)  }
0xe7: {  	s15 =	sld [smem:$0x7FC];
	s26 =	sshll.u32 s26, $0x4  }
0xe8: {  	s26 =	sand.u32 $0xFFFFF80, s26  }
0xe9: {  	s26 =	sadd.s32 s2, s26  }
0xea: {  	[tilespmem:s15], [sflag:$0x1] =	stream.linear.gather [hbm4b:s26+s1], $0x400, $0x38;
	[tilespmem:$0x8600] =	vst v63  }
0xeb: {  	s0 =	sshll.u32 s0, $0x4;
	s26 =	sld [smem:$0x7FD]  }
0xec: {  	s0 =	sand.u32 $0xFFFFF80, s0  }
0xed: {  	s0 =	sadd.s32 s3, s0  }
0xee: {  	[tilespmem:s26], [sflag:$0x2] =	stream.linear.gather [hbm4b:s0+s1], $0x400, $0x38;
	[tilespmem:$0x8600] =	vst v63  }
0xef: {  	_ =	swait.ge [sflag:s11], $0x400  }
0xf0: {  	[sflag:s11] =	ssyncset.done $0x0  }
0xf1: {  	[sflag:s11] =	ssyncadd.s32 $0xFFFFFC00  }
0xf2: {  	_ =	swait.ge [sflag:s12], $0x400  }
0xf3: {  	[sflag:s12] =	ssyncset.done $0x0  }
0xf4: {  	[sflag:s12] =	ssyncadd.s32 $0xFFFFFC00  }
0xf5: {  	_ =	swait.ge [sflag:s11], $0x400  }
0xf6: {  	[sflag:s11] =	ssyncset.done $0x0  }
0xf7: {  	[sflag:s11] =	ssyncadd.s32 $0xFFFFFC00  }
0xf8: {  	_ =	swait.ge [sflag:s12], $0x400  }
0xf9: {  	[sflag:s12] =	ssyncset.done $0x0  }
0xfa: {  	[sflag:s12] =	ssyncadd.s32 $0xFFFFFC00  }
0xfb: {  	_ =	swait.ge [sflag:s11], $0x400  }
0xfc: {  	[sflag:s11] =	ssyncset.done $0x0  }
0xfd: {  	[sflag:s11] =	ssyncadd.s32 $0xFFFFFC00  }
0xfe: {  	_ =	swait.ge [sflag:s12], $0x400  }
0xff: {  	[sflag:s12] =	ssyncset.done $0x0  }
0x100: {  	[sflag:s12] =	ssyncadd.s32 $0xFFFFFC00  }
0x101: {  	_ =	swait.ge [sflag:s11], $0x400  }
0x102: {  	[sflag:s11] =	ssyncset.done $0x0  }
0x103: {  	[sflag:s11] =	ssyncadd.s32 $0xFFFFFC00  }
0x104: {  	_ =	swait.ge [sflag:s12], $0x400  }
0x105: {  	[sflag:s12] =	ssyncset.done $0x0  }
0x106: {  	[sflag:s12] =	ssyncadd.s32 $0xFFFFFC00  }
0x107: {  	_ =	swait.ge [sflag:s11], $0x400  }
0x108: {  	[sflag:s11] =	ssyncset.done $0x0  }
0x109: {  	[sflag:s11] =	ssyncadd.s32 $0xFFFFFC00  }
0x10a: {  	_ =	swait.ge [sflag:s12], $0x400  }
0x10b: {  	[sflag:s12] =	ssyncset.done $0x0  }
0x10c: {  	[sflag:s12] =	ssyncadd.s32 $0xFFFFFC00  }
0x10d: {  	_ =	swait.ge [sflag:s11], $0x400  }
0x10e: {  	[sflag:s11] =	ssyncset.done $0x0  }
0x10f: {  	[sflag:s11] =	ssyncadd.s32 $0xFFFFFC00  }
0x110: {  	_ =	swait.ge [sflag:s12], $0x400  }
0x111: {  	[sflag:s12] =	ssyncset.done $0x0  }
0x112: {  	[sflag:s12] =	ssyncadd.s32 $0xFFFFFC00  }
0x113: {  	_ =	swait.ge [sflag:s11], $0x400  }
0x114: {  	[sflag:s11] =	ssyncset.done $0x0  }
0x115: {  	[sflag:s11] =	ssyncadd.s32 $0xFFFFFC00  }
0x116: {  	_ =	swait.ge [sflag:s12], $0x400  }
0x117: {  	[sflag:s12] =	ssyncset.done $0x0  }
0x118: {  	[sflag:s12] =	ssyncadd.s32 $0xFFFFFC00  }
0x119: {  	_ =	swait.ge [sflag:s11], $0x400  }
0x11a: {  	[sflag:s11] =	ssyncset.done $0x0  }
0x11b: {  	[sflag:s11] =	ssyncadd.s32 $0xFFFFFC00  }
0x11c: {  	_ =	swait.ge [sflag:s12], $0x400  }
0x11d: {  	[sflag:s12] =	ssyncset.done $0x0  }
0x11e: {  	[sflag:s12] =	ssyncadd.s32 $0xFFFFFC00  }
0x11f: {  	_ =	swait.ge [sflag:s11], $0x400  }
0x120: {  	[sflag:s11] =	ssyncset.done $0x0  }
0x121: {  	[sflag:s11] =	ssyncadd.s32 $0xFFFFFC00  }
0x122: {  	_ =	swait.ge [sflag:s12], $0x400  }
0x123: {  	[sflag:s12] =	ssyncset.done $0x0  }
0x124: {  	[sflag:s12] =	ssyncadd.s32 $0xFFFFFC00  }
0x125: {  	_ =	swait.ge [sflag:s11], $0x400  }
0x126: {  	[sflag:s11] =	ssyncset.done $0x0  }
0x127: {  	[sflag:s11] =	ssyncadd.s32 $0xFFFFFC00  }
0x128: {  	_ =	swait.ge [sflag:s12], $0x400  }
0x129: {  	[sflag:s12] =	ssyncset.done $0x0  }
0x12a: {  	[sflag:s12] =	ssyncadd.s32 $0xFFFFFC00  }
0x12b: {  	_ =	swait.ge [sflag:s11], $0x400  }
0x12c: {  	[sflag:s11] =	ssyncset.done $0x0  }
0x12d: {  	[sflag:s11] =	ssyncadd.s32 $0xFFFFFC00  }
0x12e: {  	_ =	swait.ge [sflag:s12], $0x400  }
0x12f: {  	[sflag:s12] =	ssyncset.done $0x0  }
0x130: {  	[sflag:s12] =	ssyncadd.s32 $0xFFFFFC00  }
0x131: {  	_ =	swait.ge [sflag:s11], $0x400  }
0x132: {  	[sflag:s11] =	ssyncset.done $0x0  }
0x133: {  	[sflag:s11] =	ssyncadd.s32 $0xFFFFFC00  }
0x134: {  	_ =	swait.ge [sflag:s12], $0x400  }
0x135: {  	[sflag:s12] =	ssyncset.done $0x0  }
0x136: {  	[sflag:s12] =	ssyncadd.s32 $0xFFFFFC00  }
0x137: {  	_ =	swait.ge [sflag:s11], $0x400  }
0x138: {  	[sflag:s11] =	ssyncset.done $0x0  }
0x139: {  	[sflag:s11] =	ssyncadd.s32 $0xFFFFFC00  }
0x13a: {  	_ =	swait.ge [sflag:s12], $0x400  }
0x13b: {  	[sflag:s12] =	ssyncset.done $0x0  }
0x13c: {  	[sflag:s12] =	ssyncadd.s32 $0xFFFFFC00  }
0x13d: {  	_ =	swait.ge [sflag:s11], $0x400  }
0x13e: {  	[sflag:s11] =	ssyncset.done $0x0  }
0x13f: {  	[sflag:s11] =	ssyncadd.s32 $0xFFFFFC00  }
0x140: {  	_ =	swait.ge [sflag:s12], $0x400  }
0x141: {  	[sflag:s12] =	ssyncset.done $0x0  }
0x142: {  	[sflag:s12] =	ssyncadd.s32 $0xFFFFFC00  }
0x143: {  	_ =	swait.ge [sflag:s11], $0x400  }
0x144: {  	[sflag:s11] =	ssyncset.done $0x0  }
0x145: {  	[sflag:s11] =	ssyncadd.s32 $0xFFFFFC00  }
0x146: {  	_ =	swait.ge [sflag:s12], $0x400  }
0x147: {  	[sflag:s12] =	ssyncset.done $0x0  }
0x148: {  	[sflag:s12] =	ssyncadd.s32 $0xFFFFFC00  }
0x149: {  	_ =	swait.ge [sflag:s11], $0x400  }
0x14a: {  	[sflag:s11] =	ssyncset.done $0x0  }
0x14b: {  	[sflag:s11] =	ssyncadd.s32 $0xFFFFFC00  }
0x14c: {  	_ =	swait.ge [sflag:s12], $0x400  }
0x14d: {  	s15 =	sld [smem:$0x7E9];
	_ =	sdelay $0x2  }
0x14e: {  	[sflag:s12] =	ssyncset.done $0x0;
	s0 =	sshll.u32 s15, $0x9  }
0x14f: {  	s26 =	sld [smem:$0x7EA];
	[sflag:s12] =	ssyncadd.s32 $0xFFFFFC00;
	s0 =	sshra.s32 s0, $0x2  }
0x150: {  	v1 =	vld [tilespmem:s0+$0x400]  }
0x151: {  	v3 =	vld [tilespmem:s0+$0x410]  }
0x152: {  	s15 =	sshll.u32 s26, $0x9;
	v2 =	vld [tilespmem:s0+$0x420]  }
0x153: {  	s26 =	sld [smem:$0x7EB];
	v58 =	vld [tilespmem:s0+$0x430];
	s0 =	sshra.s32 s15, $0x2  }
0x154: {  	v14 =	vld [tilespmem:s0+$0x4400]  }
0x155: {  	v26 =	vld [tilespmem:s0+$0x4410]  }
0x156: {  	v11 =	vld [tilespmem:s0+$0x4420];
	s15 =	sshll.u32 s26, $0x9  }
0x157: {  	v59 =	vld [tilespmem:s0+$0x4430];
	s26 =	sld [smem:$0x7EC];
	s0 =	sshra.s32 s15, $0x2  }
0x158: {  	v60 =	vld [tilespmem:s0+$0x800]  }
0x159: {  	v61 =	vld [tilespmem:s0+$0x810]  }
0x15a: {  	v62 =	vld [tilespmem:s0+$0x820];
	s15 =	sshll.u32 s26, $0x9  }
0x15b: {  	v63 =	vld [tilespmem:s0+$0x830];
	s26 =	sld [smem:$0x7ED];
	s0 =	sshra.s32 s15, $0x2  }
0x15c: {  	v40 =	vld [tilespmem:s0+$0x4800]  }
0x15d: {  	v41 =	vld [tilespmem:s0+$0x4810]  }
0x15e: {  	v36 =	vld [tilespmem:s0+$0x4820];
	s15 =	sshll.u32 s26, $0x9  }
0x15f: {  	v4 =	vld [tilespmem:s0+$0x4830];
	s0 =	sshra.s32 s15, $0x2  }
0x160: {  	v48 =	vld [tilespmem:s0+$0xC00]  }
0x161: {  	v1 =	vmul.f32 v14, v1;
	v26 =	vmul.f32 v26, v3;
	s26 =	sld [smem:$0x7EE];
	v49 =	vld [tilespmem:s0+$0xC10]  }
0x162: {  	v5 =	vld [tilespmem:s0+$0xC20]  }
0x163: {  	[tilespmem:$0x1FD50] =	vst v60;
	v0 =	vadd.f32 v26, v1;
	v1 =	vmul.f32 v11, v2;
	v6 =	vld [tilespmem:s0+$0xC30]  }
0x164: {  	[tilespmem:$0x1FD70] =	vst v58;
	v11 =	vld [tilespmem:$0x1FD50];
	s15 =	sshll.u32 s26, $0x9  }
0x165: {  	v2 =	vadd.f32 v1, v0;
	v0 =	vld [tilespmem:$0x1FD70];
	s0 =	sshra.s32 s15, $0x2  }
0x166: {  	s26 =	sld [smem:$0x7EF];
	v50 =	vld [tilespmem:s0+$0x4C00]  }
0x167: {  	v51 =	vld [tilespmem:s0+$0x4C10]  }
0x168: {  	v42 =	vld [tilespmem:s0+$0x4C20]  }
0x169: {  	[tilespmem:$0x1FD60] =	vst v61;
	v7 =	vld [tilespmem:s0+$0x4C30];
	s15 =	sshll.u32 s26, $0x9  }
0x16a: {  	s0 =	sshra.s32 s15, $0x2;
	v40 =	vmul.f32 v40, v11;
	v11 =	vld [tilespmem:$0x1FD60]  }
0x16b: {  	s26 =	sld [smem:$0x7F0];
	v43 =	vld [tilespmem:s0+$0x1000]  }
0x16c: {  	v44 =	vld [tilespmem:s0+$0x1010]  }
0x16d: {  	v8 =	vld [tilespmem:s0+$0x1020]  }
0x16e: {  	[tilespmem:$0x1FD80] =	vst v59;
	v9 =	vld [tilespmem:s0+$0x1030];
	s15 =	sshll.u32 s26, $0x9  }
0x16f: {  	s0 =	sshra.s32 s15, $0x2;
	v1 =	vmul.f32 v50, v48;
	v50 =	vld [tilespmem:$0x1FD80]  }
0x170: {  	s26 =	sld [smem:$0x7F1];
	v52 =	vld [tilespmem:s0+$0x5000]  }
0x171: {  	v53 =	vld [tilespmem:s0+$0x5010]  }
0x172: {  	v48 =	vmul.f32 v51, v49;
	v10 =	vld [tilespmem:s0+$0x5020]  }
0x173: {  	[tilespmem:$0x1FDC0] =	vst v5;
	v12 =	vld [tilespmem:s0+$0x5030];
	s15 =	sshll.u32 s26, $0x9  }
0x174: {  	v1 =	vadd.f32 v48, v1;
	v48 =	vld [tilespmem:$0x1FDC0];
	s0 =	sshra.s32 s15, $0x2  }
0x175: {  	v37 =	vld [tilespmem:s0+$0x1400]  }
0x176: {  	s26 =	sld [smem:$0x7F2];
	v38 =	vld [tilespmem:s0+$0x1410]  }
0x177: {  	v41 =	vmul.f32 v41, v11;
	v13 =	vld [tilespmem:s0+$0x1420]  }
0x178: {  	[tilespmem:$0x1FD90] =	vst v62;
	v15 =	vld [tilespmem:s0+$0x1430]  }
0x179: {  	[tilespmem:$0x1FDA0] =	vst v63;
	v40 =	vadd.f32 v41, v40;
	v41 =	vld [tilespmem:$0x1FD90];
	s15 =	sshll.u32 s26, $0x9  }
0x17a: {  	v50 =	vmul.f32 v50, v0;
	v0 =	vld [tilespmem:$0x1FDA0];
	s26 =	sshra.s32 s15, $0x2  }
0x17b: {  	v54 =	vld [tilespmem:s26+$0x5400]  }
0x17c: {  	v55 =	vld [tilespmem:s26+$0x5410]  }
0x17d: {  	s31 =	sshll.u32 s31, $0x9;
	v16 =	vld [tilespmem:s26+$0x5420]  }
0x17e: {  	s15 =	sshra.s32 s31, $0x2;
	v17 =	vld [tilespmem:s26+$0x5430]  }
0x17f: {  	v61 =	vld [tilespmem:s15+$0x1C00]  }
0x180: {  	v62 =	vld [tilespmem:s15+$0x1C10]  }
0x181: {  	v20 =	vld [tilespmem:s15+$0x1C20]  }
0x182: {  	s29 =	sshll.u32 s29, $0x9;
	[tilespmem:$0x1FDE0] =	vst v7;
	v21 =	vld [tilespmem:s15+$0x1C30]  }
0x183: {  	s26 =	sshra.s32 s29, $0x2;
	v2 =	vadd.f32 v50, v2;
	v50 =	vld [tilespmem:$0x1FDE0]  }
0x184: {  	v56 =	vld [tilespmem:s26+$0x1800]  }
0x185: {  	v57 =	vld [tilespmem:s26+$0x1810]  }
0x186: {  	s28 =	sshll.u32 s28, $0x9;
	v45 =	vld [tilespmem:s26+$0x1820]  }
0x187: {  	s29 =	sshra.s32 s28, $0x2;
	v18 =	vld [tilespmem:s26+$0x1830]  }
0x188: {  	v58 =	vld [tilespmem:s29+$0x5800]  }
0x189: {  	v59 =	vld [tilespmem:s29+$0x5810]  }
0x18a: {  	s31 =	sshll.u32 s24, $0x9;
	v60 =	vld [tilespmem:s29+$0x5820]  }
0x18b: {  	s15 =	sshra.s32 s31, $0x2;
	v19 =	vld [tilespmem:s29+$0x5830]  }
0x18c: {  	v46 =	vld [tilespmem:s15+$0x6020]  }
0x18d: {  	[tilespmem:$0x1FDB0] =	vst v4;
	s26 =	sshll.u32 s30, $0x9;
	v47 =	vld [tilespmem:s15+$0x6030]  }
0x18e: {  	s28 =	sshra.s32 s26, $0x2;
	v41 =	vmul.f32 v36, v41;
	v36 =	vld [tilespmem:$0x1FDB0]  }
0x18f: {  	v63 =	vld [tilespmem:s28+$0x5C00]  }
0x190: {  	[tilespmem:$0x1FE50] =	vst v15;
	v15 =	vld [tilespmem:s28+$0x5C10]  }
0x191: {  	s29 =	sshll.u32 s23, $0x9;
	v33 =	vld [tilespmem:s28+$0x5C20]  }
0x192: {  	s30 =	sshra.s32 s29, $0x2;
	v22 =	vld [tilespmem:s28+$0x5C30]  }
0x193: {  	v29 =	vld [tilespmem:s30+$0x2000]  }
0x194: {  	v30 =	vld [tilespmem:s30+$0x2010]  }
0x195: {  	s23 =	sshll.u32 s21, $0x9;
	v23 =	vld [tilespmem:s30+$0x2020]  }
0x196: {  	s24 =	sshra.s32 s23, $0x2;
	v24 =	vld [tilespmem:s30+$0x2030]  }
0x197: {  	s31 =	sshll.u32 s18, $0x9;
	s18 =	sshll.u32 s13, $0x9;
	v31 =	vld [tilespmem:s24+$0x2420]  }
0x198: {  	v25 =	vld [tilespmem:s24+$0x2430];
	s30 =	sshll.u32 s16, $0x9;
	s16 =	sshll.u32 s9, $0x9;
	s9 =	sshra.s32 s18, $0x2  }
0x199: {  	v3 =	vld [tilespmem:s9+$0x7010]  }
0x19a: {  	s29 =	sshll.u32 s20, $0x9;
	s20 =	sshll.u32 s7, $0x9;
	v14 =	vld [tilespmem:s9+$0x7020]  }
0x19b: {  	s28 =	sshll.u32 s19, $0x9;
	s19 =	sshll.u32 s6, $0x9;
	s6 =	sshra.s32 s20, $0x2;
	v26 =	vld [tilespmem:s9+$0x7030]  }
0x19c: {  	[tilespmem:$0x1FDD0] =	vst v6;
	v40 =	vadd.f32 v41, v40;
	v41 =	vmul.f32 v52, v43;
	v52 =	vmul.f32 v53, v44;
	v44 =	vld [tilespmem:s6+$0x7400]  }
0x19d: {  	v53 =	vld [tilespmem:$0x1FDD0]  }
0x19e: {  	[tilespmem:$0x1FE90] =	vst v20;
	v20 =	vld [tilespmem:s15+$0x6010]  }
0x19f: {  	s0 =	sshra.s32 s28, $0x2;
	[tilespmem:$0x1FE60] =	vst v17;
	v17 =	vld [tilespmem:s24+$0x2400]  }
0x1a0: {  	[tilespmem:$0x1FE40] =	vst v16;
	v16 =	vld [tilespmem:s0+$0x2810]  }
0x1a1: {  	v35 =	vld [tilespmem:s0+$0x2820]  }
0x1a2: {  	v27 =	vld [tilespmem:s0+$0x2830]  }
0x1a3: {  	[tilespmem:$0x1FE10] =	vst v9;
	v38 =	vmul.f32 v55, v38;
	v55 =	vld [tilespmem:$0x1FE50]  }
0x1a4: {  	[tilespmem:$0x1FE80] =	vst v19;
	v19 =	vld [tilespmem:s15+$0x6000]  }
0x1a5: {  	[tilespmem:$0x1FE70] =	vst v18;
	v18 =	vld [tilespmem:s24+$0x2410]  }
0x1a6: {  	[tilespmem:$0x1FE20] =	vst v12;
	s26 =	sshll.u32 s22, $0x9;
	v43 =	vmul.f32 v59, v57;
	v59 =	vld [tilespmem:$0x1FE10]  }
0x1a7: {  	s15 =	sshra.s32 s26, $0x2;
	v57 =	vld [tilespmem:$0x1FE20]  }
0x1a8: {  	v6 =	vld [tilespmem:s15+$0x6400]  }
0x1a9: {  	v7 =	vld [tilespmem:s15+$0x6410]  }
0x1aa: {  	[tilespmem:$0x1FEA0] =	vst v21;
	v21 =	vld [tilespmem:s15+$0x6420]  }
0x1ab: {  	v34 =	vld [tilespmem:s15+$0x6430]  }
0x1ac: {  	s15 =	sshra.s32 s29, $0x2;
	[tilespmem:$0x1FEB0] =	vst v22;
	v22 =	vld [tilespmem:s0+$0x2800]  }
0x1ad: {  	[tilespmem:$0x1FDF0] =	vst v8;
	v8 =	vld [tilespmem:s15+$0x6800]  }
0x1ae: {  	v9 =	vld [tilespmem:s15+$0x6810]  }
0x1af: {  	[tilespmem:$0x1FED0] =	vst v24;
	v24 =	vld [tilespmem:s15+$0x6820]  }
0x1b0: {  	v28 =	vld [tilespmem:s15+$0x6830]  }
0x1b1: {  	s0 =	sshra.s32 s30, $0x2;
	v63 =	vmul.f32 v63, v61;
	v61 =	vld [tilespmem:$0x1FEA0]  }
0x1b2: {  	[tilespmem:$0x1FEE0] =	vst v25;
	v25 =	vld [tilespmem:s0+$0x2C00]  }
0x1b3: {  	[tilespmem:$0x1FEC0] =	vst v23;
	v23 =	vld [tilespmem:s0+$0x2C10]  }
0x1b4: {  	v39 =	vld [tilespmem:s0+$0x2C20]  }
0x1b5: {  	s15 =	sshra.s32 s31, $0x2;
	v32 =	vld [tilespmem:s0+$0x2C30]  }
0x1b6: {  	v42 =	vmul.f32 v42, v48;
	v12 =	vld [tilespmem:s15+$0x6C00]  }
0x1b7: {  	[tilespmem:$0x1FE30] =	vst v13;
	v0 =	vmul.f32 v36, v0;
	v13 =	vld [tilespmem:s15+$0x6C10]  }
0x1b8: {  	v1 =	vadd.f32 v42, v1;
	v42 =	vmul.f32 v50, v53;
	v50 =	vld [tilespmem:s6+$0x7410]  }
0x1b9: {  	[tilespmem:$0x1FE00] =	vst v10;
	v0 =	vadd.f32 v0, v40;
	v40 =	vadd.f32 v52, v41;
	v52 =	vld [tilespmem:$0x1FDF0]  }
0x1ba: {  	v53 =	vld [tilespmem:$0x1FE00]  }
0x1bb: {  	v41 =	vld [tilespmem:s6+$0x7420]  }
0x1bc: {  	v15 =	vmul.f32 v15, v62;
	v62 =	vld [tilespmem:$0x1FEB0]  }
0x1bd: {  	s0 =	sshra.s32 s16, $0x2;
	[tilespmem:$0x1FEF0] =	vst v27;
	v27 =	vld [tilespmem:s15+$0x6C20]  }
0x1be: {  	v10 =	vld [tilespmem:s0+$0x3000]  }
0x1bf: {  	s22 =	sshll.u32 s8, $0x9;
	v5 =	vld [tilespmem:s0+$0x3010]  }
0x1c0: {  	s21 =	sshll.u32 s4, $0x9;
	s4 =	sshra.s32 s22, $0x2;
	v4 =	vld [tilespmem:s0+$0x3030]  }
0x1c1: {  	v20 =	vmul.f32 v20, v30;
	v30 =	vld [tilespmem:s4+$0x7830]  }
0x1c2: {  	v1 =	vadd.f32 v42, v1;
	v42 =	vld [tilespmem:s6+$0x7430]  }
0x1c3: {  	v19 =	vmul.f32 v19, v29;
	v29 =	vld [tilespmem:s4+$0x7820]  }
0x1c4: {  	[tilespmem:$0x1FF00] =	vst v28;
	v28 =	vld [tilespmem:s0+$0x3020]  }
0x1c5: {  	s0 =	sshra.s32 s19, $0x2;
	[tilespmem:$0x1FF10] =	vst v32;
	v32 =	vld [tilespmem:s15+$0x6C30]  }
0x1c6: {  	v11 =	vld [tilespmem:s0+$0x3400]  }
0x1c7: {  	v49 =	vld [tilespmem:s0+$0x3410]  }
0x1c8: {  	v51 =	vld [tilespmem:s0+$0x3420]  }
0x1c9: {  	v48 =	vld [tilespmem:s0+$0x3430]  }
0x1ca: {  	s24 =	sshll.u32 s10, $0x9;
	v36 =	vmul.f32 v53, v52;
	v53 =	vmul.f32 v57, v59;
	v59 =	vld [tilespmem:$0x1FE40]  }
0x1cb: {  	s26 =	sshra.s32 s24, $0x2;
	v57 =	vld [tilespmem:$0x1FEE0]  }
0x1cc: {  	v6 =	vmul.f32 v6, v17;
	v17 =	vmul.f32 v62, v61;
	v62 =	vld [tilespmem:s26+$0x7C10]  }
0x1cd: {  	s0 =	sshra.s32 s21, $0x2;
	[tilespmem:$0x1FF20] =	vst v4;
	v4 =	vld [tilespmem:s9+$0x7000]  }
0x1ce: {  	v52 =	vld [tilespmem:s0+$0x3800]  }
0x1cf: {  	v37 =	vmul.f32 v54, v37;
	v8 =	vmul.f32 v8, v22;
	v54 =	vld [tilespmem:s0+$0x3810]  }
0x1d0: {  	v9 =	vmul.f32 v9, v16;
	v36 =	vadd.f32 v36, v40;
	v40 =	vmul.f32 v58, v56;
	v58 =	vld [tilespmem:$0x1FE30]  }
0x1d1: {  	v60 =	vmul.f32 v60, v45;
	v45 =	vld [tilespmem:s0+$0x3820]  }
0x1d2: {  	v8 =	vadd.f32 v9, v8;
	v9 =	vld [tilespmem:s26+$0x7C30]  }
0x1d3: {  	v56 =	vld [tilespmem:$0x1FE60]  }
0x1d4: {  	v36 =	vadd.f32 v53, v36;
	v53 =	vld [tilespmem:s4+$0x7800]  }
0x1d5: {  	s28 =	sshll.u32 s14, $0x9;
	v37 =	vadd.f32 v38, v37;
	v7 =	vmul.f32 v7, v18;
	v38 =	vmul.f32 v59, v58;
	v58 =	vld [tilespmem:$0x1FE70]  }
0x1d6: {  	s29 =	sshra.s32 s28, $0x2;
	v40 =	vadd.f32 v43, v40;
	v59 =	vld [tilespmem:$0x1FE80]  }
0x1d7: {  	v6 =	vadd.f32 v7, v6;
	v7 =	vmul.f32 v34, v57;
	v34 =	vld [tilespmem:s29+$0x4000]  }
0x1d8: {  	s23 =	sshll.u32 s5, $0x9;
	v40 =	vadd.f32 v60, v40;
	v60 =	vld [tilespmem:$0x1FE90]  }
0x1d9: {  	v55 =	vmul.f32 v56, v55;
	v56 =	vld [tilespmem:s0+$0x3830];
	s0 =	sshra.s32 s23, $0x2  }
0x1da: {  	v15 =	vadd.f32 v15, v63;
	v63 =	vadd.f32 v20, v19;
	v20 =	vld [tilespmem:s0+$0x3C00]  }
0x1db: {  	v16 =	vld [tilespmem:s0+$0x3C20];
	v43 =	vmul.f32 v59, v58  }
0x1dc: {  	s30 =	sshll.u32 s17, $0x9;
	v37 =	vadd.f32 v38, v37;
	v38 =	vld [tilespmem:s4+$0x7810]  }
0x1dd: {  	s4 =	sshra.s32 s30, $0x2;
	v40 =	vadd.f32 v43, v40;
	v43 =	vld [tilespmem:$0x1FEC0]  }
0x1de: {  	v27 =	vmul.f32 v27, v39;
	v39 =	vmul.f32 v44, v11;
	v44 =	vld [tilespmem:s4+$0x8000]  }
0x1df: {  	v57 =	vld [tilespmem:s4+$0x8020]  }
0x1e0: {  	v33 =	vmul.f32 v33, v60;
	v60 =	vmul.f32 v12, v25;
	v25 =	vld [tilespmem:$0x1FF00]  }
0x1e1: {  	v37 =	vadd.f32 v55, v37;
	v55 =	vmul.f32 v21, v31;
	v31 =	vld [tilespmem:$0x1FF10]  }
0x1e2: {  	v3 =	vmul.f32 v3, v5;
	v19 =	vmul.f32 v46, v43;
	v46 =	vld [tilespmem:$0x1FED0]  }
0x1e3: {  	v4 =	vmul.f32 v4, v10;
	v58 =	vmul.f32 v24, v35;
	v24 =	vld [tilespmem:$0x1FEF0]  }
0x1e4: {  	v61 =	vmul.f32 v13, v23;
	v21 =	vld [tilespmem:s0+$0x3C10];
	v6 =	vadd.f32 v55, v6  }
0x1e5: {  	v3 =	vadd.f32 v3, v4;
	v52 =	vmul.f32 v53, v52;
	v59 =	vld [tilespmem:s26+$0x7C00];
	v15 =	vadd.f32 v33, v15  }
0x1e6: {  	(xrf2) =	vadd.scan.msk.f32 $0xffff, v2;
	v8 =	vadd.f32 v58, v8;
	v53 =	vmul.f32 v38, v54;
	v54 =	vld [tilespmem:s29+$0x4020];
	v6 =	vadd.f32 v7, v6  }
0x1e7: {  	(xrf2) =	vadd.scan.msk.f32 $0xffff, v0;
	v7 =	vadd.f32 v61, v60;
	v60 =	vmul.f32 v29, v45;
	v33 =	vmul.f32 v47, v46;
	v46 =	vld [tilespmem:$0x1FF20]  }
0x1e8: {  	(xrf2) =	vadd.scan.msk.f32 $0xffff, v1;
	v58 =	vld [tilespmem:s29+$0x4030];
	v0 =	vmul.f32 v32, v31;
	v2 =	vmul.f32 v25, v24;
	v18 =	vadd.f32 v19, v63  }
0x1e9: {  	(xrf2) =	vadd.scan.msk.f32 $0xffff, v36;
	v15 =	vadd.f32 v17, v15;
	v43 =	vmul.f32 v50, v49;
	v50 =	vmul.f32 v41, v51;
	v51 =	vld [tilespmem:s4+$0x8010]  }
0x1ea: {  	(xrf2) =	vadd.scan.msk.f32 $0xffff, v37;
	v35 =	vadd.f32 v27, v7;
	v63 =	vld [tilespmem:s26+$0x7C20];
	v17 =	vadd.f32 v33, v18;
	v33 =	vmul.f32 v14, v28  }
0x1eb: {  	v13 =	vmul.f32 v62, v21;
	v55 =	vmul.f32 v59, v20;
	v2 =	vadd.f32 v2, v8;
	v47 =	vld [tilespmem:s29+$0x4010]  }
0x1ec: {  	(xrf2) =	vadd.scan.msk.f32 $0xffff, v40;
	v0 =	vadd.f32 v0, v35;
	v19 =	vld [tilespmem:s0+$0x3C30];
	v3 =	vadd.f32 v33, v3;
	v4 =	vmul.f32 v26, v46  }
0x1ed: {  	v61 =	vld [tilespmem:s4+$0x8030];
	v62 =	vmul.f32 v30, v56;
	(xrf2) =	vadd.scan.msk.f32 $0xffff, v15;
	v7 =	vadd.f32 v13, v55;
	v49 =	vadd.f32 v43, v39  }
0x1ee: {  	v59 =	vmul.f32 v42, v48;
	(xrf2) =	vadd.scan.msk.f32 $0xffff, v17;
	v3 =	vadd.f32 v4, v3;
	v4 =	vadd.f32 v53, v52  }
0x1ef: {  	v13 =	vmul.f32 v44, v34;
	v1 =	vadd.f32 v50, v49;
	v5 =	vmul.f32 v63, v16;
	(xrf2) =	vadd.scan.msk.f32 $0xffff, v6  }
0x1f0: {  	v24 =	vmul.f32 v57, v54;
	v14, _, _ =	vpop (xrf2);
	v33 =	vld [tilespmem:$0x1FF30];
	v8 =	vmul.f32 v51, v47;
	(xrf2) =	vadd.scan.msk.f32 $0xffff, v2;
	v63 =	vadd.f32 v60, v4  }
0x1f1: {  	v36 =	vld [tilespmem:$0x1FF40];
	v16 =	vadd.f32 v59, v1;
	v19 =	vmul.f32 v9, v19;
	v21, _, _ =	vpop (xrf2);
	v17 =	vadd.f32 v5, v7;
	(xrf2) =	vadd.scan.msk.f32 $0xffff, v0  }
0x1f2: {  	v37 =	vld [tilespmem:$0x1FF50];
	v29 =	vmul.f32 v61, v58;
	v25, _, _ =	vpop (xrf2);
	v23 =	vadd.f32 v8, v13;
	(xrf2) =	vadd.scan.msk.f32 $0xffff, v3;
	v2 =	vadd.f32 v62, v63  }
0x1f3: {  	v40 =	vld [tilespmem:$0x1FF60];
	v7 =	vbroadcast v21, $0xF;
	v26 =	vbroadcast v14, $0xF;
	v27, _, _ =	vpop (xrf2);
	v1 =	vadd.f32 v19, v17;
	(xrf2) =	vadd.scan.msk.f32 $0xffff, v16  }
0x1f4: {  	v43 =	vld [tilespmem:$0x1FF70];
	v30 =	vbroadcast v25, $0xF;
	v5 =	vbroadcast v27, $0xF;
	v31, _, _ =	vpop (xrf2);
	v28 =	vadd.f32 v24, v23;
	(xrf2) =	vadd.scan.msk.f32 $0xffff, v2  }
0x1f5: {  	v45 =	vld [tilespmem:$0x1FF80];
	v0 =	vsel vm0, v26, v7;
	v34 =	vbroadcast v31, $0xF;
	vm14 =	vnez.u8 v33;
	(xrf2) =	vadd.scan.msk.f32 $0xffff, v1  }
0x1f6: {  	v48 =	vld [tilespmem:$0x1FF90];
	v32, _, _ =	vpop (xrf2);
	v0 =	vsel vm14, v0, v30;
	vm14 =	vnez.u8 v36;
	v2 =	vadd.f32 v29, v28  }
0x1f7: {  	v51 =	vld [tilespmem:$0x1FFA0];
	v35, _, _ =	vpop (xrf2);
	v0 =	vsel vm14, v0, v5;
	vm14 =	vnez.u8 v37;
	v1 =	vbroadcast v32, $0xF  }
0x1f8: {  	v54 =	vld [tilespmem:$0x1FFB0];
	v3 =	vbroadcast v35, $0xF;
	v0 =	vsel vm14, v0, v34;
	vm14 =	vnez.u8 v40;
	v38, _, _ =	vpop (xrf2);
	(xrf2) =	vadd.scan.msk.f32 $0xffff, v2  }
0x1f9: {  	v57 =	vld [tilespmem:$0x1FFC0];
	v39, _, _ =	vpop (xrf2);
	v41 =	vbroadcast v38, $0xF;
	v0 =	vsel vm14, v0, v1;
	vm14 =	vnez.u8 v43  }
0x1fa: {  	v59 =	vld [tilespmem:$0x1FFD0];
	v42, _, _ =	vpop (xrf2);
	v2 =	vbroadcast v39, $0xF;
	v0 =	vsel vm14, v0, v3;
	vm14 =	vnez.u8 v45  }
0x1fb: {  	v61 =	vld [tilespmem:$0x1FFE0];
	v44, _, _ =	vpop (xrf2);
	v46 =	vbroadcast v42, $0xF;
	v0 =	vsel vm14, v0, v41;
	vm14 =	vnez.u8 v48  }
0x1fc: {  	v62 =	vld [tilespmem:$0x1FFF0];
	v49 =	vbroadcast v44, $0xF;
	v47, _, _ =	vpop (xrf2);
	v0 =	vsel vm14, v0, v2;
	vm14 =	vnez.u8 v51  }
0x1fd: {  	v50, _, _ =	vpop (xrf2);
	v0 =	vsel vm14, v0, v46;
	v52 =	vbroadcast v47, $0xF;
	vm14 =	vnez.u8 v54  }
0x1fe: {  	v0 =	vsel vm14, v0, v49;
	v55 =	vbroadcast v50, $0xF;
	vm14 =	vnez.u8 v57;
	v53, _, _ =	vpop (xrf2)  }
0x1ff: {  	p0 =	sne.s32 s25, $0x7C0;
	v0 =	vsel vm14, v0, v52;
	vm14 =	vnez.u8 v59;
	v56, _, _ =	vpop (xrf2);
	v58 =	vbroadcast v53, $0xF  }
.Ltmp0:
0x200: {  	v0 =	vsel vm14, v0, v55;
	vm14 =	vnez.u8 v61;
	v60 =	vbroadcast v56, $0xF;
	(pc) =	sbr.rel @p0 .LBB2_2-.Ltmp0, $4  }
0x201: {  	s31 =	sld [smem:$0x7F3];
	v0 =	vsel vm14, v0, v58;
	vm14 =	vnez.u8 v62  }
0x202: {  	v63, _, _ =	vpop (xrf2);
	v0 =	vsel vm14, v0, v60  }
0x203: {  	v0 =	vsel vm15, v0, v63  }
0x204: {  	s25 =	sadd.s32 $0x40, s25;
	[tilespmem:s31+$0x8400] =	vst v0  }
0x205: {  	s0 =	sld [smem:$0x7F8];
	_ =	sdelay $0x1  }
0x206: {  	s4 =	simm.s32 $0x8400  }
0x207: {  	[hbm4b:s0+s1] =	stream.linear.scatter [tilespmem:s4], [sflag:$0x3], $0x200, $0x38;
	[tilespmem:$0x8600] =	vst v63  }
0x208: {  	s4 =	simm.s32 $0x3  }
0x209: {  	_ =	swait.ge [sflag:s4], $0x200  }
0x20a: {  	s5 =	sld [smem:$0x7F4]  }
0x20b: {  	s31 =	sld [smem:$0x7FA];
	_ =	sdelay $0x1  }
0x20c: {  	s5 =	sadd.s32 $0x1, s5  }
0x20d: {  	p0 =	sne.s32 s5, s31  }
.Ltmp1:
0x20e: {  	_ = 	snop;
	(pc) =	sbr.rel @p0 .LBB2_1-.Ltmp1, $3  }
0x20f: {  	_ =	sdelay $0x1  }
0x210: {  	[sflag:s4] =	ssyncset.done $0x0  }
0x211: {  	[sflag:s4] =	ssyncadd.s32 $0xFFFFFE00  }
0x212: {  	_ =	sfence.sel $0x180000  }
0x213: {  	[bflag:$0x0] =	sbarrier.arrive $0xFFFF  }
0x214: {  	_ =	strace $0x90000047  }
0x215: {  	s0 =	stileid.u32;
	[bflag:$0x2] =	sbarrier.arrive $0xFFFF  }
0x216: {  	p0 =	sne.s32 s0, $0x0;
	s0 =	rddreg [dreg:$0x4]  }
0x217: {  	s0 =	sadd.s32 @!p0 $0x100000, s0  }
0x218: {  	[sflag:s0] =	ssyncadd.tile.s32 @!p0 $0x1;
	_ =	shalt  }
.Lfunc_end2:
_tile_overlayer_lowered:
.L_overlay_start_2:
0x219: {  	(tag) =	ssettag $0x2  }
0x21a: {  	s0 =	rddreg [dreg:$0x0];
	s2 =	stileid.u32  }
0x21b: {  	s1 =	rddreg [dreg:$0x1];
	p0 =	sne.s32 s2, $0x0  }
0x21c: {  	s3 =	rddreg [dreg:$0x2];
	[bflag:$0x3] =	sbarrier.arrive $0xFFFF;
	s2 =	simm.s32 @!p0 $0x1C03  }
0x21d: {  	[timem:s3], [sflag:s2] =	dma.local @!p0 [hbm:s0], s1  }
0x21e: {  	s0 =	simm.s32 @!p0 $0x3  }
0x21f: {  	_ =	swait.ge @!p0 [sflag:s0], s1  }
0x220: {  	s1 =	ssub.s32 @!p0 $0x0, s1;
	[sflag:s0] =	ssyncset.done @!p0 $0x0  }
0x221: {  	[sflag:s0] =	ssyncadd.s32 @!p0 s1  }
0x222: {  	[bflag:$0x3] =	sbarrier.arrive $0xFFFF  }
0x223: {  	_ =	shalt  }

</sc_bundles>
